<compile_context>
chip_gen: v7x
topology: tpu7x:2x2x1
jax: 0.10.2.dev20260603
libtpu: 0.0.44.dev20260713+nightly
codegen_flags: <defaults>
</compile_context>

<pallas_src>
import functools

import jax
import jax.numpy as jnp
from jax import lax
from jax.experimental import pallas as pl
from jax.experimental.pallas import tpu as pltpu
from jax.experimental.pallas import tpu_sc as plsc

_TILE = 512
_BLK = 128
_K = 2


def _router_body(x_ref, wg_ref, pos_ref, gw_ref,
                 exp_ref, xgi_ref, valid_ref):
    x = x_ref[...]
    wg = wg_ref[...]
    logits = lax.dot_general(x, wg, (((1,), (1,)), ((), ())),
                             preferred_element_type=jnp.float32)
    s, e = logits.shape
    eio = lax.broadcasted_iota(jnp.int32, (s, e), 1)
    m1 = jnp.max(logits, axis=1, keepdims=True)
    i1 = jnp.min(jnp.where(logits == m1, eio, e), axis=1, keepdims=True)
    l2 = jnp.where(eio == i1, -jnp.inf, logits)
    m2 = jnp.max(l2, axis=1, keepdims=True)
    i2 = jnp.min(jnp.where(l2 == m2, eio, e), axis=1, keepdims=True)
    w1 = 1.0 / (1.0 + jnp.exp(m2 - m1))

    oh0 = (eio == i1).astype(jnp.float32)
    oh1 = (eio == i2).astype(jnp.float32)
    oh = oh0 + oh1

    rio = lax.broadcasted_iota(jnp.int32, (_BLK, _BLK), 0)
    cio = lax.broadcasted_iota(jnp.int32, (_BLK, _BLK), 1)
    tri = (cio < rio).astype(jnp.float32)
    nblk = s // _BLK
    c_blocks = []
    running = jnp.zeros((1, e), jnp.int32)
    for b in range(nblk):
        rb = oh[b * _BLK:(b + 1) * _BLK, :]
        cb = lax.dot_general(tri, rb, (((1,), (0,)), ((), ())),
                             preferred_element_type=jnp.float32)
        c_blocks.append(cb.astype(jnp.int32) + running)
        running = running + jnp.sum(rb, axis=0, keepdims=True).astype(jnp.int32)
    c = jnp.concatenate(c_blocks, axis=0)

    cnts = [jnp.sum(oh[:, j:j + 1]).astype(jnp.int32) for j in range(e)]
    po = [jnp.int32(0)]
    ct = [jnp.int32(0)]
    for j in range(e):
        ntile_j = (cnts[j] + (_TILE - 1)) // _TILE
        po.append(po[j] + ntile_j * _TILE)
        ct.append(ct[j] + ntile_j)

    po_vec = jnp.concatenate(
        [jnp.zeros((1, 1), jnp.int32) + po[j] for j in range(e)], axis=1)
    p = c + po_vec
    oh0i = oh0.astype(jnp.int32)
    oh1i = oh1.astype(jnp.int32)
    pos0 = jnp.sum(oh0i * p, axis=1, keepdims=True)
    pos1 = jnp.sum(oh1i * p, axis=1, keepdims=True)

    pos_ref[...] = jnp.where(eio == 0, pos0, jnp.where(eio == 1, pos1, 0))
    lio = lax.broadcasted_iota(jnp.int32, (s, 2 * 16), 1)
    gw_ref[...] = jnp.where(lio < 16, w1, 1.0 - w1)

    nt_max = exp_ref.shape[0]
    last = jnp.maximum(ct[e] - 1, 0)
    for i in range(nt_max):
        ii = jnp.minimum(jnp.int32(i), last)
        ex = jnp.int32(0)
        for j in range(1, e):
            ex = ex + (ct[j] <= ii).astype(jnp.int32)
        exp_ref[i] = ex
        xgi_ref[i] = ii
        valid_ref[i] = (jnp.int32(i) < ct[e]).astype(jnp.int32)


def _run_router(x, gate_weight):
    s, _ = x.shape
    e = gate_weight.shape[0]
    nt_max = (s * _K) // _TILE + e - 1
    smem_spec = pl.BlockSpec(memory_space=pltpu.SMEM)
    return pl.pallas_call(
        _router_body,
        out_shape=(
            jax.ShapeDtypeStruct((s, e), jnp.int32),
            jax.ShapeDtypeStruct((s, 32), jnp.float32),
            jax.ShapeDtypeStruct((nt_max,), jnp.int32),
            jax.ShapeDtypeStruct((nt_max,), jnp.int32),
            jax.ShapeDtypeStruct((nt_max,), jnp.int32),
        ),
        out_specs=(pl.BlockSpec(), pl.BlockSpec(),
                   smem_spec, smem_spec, smem_spec),
    )(x, gate_weight)


def _split_pos(pos_v, idx0_v, idx1_v, per, nl, e):
    for ch in range(per // nl):
        flat = (lax.iota(jnp.int32, nl) + ch * nl) * e
        sl = pl.ds(ch * nl, nl)
        idx0_v[sl] = plsc.load_gather(pos_v, [flat])
        idx1_v[sl] = plsc.load_gather(pos_v, [flat + 1])


def _make_sc_dispatch(n_tok, d, e, n_pad):
    info = plsc.get_sparse_core_info()
    nw = info.num_cores * info.num_subcores
    per = n_tok // nw
    mesh = plsc.VectorSubcoreMesh(core_axis_name="c", subcore_axis_name="s")

    @functools.partial(
        pl.kernel,
        out_type=jax.ShapeDtypeStruct((n_pad, d), jnp.float32),
        mesh=mesh,
        compiler_params=pltpu.CompilerParams(needs_layout_passes=False),
        scratch_types=[
            pltpu.VMEM((per * e,), jnp.int32),
            pltpu.VMEM((per,), jnp.int32),
            pltpu.VMEM((per,), jnp.int32),
            pltpu.VMEM((per, d), jnp.float32),
            pltpu.SemaphoreType.DMA,
        ],
    )
    def k(x_hbm, pos_hbm, xg_hbm, pos_v, idx0_v, idx1_v, xloc_v, sem):
        wid = lax.axis_index("s") * info.num_cores + lax.axis_index("c")
        base = wid * per
        pltpu.sync_copy(x_hbm.at[pl.ds(base, per)], xloc_v)
        pltpu.sync_copy(pos_hbm.at[pl.ds(base * e, per * e)], pos_v)
        _split_pos(pos_v, idx0_v, idx1_v, per, info.num_lanes, e)
        cp0 = pltpu.async_copy(xloc_v, xg_hbm.at[idx0_v], sem)
        cp1 = pltpu.async_copy(xloc_v, xg_hbm.at[idx1_v], sem)
        cp0.wait()
        cp1.wait()

    return k


def _make_sc_combine(n_tok, d, e):
    info = plsc.get_sparse_core_info()
    nl = info.num_lanes
    nw = info.num_cores * info.num_subcores
    per = n_tok // nw
    mesh = plsc.VectorSubcoreMesh(core_axis_name="c", subcore_axis_name="s")

    @functools.partial(
        pl.kernel,
        out_type=jax.ShapeDtypeStruct((n_tok, d), jnp.float32),
        mesh=mesh,
        compiler_params=pltpu.CompilerParams(needs_layout_passes=False),
        scratch_types=[
            pltpu.VMEM((per * e,), jnp.int32),
            pltpu.VMEM((per,), jnp.int32),
            pltpu.VMEM((per,), jnp.int32),
            pltpu.VMEM((per, 2 * nl), jnp.float32),
            pltpu.VMEM((per, d), jnp.float32),
            pltpu.VMEM((per, d), jnp.float32),
            pltpu.SemaphoreType.DMA,
        ],
    )
    def k(h_hbm, pos_hbm, gw_hbm, out_hbm,
          pos_v, idx0_v, idx1_v, gw_v, rows0_v, rows1_v, sem):
        wid = lax.axis_index("s") * info.num_cores + lax.axis_index("c")
        base = wid * per
        pltpu.sync_copy(pos_hbm.at[pl.ds(base * e, per * e)], pos_v)
        _split_pos(pos_v, idx0_v, idx1_v, per, nl, e)
        cp0 = pltpu.async_copy(h_hbm.at[idx0_v], rows0_v, sem)
        cp1 = pltpu.async_copy(h_hbm.at[idx1_v], rows1_v, sem)
        pltpu.sync_copy(gw_hbm.at[pl.ds(base, per)], gw_v)
        cp0.wait()
        cp1.wait()

        def body(i, carry):
            g0 = gw_v[i, pl.ds(0, nl)]
            g1 = gw_v[i, pl.ds(nl, nl)]
            for cch in range(d // nl):
                sl = pl.ds(cch * nl, nl)
                rows0_v[i, sl] = rows0_v[i, sl] * g0 + rows1_v[i, sl] * g1
            return carry

        lax.fori_loop(0, per, body, 0)
        pltpu.sync_copy(rows0_v, out_hbm.at[pl.ds(base, per)])

    return k


def _gelu_exact(a):
    return 0.5 * a * (1.0 + lax.erf(a * 0.7071067811865476))


def _ffn_body(exp_ref, xgi_ref, valid_ref,
              xg_ref, fc_ref, proj_ref, h_ref):
    p = pl.program_id(0)

    @pl.when(valid_ref[p] == 1)
    def _():
        x = xg_ref[...].astype(jnp.bfloat16)
        a = lax.dot_general(x, fc_ref[0].astype(jnp.bfloat16),
                            (((1,), (1,)), ((), ())),
                            preferred_element_type=jnp.float32)
        g = _gelu_exact(a).astype(jnp.bfloat16)
        h_ref[...] = lax.dot_general(g, proj_ref[0].astype(jnp.bfloat16),
                                     (((1,), (1,)), ((), ())),
                                     preferred_element_type=jnp.float32)


def _run_ffn(tile_exp, tile_xgi, tile_valid, xg, c_fc_weight, c_proj_weight):
    n_rows, d = xg.shape
    e, dff, _ = c_fc_weight.shape
    nt_max = tile_exp.shape[0]
    grid_spec = pltpu.PrefetchScalarGridSpec(
        num_scalar_prefetch=3,
        grid=(nt_max,),
        in_specs=[
            pl.BlockSpec((_TILE, d), lambda p, er, xr, vr: (xr[p], 0)),
            pl.BlockSpec((1, dff, d), lambda p, er, xr, vr: (er[p], 0, 0)),
            pl.BlockSpec((1, d, dff), lambda p, er, xr, vr: (er[p], 0, 0)),
        ],
        out_specs=pl.BlockSpec((_TILE, d), lambda p, er, xr, vr: (xr[p], 0)),
    )
    return pl.pallas_call(
        _ffn_body,
        grid_spec=grid_spec,
        out_shape=jax.ShapeDtypeStruct((n_rows, d), jnp.float32),
        compiler_params=pltpu.CompilerParams(
            dimension_semantics=("arbitrary",)),
    )(tile_exp, tile_xgi, tile_valid, xg, c_fc_weight, c_proj_weight)


def kernel(hidden_states, gate_weight, c_fc_weight, c_proj_weight):
    b, s, d = hidden_states.shape
    e, dff, _ = c_fc_weight.shape
    x = hidden_states.reshape(-1, d)
    n_tok = x.shape[0]
    n_rows = n_tok * _K
    nt = n_rows // _TILE

    pos8, gw, tile_exp, tile_xgi, tile_valid = _run_router(x, gate_weight)

    nt_max = tile_exp.shape[0]
    n_pad = nt_max * _TILE
    pos_flat = pos8.reshape(-1)
    xg = _make_sc_dispatch(n_tok, d, e, n_pad)(x, pos_flat)
    h = _run_ffn(tile_exp, tile_xgi, tile_valid, xg, c_fc_weight, c_proj_weight)
    out = _make_sc_combine(n_tok, d, e)(h, pos_flat, gw)
    return out.reshape(b, s, d)

# --- scband reference (transcript-rebuilt; emitter-appended) ---
"""Pipeline reference for scband-mo-e-22883585753530 (READ-ONLY COPY).

The authoritative reference and input builder live on the scoring server;
editing this copy changes nothing except your own understanding.
"""

import jax, jax.numpy as jnp
import numpy as np

E = 8
K = 2
D = 768
DFF = 1536
B = 1
S = 2048
STD = 0.02
STD_PROJ = 0.02 / np.sqrt(2 * 24)


def setup_inputs(seed: int = 0) -> dict:
    key = jax.random.key(seed)
    k1, k2, k3, k4 = jax.random.split(key, 4)
    hidden_states = jax.random.normal(k1, (B, S, D), dtype=jnp.float32)
    gate_weight = jax.random.normal(k2, (E, D), dtype=jnp.float32) * STD
    c_fc_weight = jax.random.normal(k3, (E, DFF, D), dtype=jnp.float32) * STD
    c_proj_weight = jax.random.normal(k4, (E, D, DFF), dtype=jnp.float32) * STD_PROJ
    return {
        "hidden_states": hidden_states,
        "gate_weight": gate_weight,
        "c_fc_weight": c_fc_weight,
        "c_proj_weight": c_proj_weight,
    }


def reference(hidden_states, gate_weight, c_fc_weight, c_proj_weight):
    b, s, d = hidden_states.shape
    x = hidden_states.reshape(-1, d)
    total_q = x.shape[0]
    # routing
    router_logits = x @ gate_weight.T
    router_weights, selected_experts = jax.lax.top_k(router_logits, K)
    router_weights = jax.nn.softmax(router_weights.astype(jnp.float32), axis=-1).astype(x.dtype)
    # expert assignment (sort tokens by expert id)
    sel_flat = selected_experts.reshape(-1)
    index_sorted_experts = jnp.argsort(sel_flat, stable=True)
    batch_index = index_sorted_experts // K
    batch_gates = router_weights.reshape(-1)[index_sorted_experts]
    # gather tokens (duplicated per selected expert)
    xg = x[batch_index]
    # per-expert GEMMs with fixed-shape masked selection per sorted row
    sel_sorted = sel_flat[index_sorted_experts]
    h = jnp.zeros((xg.shape[0], d), dtype=x.dtype)
    for e in range(E):
        he = xg @ c_fc_weight[e].T
        he = jax.nn.gelu(he, approximate=False)
        he = he @ c_proj_weight[e].T
        h = jnp.where((sel_sorted == e)[:, None], he, h)
    h = h * batch_gates[:, None]
    out = jnp.zeros((total_q, d), dtype=h.dtype).at[batch_index].add(h)
    return out.reshape(b, s, d)

if __name__ == "__main__":
    import jax
    _d = setup_inputs()
    print(jax.jit(kernel)(*tuple(_d.values())))

</pallas_src>

<mosaic_0001>
#map = affine_map<(d0, d1) -> (0, 0)>
#map1 = affine_map<(d0, d1) -> (0)>
module attributes {stable_mosaic.version = 14 : i64} {
  func.func @k(%arg0: i32, %arg1: i32, %arg2: memref<2048x768xf32, #tpu.memory_space<hbm>>, %arg3: memref<16384xi32, #tpu.memory_space<hbm>>, %arg4: memref<7680x768xf32, #tpu.memory_space<hbm>>, %arg5: memref<512xi32, #tpu.memory_space<vmem>>, %arg6: memref<64xi32, #tpu.memory_space<vmem>>, %arg7: memref<64xi32, #tpu.memory_space<vmem>>, %arg8: memref<64x768xf32, #tpu.memory_space<vmem>>, %arg9: memref<!tpu.dma_semaphore, #tpu.memory_space<semaphore_mem>>) attributes {dimension_semantics = [#tpu.dimension_semantics<core_parallel>, #tpu.dimension_semantics<subcore_parallel>], iteration_bounds = array<i64: 2, 16>, scalar_prefetch = 0 : i64, scratch_operands = 5 : i64, tpu.core_type = #tpu.core_type<sc_vector_subcore>, window_params = [{transform_indices = #map}, {transform_indices = #map1}, {transform_indices = #map}]} {
    %mul3A = arith.constant 2 : i32
    %mul3A_0 = arith.muli %arg1, %mul3A : i32
    %add3A = arith.addi %mul3A_0, %arg0 : i32
    %mul3A_1 = arith.constant 64 : i32
    %mul3A_2 = arith.muli %add3A, %mul3A_1 : i32
    "tpu.region"() ({
      %run_scoped3A = tpu.sem_alloc : memref<!tpu.dma_semaphore, #tpu.memory_space<semaphore_mem>>
      %dma_start3A_76 = arith.constant 0 : i32
      %dma_start3A_77 = tpu.memref_slice %arg2[%mul3A_2, %dma_start3A_76] : memref<2048x768xf32, #tpu.memory_space<hbm>> -> memref<64x768xf32, #tpu.memory_space<hbm>>
      %dma_start3A_78 = arith.constant 0 : i32
      %dma_start3A_79 = tpu.memref_slice %arg2[%mul3A_2, %dma_start3A_78] : memref<2048x768xf32, #tpu.memory_space<hbm>> -> memref<64x768xf32, #tpu.memory_space<hbm>>
      tpu.enqueue_dma source(%dma_start3A_79 : memref<64x768xf32, #tpu.memory_space<hbm>>) target(%arg8 : memref<64x768xf32, #tpu.memory_space<vmem>>) target_semaphore(%run_scoped3A : memref<!tpu.dma_semaphore, #tpu.memory_space<semaphore_mem>>)
      %dma_wait3A_80 = arith.constant 0 : i32
      %dma_wait3A_81 = tpu.memref_slice %arg2[%mul3A_2, %dma_wait3A_80] : memref<2048x768xf32, #tpu.memory_space<hbm>> -> memref<64x768xf32, #tpu.memory_space<hbm>>
      %dma_wait3A_82 = arith.constant 0 : i32
      %dma_wait3A_83 = tpu.memref_slice %arg2[%mul3A_2, %dma_wait3A_82] : memref<2048x768xf32, #tpu.memory_space<hbm>> -> memref<64x768xf32, #tpu.memory_space<hbm>>
      tpu.wait_dma2 semaphore(%run_scoped3A : memref<!tpu.dma_semaphore, #tpu.memory_space<semaphore_mem>>) src(%dma_wait3A_83 : memref<64x768xf32, #tpu.memory_space<hbm>>) dst(%arg8 : memref<64x768xf32, #tpu.memory_space<vmem>>)
      tpu.yield
    }) : () -> ()
    %mul3A_3 = arith.constant 8 : i32
    %mul3A_4 = arith.muli %mul3A_2, %mul3A_3 : i32
    "tpu.region"() ({
      %run_scoped3A = tpu.sem_alloc : memref<!tpu.dma_semaphore, #tpu.memory_space<semaphore_mem>>
      %dma_start3A_76 = tpu.memref_slice %arg3[%mul3A_4] : memref<16384xi32, #tpu.memory_space<hbm>> -> memref<512xi32, #tpu.memory_space<hbm>>
      %dma_start3A_77 = tpu.memref_slice %arg3[%mul3A_4] : memref<16384xi32, #tpu.memory_space<hbm>> -> memref<512xi32, #tpu.memory_space<hbm>>
      tpu.enqueue_dma source(%dma_start3A_77 : memref<512xi32, #tpu.memory_space<hbm>>) target(%arg5 : memref<512xi32, #tpu.memory_space<vmem>>) target_semaphore(%run_scoped3A : memref<!tpu.dma_semaphore, #tpu.memory_space<semaphore_mem>>)
      %dma_wait3A_78 = tpu.memref_slice %arg3[%mul3A_4] : memref<16384xi32, #tpu.memory_space<hbm>> -> memref<512xi32, #tpu.memory_space<hbm>>
      %dma_wait3A_79 = tpu.memref_slice %arg3[%mul3A_4] : memref<16384xi32, #tpu.memory_space<hbm>> -> memref<512xi32, #tpu.memory_space<hbm>>
      tpu.wait_dma2 semaphore(%run_scoped3A : memref<!tpu.dma_semaphore, #tpu.memory_space<semaphore_mem>>) src(%dma_wait3A_79 : memref<512xi32, #tpu.memory_space<hbm>>) dst(%arg5 : memref<512xi32, #tpu.memory_space<vmem>>)
      tpu.yield
    }) : () -> ()
    %iota3A = tpu.iota {dimensions = array<i32: 0>} : vector<16xi32>
    %add3A_5 = arith.constant 0 : i32
    %add3A_6 = vector.broadcast %add3A_5 : i32 to vector<16xi32>
    %add3A_7 = arith.addi %iota3A, %add3A_6 : vector<16xi32>
    %mul3A_8 = arith.constant 8 : i32
    %mul3A_9 = vector.broadcast %mul3A_8 : i32 to vector<16xi32>
    %mul3A_10 = arith.muli %add3A_7, %mul3A_9 : vector<16xi32>
    %gather3A = tpu.vector_load_idx %arg5[%mul3A_10] : memref<512xi32, #tpu.memory_space<vmem>>[vector<16xi32>], vector<16xi32>,
    %swap3A = arith.constant 0 : index
    %swap3A_11 = tpu.vector_load %arg6[%swap3A] {strides = array<i32>} : memref<64xi32, #tpu.memory_space<vmem>>, vector<16xi32>,
    tpu.vector_store %arg6[%swap3A], %gather3A {strides = array<i32>} : memref<64xi32, #tpu.memory_space<vmem>>, vector<16xi32>,
    %add3A_12 = arith.constant 1 : i32
    %add3A_13 = vector.broadcast %add3A_12 : i32 to vector<16xi32>
    %add3A_14 = arith.addi %mul3A_10, %add3A_13 : vector<16xi32>
    %gather3A_15 = tpu.vector_load_idx %arg5[%add3A_14] : memref<512xi32, #tpu.memory_space<vmem>>[vector<16xi32>], vector<16xi32>,
    %swap3A_16 = arith.constant 0 : index
    %swap3A_17 = tpu.vector_load %arg7[%swap3A_16] {strides = array<i32>} : memref<64xi32, #tpu.memory_space<vmem>>, vector<16xi32>,
    tpu.vector_store %arg7[%swap3A_16], %gather3A_15 {strides = array<i32>} : memref<64xi32, #tpu.memory_space<vmem>>, vector<16xi32>,
    %iota3A_18 = tpu.iota {dimensions = array<i32: 0>} : vector<16xi32>
    %add3A_19 = arith.constant 16 : i32
    %add3A_20 = vector.broadcast %add3A_19 : i32 to vector<16xi32>
    %add3A_21 = arith.addi %iota3A_18, %add3A_20 : vector<16xi32>
    %mul3A_22 = arith.constant 8 : i32
    %mul3A_23 = vector.broadcast %mul3A_22 : i32 to vector<16xi32>
    %mul3A_24 = arith.muli %add3A_21, %mul3A_23 : vector<16xi32>
    %gather3A_25 = tpu.vector_load_idx %arg5[%mul3A_24] : memref<512xi32, #tpu.memory_space<vmem>>[vector<16xi32>], vector<16xi32>,
    %swap3A_26 = arith.constant 16 : index
    %swap3A_27 = tpu.vector_load %arg6[%swap3A_26] {strides = array<i32>} : memref<64xi32, #tpu.memory_space<vmem>>, vector<16xi32>,
    tpu.vector_store %arg6[%swap3A_26], %gather3A_25 {strides = array<i32>} : memref<64xi32, #tpu.memory_space<vmem>>, vector<16xi32>,
    %add3A_28 = arith.constant 1 : i32
    %add3A_29 = vector.broadcast %add3A_28 : i32 to vector<16xi32>
    %add3A_30 = arith.addi %mul3A_24, %add3A_29 : vector<16xi32>
    %gather3A_31 = tpu.vector_load_idx %arg5[%add3A_30] : memref<512xi32, #tpu.memory_space<vmem>>[vector<16xi32>], vector<16xi32>,
    %swap3A_32 = arith.constant 16 : index
    %swap3A_33 = tpu.vector_load %arg7[%swap3A_32] {strides = array<i32>} : memref<64xi32, #tpu.memory_space<vmem>>, vector<16xi32>,
    tpu.vector_store %arg7[%swap3A_32], %gather3A_31 {strides = array<i32>} : memref<64xi32, #tpu.memory_space<vmem>>, vector<16xi32>,
    %iota3A_34 = tpu.iota {dimensions = array<i32: 0>} : vector<16xi32>
    %add3A_35 = arith.constant 32 : i32
    %add3A_36 = vector.broadcast %add3A_35 : i32 to vector<16xi32>
    %add3A_37 = arith.addi %iota3A_34, %add3A_36 : vector<16xi32>
    %mul3A_38 = arith.constant 8 : i32
    %mul3A_39 = vector.broadcast %mul3A_38 : i32 to vector<16xi32>
    %mul3A_40 = arith.muli %add3A_37, %mul3A_39 : vector<16xi32>
    %gather3A_41 = tpu.vector_load_idx %arg5[%mul3A_40] : memref<512xi32, #tpu.memory_space<vmem>>[vector<16xi32>], vector<16xi32>,
    %swap3A_42 = arith.constant 32 : index
    %swap3A_43 = tpu.vector_load %arg6[%swap3A_42] {strides = array<i32>} : memref<64xi32, #tpu.memory_space<vmem>>, vector<16xi32>,
    tpu.vector_store %arg6[%swap3A_42], %gather3A_41 {strides = array<i32>} : memref<64xi32, #tpu.memory_space<vmem>>, vector<16xi32>,
    %add3A_44 = arith.constant 1 : i32
    %add3A_45 = vector.broadcast %add3A_44 : i32 to vector<16xi32>
    %add3A_46 = arith.addi %mul3A_40, %add3A_45 : vector<16xi32>
    %gather3A_47 = tpu.vector_load_idx %arg5[%add3A_46] : memref<512xi32, #tpu.memory_space<vmem>>[vector<16xi32>], vector<16xi32>,
    %swap3A_48 = arith.constant 32 : index
    %swap3A_49 = tpu.vector_load %arg7[%swap3A_48] {strides = array<i32>} : memref<64xi32, #tpu.memory_space<vmem>>, vector<16xi32>,
    tpu.vector_store %arg7[%swap3A_48], %gather3A_47 {strides = array<i32>} : memref<64xi32, #tpu.memory_space<vmem>>, vector<16xi32>,
    %iota3A_50 = tpu.iota {dimensions = array<i32: 0>} : vector<16xi32>
    %add3A_51 = arith.constant 48 : i32
    %add3A_52 = vector.broadcast %add3A_51 : i32 to vector<16xi32>
    %add3A_53 = arith.addi %iota3A_50, %add3A_52 : vector<16xi32>
    %mul3A_54 = arith.constant 8 : i32
    %mul3A_55 = vector.broadcast %mul3A_54 : i32 to vector<16xi32>
    %mul3A_56 = arith.muli %add3A_53, %mul3A_55 : vector<16xi32>
    %gather3A_57 = tpu.vector_load_idx %arg5[%mul3A_56] : memref<512xi32, #tpu.memory_space<vmem>>[vector<16xi32>], vector<16xi32>,
    %swap3A_58 = arith.constant 48 : index
    %swap3A_59 = tpu.vector_load %arg6[%swap3A_58] {strides = array<i32>} : memref<64xi32, #tpu.memory_space<vmem>>, vector<16xi32>,
    tpu.vector_store %arg6[%swap3A_58], %gather3A_57 {strides = array<i32>} : memref<64xi32, #tpu.memory_space<vmem>>, vector<16xi32>,
    %add3A_60 = arith.constant 1 : i32
    %add3A_61 = vector.broadcast %add3A_60 : i32 to vector<16xi32>
    %add3A_62 = arith.addi %mul3A_56, %add3A_61 : vector<16xi32>
    %gather3A_63 = tpu.vector_load_idx %arg5[%add3A_62] : memref<512xi32, #tpu.memory_space<vmem>>[vector<16xi32>], vector<16xi32>,
    %swap3A_64 = arith.constant 48 : index
    %swap3A_65 = tpu.vector_load %arg7[%swap3A_64] {strides = array<i32>} : memref<64xi32, #tpu.memory_space<vmem>>, vector<16xi32>,
    tpu.vector_store %arg7[%swap3A_64], %gather3A_63 {strides = array<i32>} : memref<64xi32, #tpu.memory_space<vmem>>, vector<16xi32>,
    %dma_start3A = arith.constant 0 : i32
    %dma_start3A_66 = arith.constant 0 : i32
    %dma_start3A_67 = tpu.memref_slice %arg4[%dma_start3A, %dma_start3A_66] : memref<7680x768xf32, #tpu.memory_space<hbm>> -> memref<7680x768xf32, #tpu.memory_space<hbm>>
    tpu.enqueue_indirect_dma source(%arg8 : memref<64x768xf32, #tpu.memory_space<vmem>>) target(%dma_start3A_67 : memref<7680x768xf32, #tpu.memory_space<hbm>>) offsets(%arg6 : memref<64xi32, #tpu.memory_space<vmem>>) semaphore(%arg9 : memref<!tpu.dma_semaphore, #tpu.memory_space<semaphore_mem>>)
    %dma_start3A_68 = arith.constant 0 : i32
    %dma_start3A_69 = arith.constant 0 : i32
    %dma_start3A_70 = tpu.memref_slice %arg4[%dma_start3A_68, %dma_start3A_69] : memref<7680x768xf32, #tpu.memory_space<hbm>> -> memref<7680x768xf32, #tpu.memory_space<hbm>>
    tpu.enqueue_indirect_dma source(%arg8 : memref<64x768xf32, #tpu.memory_space<vmem>>) target(%dma_start3A_70 : memref<7680x768xf32, #tpu.memory_space<hbm>>) offsets(%arg7 : memref<64xi32, #tpu.memory_space<vmem>>) semaphore(%arg9 : memref<!tpu.dma_semaphore, #tpu.memory_space<semaphore_mem>>)
    %dma_wait3A = arith.constant 0 : i32
    %dma_wait3A_71 = arith.constant 0 : i32
    %dma_wait3A_72 = tpu.memref_slice %arg4[%dma_wait3A, %dma_wait3A_71] : memref<7680x768xf32, #tpu.memory_space<hbm>> -> memref<7680x768xf32, #tpu.memory_space<hbm>>
    tpu.wait_indirect_dma semaphore(%arg9 : memref<!tpu.dma_semaphore, #tpu.memory_space<semaphore_mem>>) src(%arg8 : memref<64x768xf32, #tpu.memory_space<vmem>>) dst(%dma_wait3A_72 : memref<7680x768xf32, #tpu.memory_space<hbm>>)
    %dma_wait3A_73 = arith.constant 0 : i32
    %dma_wait3A_74 = arith.constant 0 : i32
    %dma_wait3A_75 = tpu.memref_slice %arg4[%dma_wait3A_73, %dma_wait3A_74] : memref<7680x768xf32, #tpu.memory_space<hbm>> -> memref<7680x768xf32, #tpu.memory_space<hbm>>
    tpu.wait_indirect_dma semaphore(%arg9 : memref<!tpu.dma_semaphore, #tpu.memory_space<semaphore_mem>>) src(%arg8 : memref<64x768xf32, #tpu.memory_space<vmem>>) dst(%dma_wait3A_75 : memref<7680x768xf32, #tpu.memory_space<hbm>>)
    return
  }
}

#map = affine_map<(d0, d1) -> (0, 0)>
#map1 = affine_map<(d0, d1) -> (0)>
module attributes {stable_mosaic.version = 14 : i64} {
  func.func @k(%arg0: i32, %arg1: i32, %arg2: memref<7680x768xf32, #tpu.memory_space<hbm>>, %arg3: memref<16384xi32, #tpu.memory_space<hbm>>, %arg4: memref<2048x32xf32, #tpu.memory_space<hbm>>, %arg5: memref<2048x768xf32, #tpu.memory_space<hbm>>, %arg6: memref<512xi32, #tpu.memory_space<vmem>>, %arg7: memref<64xi32, #tpu.memory_space<vmem>>, %arg8: memref<64xi32, #tpu.memory_space<vmem>>, %arg9: memref<64x32xf32, #tpu.memory_space<vmem>>, %arg10: memref<64x768xf32, #tpu.memory_space<vmem>>, %arg11: memref<64x768xf32, #tpu.memory_space<vmem>>, %arg12: memref<!tpu.dma_semaphore, #tpu.memory_space<semaphore_mem>>) attributes {dimension_semantics = [#tpu.dimension_semantics<core_parallel>, #tpu.dimension_semantics<subcore_parallel>], iteration_bounds = array<i64: 2, 16>, scalar_prefetch = 0 : i64, scratch_operands = 7 : i64, tpu.core_type = #tpu.core_type<sc_vector_subcore>, window_params = [{transform_indices = #map}, {transform_indices = #map1}, {transform_indices = #map}, {transform_indices = #map}]} {
    %mul3A = arith.constant 2 : i32
    %mul3A_0 = arith.muli %arg1, %mul3A : i32
    %add3A = arith.addi %mul3A_0, %arg0 : i32
    %mul3A_1 = arith.constant 64 : i32
    %mul3A_2 = arith.muli %add3A, %mul3A_1 : i32
    %mul3A_3 = arith.constant 8 : i32
    %mul3A_4 = arith.muli %mul3A_2, %mul3A_3 : i32
    "tpu.region"() ({
      %run_scoped3A = tpu.sem_alloc : memref<!tpu.dma_semaphore, #tpu.memory_space<semaphore_mem>>
      %dma_start3A_81 = tpu.memref_slice %arg3[%mul3A_4] : memref<16384xi32, #tpu.memory_space<hbm>> -> memref<512xi32, #tpu.memory_space<hbm>>
      %dma_start3A_82 = tpu.memref_slice %arg3[%mul3A_4] : memref<16384xi32, #tpu.memory_space<hbm>> -> memref<512xi32, #tpu.memory_space<hbm>>
      tpu.enqueue_dma source(%dma_start3A_82 : memref<512xi32, #tpu.memory_space<hbm>>) target(%arg6 : memref<512xi32, #tpu.memory_space<vmem>>) target_semaphore(%run_scoped3A : memref<!tpu.dma_semaphore, #tpu.memory_space<semaphore_mem>>)
      %dma_wait3A_83 = tpu.memref_slice %arg3[%mul3A_4] : memref<16384xi32, #tpu.memory_space<hbm>> -> memref<512xi32, #tpu.memory_space<hbm>>
      %dma_wait3A_84 = tpu.memref_slice %arg3[%mul3A_4] : memref<16384xi32, #tpu.memory_space<hbm>> -> memref<512xi32, #tpu.memory_space<hbm>>
      tpu.wait_dma2 semaphore(%run_scoped3A : memref<!tpu.dma_semaphore, #tpu.memory_space<semaphore_mem>>) src(%dma_wait3A_84 : memref<512xi32, #tpu.memory_space<hbm>>) dst(%arg6 : memref<512xi32, #tpu.memory_space<vmem>>)
      tpu.yield
    }) : () -> ()
    %iota3A = tpu.iota {dimensions = array<i32: 0>} : vector<16xi32>
    %add3A_5 = arith.constant 0 : i32
    %add3A_6 = vector.broadcast %add3A_5 : i32 to vector<16xi32>
    %add3A_7 = arith.addi %iota3A, %add3A_6 : vector<16xi32>
    %mul3A_8 = arith.constant 8 : i32
    %mul3A_9 = vector.broadcast %mul3A_8 : i32 to vector<16xi32>
    %mul3A_10 = arith.muli %add3A_7, %mul3A_9 : vector<16xi32>
    %gather3A = tpu.vector_load_idx %arg6[%mul3A_10] : memref<512xi32, #tpu.memory_space<vmem>>[vector<16xi32>], vector<16xi32>,
    %swap3A = arith.constant 0 : index
    %swap3A_11 = tpu.vector_load %arg7[%swap3A] {strides = array<i32>} : memref<64xi32, #tpu.memory_space<vmem>>, vector<16xi32>,
    tpu.vector_store %arg7[%swap3A], %gather3A {strides = array<i32>} : memref<64xi32, #tpu.memory_space<vmem>>, vector<16xi32>,
    %add3A_12 = arith.constant 1 : i32
    %add3A_13 = vector.broadcast %add3A_12 : i32 to vector<16xi32>
    %add3A_14 = arith.addi %mul3A_10, %add3A_13 : vector<16xi32>
    %gather3A_15 = tpu.vector_load_idx %arg6[%add3A_14] : memref<512xi32, #tpu.memory_space<vmem>>[vector<16xi32>], vector<16xi32>,
    %swap3A_16 = arith.constant 0 : index
    %swap3A_17 = tpu.vector_load %arg8[%swap3A_16] {strides = array<i32>} : memref<64xi32, #tpu.memory_space<vmem>>, vector<16xi32>,
    tpu.vector_store %arg8[%swap3A_16], %gather3A_15 {strides = array<i32>} : memref<64xi32, #tpu.memory_space<vmem>>, vector<16xi32>,
    %iota3A_18 = tpu.iota {dimensions = array<i32: 0>} : vector<16xi32>
    %add3A_19 = arith.constant 16 : i32
    %add3A_20 = vector.broadcast %add3A_19 : i32 to vector<16xi32>
    %add3A_21 = arith.addi %iota3A_18, %add3A_20 : vector<16xi32>
    %mul3A_22 = arith.constant 8 : i32
    %mul3A_23 = vector.broadcast %mul3A_22 : i32 to vector<16xi32>
    %mul3A_24 = arith.muli %add3A_21, %mul3A_23 : vector<16xi32>
    %gather3A_25 = tpu.vector_load_idx %arg6[%mul3A_24] : memref<512xi32, #tpu.memory_space<vmem>>[vector<16xi32>], vector<16xi32>,
    %swap3A_26 = arith.constant 16 : index
    %swap3A_27 = tpu.vector_load %arg7[%swap3A_26] {strides = array<i32>} : memref<64xi32, #tpu.memory_space<vmem>>, vector<16xi32>,
    tpu.vector_store %arg7[%swap3A_26], %gather3A_25 {strides = array<i32>} : memref<64xi32, #tpu.memory_space<vmem>>, vector<16xi32>,
    %add3A_28 = arith.constant 1 : i32
    %add3A_29 = vector.broadcast %add3A_28 : i32 to vector<16xi32>
    %add3A_30 = arith.addi %mul3A_24, %add3A_29 : vector<16xi32>
    %gather3A_31 = tpu.vector_load_idx %arg6[%add3A_30] : memref<512xi32, #tpu.memory_space<vmem>>[vector<16xi32>], vector<16xi32>,
    %swap3A_32 = arith.constant 16 : index
    %swap3A_33 = tpu.vector_load %arg8[%swap3A_32] {strides = array<i32>} : memref<64xi32, #tpu.memory_space<vmem>>, vector<16xi32>,
    tpu.vector_store %arg8[%swap3A_32], %gather3A_31 {strides = array<i32>} : memref<64xi32, #tpu.memory_space<vmem>>, vector<16xi32>,
    %iota3A_34 = tpu.iota {dimensions = array<i32: 0>} : vector<16xi32>
    %add3A_35 = arith.constant 32 : i32
    %add3A_36 = vector.broadcast %add3A_35 : i32 to vector<16xi32>
    %add3A_37 = arith.addi %iota3A_34, %add3A_36 : vector<16xi32>
    %mul3A_38 = arith.constant 8 : i32
    %mul3A_39 = vector.broadcast %mul3A_38 : i32 to vector<16xi32>
    %mul3A_40 = arith.muli %add3A_37, %mul3A_39 : vector<16xi32>
    %gather3A_41 = tpu.vector_load_idx %arg6[%mul3A_40] : memref<512xi32, #tpu.memory_space<vmem>>[vector<16xi32>], vector<16xi32>,
    %swap3A_42 = arith.constant 32 : index
    %swap3A_43 = tpu.vector_load %arg7[%swap3A_42] {strides = array<i32>} : memref<64xi32, #tpu.memory_space<vmem>>, vector<16xi32>,
    tpu.vector_store %arg7[%swap3A_42], %gather3A_41 {strides = array<i32>} : memref<64xi32, #tpu.memory_space<vmem>>, vector<16xi32>,
    %add3A_44 = arith.constant 1 : i32
    %add3A_45 = vector.broadcast %add3A_44 : i32 to vector<16xi32>
    %add3A_46 = arith.addi %mul3A_40, %add3A_45 : vector<16xi32>
    %gather3A_47 = tpu.vector_load_idx %arg6[%add3A_46] : memref<512xi32, #tpu.memory_space<vmem>>[vector<16xi32>], vector<16xi32>,
    %swap3A_48 = arith.constant 32 : index
    %swap3A_49 = tpu.vector_load %arg8[%swap3A_48] {strides = array<i32>} : memref<64xi32, #tpu.memory_space<vmem>>, vector<16xi32>,
    tpu.vector_store %arg8[%swap3A_48], %gather3A_47 {strides = array<i32>} : memref<64xi32, #tpu.memory_space<vmem>>, vector<16xi32>,
    %iota3A_50 = tpu.iota {dimensions = array<i32: 0>} : vector<16xi32>
    %add3A_51 = arith.constant 48 : i32
    %add3A_52 = vector.broadcast %add3A_51 : i32 to vector<16xi32>
    %add3A_53 = arith.addi %iota3A_50, %add3A_52 : vector<16xi32>
    %mul3A_54 = arith.constant 8 : i32
    %mul3A_55 = vector.broadcast %mul3A_54 : i32 to vector<16xi32>
    %mul3A_56 = arith.muli %add3A_53, %mul3A_55 : vector<16xi32>
    %gather3A_57 = tpu.vector_load_idx %arg6[%mul3A_56] : memref<512xi32, #tpu.memory_space<vmem>>[vector<16xi32>], vector<16xi32>,
    %swap3A_58 = arith.constant 48 : index
    %swap3A_59 = tpu.vector_load %arg7[%swap3A_58] {strides = array<i32>} : memref<64xi32, #tpu.memory_space<vmem>>, vector<16xi32>,
    tpu.vector_store %arg7[%swap3A_58], %gather3A_57 {strides = array<i32>} : memref<64xi32, #tpu.memory_space<vmem>>, vector<16xi32>,
    %add3A_60 = arith.constant 1 : i32
    %add3A_61 = vector.broadcast %add3A_60 : i32 to vector<16xi32>
    %add3A_62 = arith.addi %mul3A_56, %add3A_61 : vector<16xi32>
    %gather3A_63 = tpu.vector_load_idx %arg6[%add3A_62] : memref<512xi32, #tpu.memory_space<vmem>>[vector<16xi32>], vector<16xi32>,
    %swap3A_64 = arith.constant 48 : index
    %swap3A_65 = tpu.vector_load %arg8[%swap3A_64] {strides = array<i32>} : memref<64xi32, #tpu.memory_space<vmem>>, vector<16xi32>,
    tpu.vector_store %arg8[%swap3A_64], %gather3A_63 {strides = array<i32>} : memref<64xi32, #tpu.memory_space<vmem>>, vector<16xi32>,
    %dma_start3A = arith.constant 0 : i32
    %dma_start3A_66 = arith.constant 0 : i32
    %dma_start3A_67 = tpu.memref_slice %arg2[%dma_start3A, %dma_start3A_66] : memref<7680x768xf32, #tpu.memory_space<hbm>> -> memref<7680x768xf32, #tpu.memory_space<hbm>>
    tpu.enqueue_indirect_dma source(%dma_start3A_67 : memref<7680x768xf32, #tpu.memory_space<hbm>>) target(%arg10 : memref<64x768xf32, #tpu.memory_space<vmem>>) offsets(%arg7 : memref<64xi32, #tpu.memory_space<vmem>>) semaphore(%arg12 : memref<!tpu.dma_semaphore, #tpu.memory_space<semaphore_mem>>)
    %dma_start3A_68 = arith.constant 0 : i32
    %dma_start3A_69 = arith.constant 0 : i32
    %dma_start3A_70 = tpu.memref_slice %arg2[%dma_start3A_68, %dma_start3A_69] : memref<7680x768xf32, #tpu.memory_space<hbm>> -> memref<7680x768xf32, #tpu.memory_space<hbm>>
    tpu.enqueue_indirect_dma source(%dma_start3A_70 : memref<7680x768xf32, #tpu.memory_space<hbm>>) target(%arg11 : memref<64x768xf32, #tpu.memory_space<vmem>>) offsets(%arg8 : memref<64xi32, #tpu.memory_space<vmem>>) semaphore(%arg12 : memref<!tpu.dma_semaphore, #tpu.memory_space<semaphore_mem>>)
    "tpu.region"() ({
      %run_scoped3A = tpu.sem_alloc : memref<!tpu.dma_semaphore, #tpu.memory_space<semaphore_mem>>
      %dma_start3A_81 = arith.constant 0 : i32
      %dma_start3A_82 = tpu.memref_slice %arg4[%mul3A_2, %dma_start3A_81] : memref<2048x32xf32, #tpu.memory_space<hbm>> -> memref<64x32xf32, #tpu.memory_space<hbm>>
      %dma_start3A_83 = arith.constant 0 : i32
      %dma_start3A_84 = tpu.memref_slice %arg4[%mul3A_2, %dma_start3A_83] : memref<2048x32xf32, #tpu.memory_space<hbm>> -> memref<64x32xf32, #tpu.memory_space<hbm>>
      tpu.enqueue_dma source(%dma_start3A_84 : memref<64x32xf32, #tpu.memory_space<hbm>>) target(%arg9 : memref<64x32xf32, #tpu.memory_space<vmem>>) target_semaphore(%run_scoped3A : memref<!tpu.dma_semaphore, #tpu.memory_space<semaphore_mem>>)
      %dma_wait3A_85 = arith.constant 0 : i32
      %dma_wait3A_86 = tpu.memref_slice %arg4[%mul3A_2, %dma_wait3A_85] : memref<2048x32xf32, #tpu.memory_space<hbm>> -> memref<64x32xf32, #tpu.memory_space<hbm>>
      %dma_wait3A_87 = arith.constant 0 : i32
      %dma_wait3A_88 = tpu.memref_slice %arg4[%mul3A_2, %dma_wait3A_87] : memref<2048x32xf32, #tpu.memory_space<hbm>> -> memref<64x32xf32, #tpu.memory_space<hbm>>
      tpu.wait_dma2 semaphore(%run_scoped3A : memref<!tpu.dma_semaphore, #tpu.memory_space<semaphore_mem>>) src(%dma_wait3A_88 : memref<64x32xf32, #tpu.memory_space<hbm>>) dst(%arg9 : memref<64x32xf32, #tpu.memory_space<vmem>>)
      tpu.yield
    }) : () -> ()
    %dma_wait3A = arith.constant 0 : i32
    %dma_wait3A_71 = arith.constant 0 : i32
    %dma_wait3A_72 = tpu.memref_slice %arg2[%dma_wait3A, %dma_wait3A_71] : memref<7680x768xf32, #tpu.memory_space<hbm>> -> memref<7680x768xf32, #tpu.memory_space<hbm>>
    tpu.wait_indirect_dma semaphore(%arg12 : memref<!tpu.dma_semaphore, #tpu.memory_space<semaphore_mem>>) src(%dma_wait3A_72 : memref<7680x768xf32, #tpu.memory_space<hbm>>) dst(%arg10 : memref<64x768xf32, #tpu.memory_space<vmem>>)
    %dma_wait3A_73 = arith.constant 0 : i32
    %dma_wait3A_74 = arith.constant 0 : i32
    %dma_wait3A_75 = tpu.memref_slice %arg2[%dma_wait3A_73, %dma_wait3A_74] : memref<7680x768xf32, #tpu.memory_space<hbm>> -> memref<7680x768xf32, #tpu.memory_space<hbm>>
    tpu.wait_indirect_dma semaphore(%arg12 : memref<!tpu.dma_semaphore, #tpu.memory_space<semaphore_mem>>) src(%dma_wait3A_75 : memref<7680x768xf32, #tpu.memory_space<hbm>>) dst(%arg11 : memref<64x768xf32, #tpu.memory_space<vmem>>)
    %scan3A = arith.constant 0 : i32
    %scan3A_76 = arith.constant 0 : i32
    %scan3A_77 = arith.constant 64 : i32
    %scan3A_78 = arith.addi %scan3A_76, %scan3A_77 : i32
    %scan3A_79 = arith.constant 1 : i32
    scf.for %scan3A_81 = %scan3A_76 to %scan3A_78 step %scan3A_79  : i32 {
      %get3A = arith.index_cast %scan3A_81 : i32 to index
      %get3A_82 = arith.constant 0 : index
      %get3A_83 = tpu.vector_load %arg9[%get3A, %get3A_82] {strides = array<i32>} : memref<64x32xf32, #tpu.memory_space<vmem>>, vector<16xf32>,
      %get3A_84 = arith.index_cast %scan3A_81 : i32 to index
      %get3A_85 = arith.constant 16 : index
      %get3A_86 = tpu.vector_load %arg9[%get3A_84, %get3A_85] {strides = array<i32>} : memref<64x32xf32, #tpu.memory_space<vmem>>, vector<16xf32>,
      %get3A_87 = arith.index_cast %scan3A_81 : i32 to index
      %get3A_88 = arith.constant 0 : index
      %get3A_89 = tpu.vector_load %arg10[%get3A_87, %get3A_88] {strides = array<i32>} : memref<64x768xf32, #tpu.memory_space<vmem>>, vector<16xf32>,
      %mul3A_90 = arith.mulf %get3A_89, %get3A_83 : vector<16xf32>
      %get3A_91 = arith.index_cast %scan3A_81 : i32 to index
      %get3A_92 = arith.constant 0 : index
      %get3A_93 = tpu.vector_load %arg11[%get3A_91, %get3A_92] {strides = array<i32>} : memref<64x768xf32, #tpu.memory_space<vmem>>, vector<16xf32>,
      %mul3A_94 = arith.mulf %get3A_93, %get3A_86 : vector<16xf32>
      %add3A_95 = arith.addf %mul3A_90, %mul3A_94 : vector<16xf32>
      %swap3A_96 = arith.index_cast %scan3A_81 : i32 to index
      %swap3A_97 = arith.constant 0 : index
      %swap3A_98 = tpu.vector_load %arg10[%swap3A_96, %swap3A_97] {strides = array<i32>} : memref<64x768xf32, #tpu.memory_space<vmem>>, vector<16xf32>,
      tpu.vector_store %arg10[%swap3A_96, %swap3A_97], %add3A_95 {strides = array<i32>} : memref<64x768xf32, #tpu.memory_space<vmem>>, vector<16xf32>,
      %get3A_99 = arith.index_cast %scan3A_81 : i32 to index
      %get3A_100 = arith.constant 16 : index
      %get3A_101 = tpu.vector_load %arg10[%get3A_99, %get3A_100] {strides = array<i32>} : memref<64x768xf32, #tpu.memory_space<vmem>>, vector<16xf32>,
      %mul3A_102 = arith.mulf %get3A_101, %get3A_83 : vector<16xf32>
      %get3A_103 = arith.index_cast %scan3A_81 : i32 to index
      %get3A_104 = arith.constant 16 : index
      %get3A_105 = tpu.vector_load %arg11[%get3A_103, %get3A_104] {strides = array<i32>} : memref<64x768xf32, #tpu.memory_space<vmem>>, vector<16xf32>,
      %mul3A_106 = arith.mulf %get3A_105, %get3A_86 : vector<16xf32>
      %add3A_107 = arith.addf %mul3A_102, %mul3A_106 : vector<16xf32>
      %swap3A_108 = arith.index_cast %scan3A_81 : i32 to index
      %swap3A_109 = arith.constant 16 : index
      %swap3A_110 = tpu.vector_load %arg10[%swap3A_108, %swap3A_109] {strides = array<i32>} : memref<64x768xf32, #tpu.memory_space<vmem>>, vector<16xf32>,
      tpu.vector_store %arg10[%swap3A_108, %swap3A_109], %add3A_107 {strides = array<i32>} : memref<64x768xf32, #tpu.memory_space<vmem>>, vector<16xf32>,
      %get3A_111 = arith.index_cast %scan3A_81 : i32 to index
      %get3A_112 = arith.constant 32 : index
      %get3A_113 = tpu.vector_load %arg10[%get3A_111, %get3A_112] {strides = array<i32>} : memref<64x768xf32, #tpu.memory_space<vmem>>, vector<16xf32>,
      %mul3A_114 = arith.mulf %get3A_113, %get3A_83 : vector<16xf32>
      %get3A_115 = arith.index_cast %scan3A_81 : i32 to index
      %get3A_116 = arith.constant 32 : index
      %get3A_117 = tpu.vector_load %arg11[%get3A_115, %get3A_116] {strides = array<i32>} : memref<64x768xf32, #tpu.memory_space<vmem>>, vector<16xf32>,
      %mul3A_118 = arith.mulf %get3A_117, %get3A_86 : vector<16xf32>
      %add3A_119 = arith.addf %mul3A_114, %mul3A_118 : vector<16xf32>
      %swap3A_120 = arith.index_cast %scan3A_81 : i32 to index
      %swap3A_121 = arith.constant 32 : index
      %swap3A_122 = tpu.vector_load %arg10[%swap3A_120, %swap3A_121] {strides = array<i32>} : memref<64x768xf32, #tpu.memory_space<vmem>>, vector<16xf32>,
      tpu.vector_store %arg10[%swap3A_120, %swap3A_121], %add3A_119 {strides = array<i32>} : memref<64x768xf32, #tpu.memory_space<vmem>>, vector<16xf32>,
      %get3A_123 = arith.index_cast %scan3A_81 : i32 to index
      %get3A_124 = arith.constant 48 : index
      %get3A_125 = tpu.vector_load %arg10[%get3A_123, %get3A_124] {strides = array<i32>} : memref<64x768xf32, #tpu.memory_space<vmem>>, vector<16xf32>,
      %mul3A_126 = arith.mulf %get3A_125, %get3A_83 : vector<16xf32>
      %get3A_127 = arith.index_cast %scan3A_81 : i32 to index
      %get3A_128 = arith.constant 48 : index
      %get3A_129 = tpu.vector_load %arg11[%get3A_127, %get3A_128] {strides = array<i32>} : memref<64x768xf32, #tpu.memory_space<vmem>>, vector<16xf32>,
      %mul3A_130 = arith.mulf %get3A_129, %get3A_86 : vector<16xf32>
      %add3A_131 = arith.addf %mul3A_126, %mul3A_130 : vector<16xf32>
      %swap3A_132 = arith.index_cast %scan3A_81 : i32 to index
      %swap3A_133 = arith.constant 48 : index
      %swap3A_134 = tpu.vector_load %arg10[%swap3A_132, %swap3A_133] {strides = array<i32>} : memref<64x768xf32, #tpu.memory_space<vmem>>, vector<16xf32>,
      tpu.vector_store %arg10[%swap3A_132, %swap3A_133], %add3A_131 {strides = array<i32>} : memref<64x768xf32, #tpu.memory_space<vmem>>, vector<16xf32>,
      %get3A_135 = arith.index_cast %scan3A_81 : i32 to index
      %get3A_136 = arith.constant 64 : index
      %get3A_137 = tpu.vector_load %arg10[%get3A_135, %get3A_136] {strides = array<i32>} : memref<64x768xf32, #tpu.memory_space<vmem>>, vector<16xf32>,
      %mul3A_138 = arith.mulf %get3A_137, %get3A_83 : vector<16xf32>
      %get3A_139 = arith.index_cast %scan3A_81 : i32 to index
      %get3A_140 = arith.constant 64 : index
      %get3A_141 = tpu.vector_load %arg11[%get3A_139, %get3A_140] {strides = array<i32>} : memref<64x768xf32, #tpu.memory_space<vmem>>, vector<16xf32>,
      %mul3A_142 = arith.mulf %get3A_141, %get3A_86 : vector<16xf32>
      %add3A_143 = arith.addf %mul3A_138, %mul3A_142 : vector<16xf32>
      %swap3A_144 = arith.index_cast %scan3A_81 : i32 to index
      %swap3A_145 = arith.constant 64 : index
      %swap3A_146 = tpu.vector_load %arg10[%swap3A_144, %swap3A_145] {strides = array<i32>} : memref<64x768xf32, #tpu.memory_space<vmem>>, vector<16xf32>,
      tpu.vector_store %arg10[%swap3A_144, %swap3A_145], %add3A_143 {strides = array<i32>} : memref<64x768xf32, #tpu.memory_space<vmem>>, vector<16xf32>,
      %get3A_147 = arith.index_cast %scan3A_81 : i32 to index
      %get3A_148 = arith.constant 80 : index
      %get3A_149 = tpu.vector_load %arg10[%get3A_147, %get3A_148] {strides = array<i32>} : memref<64x768xf32, #tpu.memory_space<vmem>>, vector<16xf32>,
      %mul3A_150 = arith.mulf %get3A_149, %get3A_83 : vector<16xf32>
      %get3A_151 = arith.index_cast %scan3A_81 : i32 to index
      %get3A_152 = arith.constant 80 : index
      %get3A_153 = tpu.vector_load %arg11[%get3A_151, %get3A_152] {strides = array<i32>} : memref<64x768xf32, #tpu.memory_space<vmem>>, vector<16xf32>,
      %mul3A_154 = arith.mulf %get3A_153, %get3A_86 : vector<16xf32>
      %add3A_155 = arith.addf %mul3A_150, %mul3A_154 : vector<16xf32>
      %swap3A_156 = arith.index_cast %scan3A_81 : i32 to index
      %swap3A_157 = arith.constant 80 : index
      %swap3A_158 = tpu.vector_load %arg10[%swap3A_156, %swap3A_157] {strides = array<i32>} : memref<64x768xf32, #tpu.memory_space<vmem>>, vector<16xf32>,
      tpu.vector_store %arg10[%swap3A_156, %swap3A_157], %add3A_155 {strides = array<i32>} : memref<64x768xf32, #tpu.memory_space<vmem>>, vector<16xf32>,
      %get3A_159 = arith.index_cast %scan3A_81 : i32 to index
      %get3A_160 = arith.constant 96 : index
      %get3A_161 = tpu.vector_load %arg10[%get3A_159, %get3A_160] {strides = array<i32>} : memref<64x768xf32, #tpu.memory_space<vmem>>, vector<16xf32>,
      %mul3A_162 = arith.mulf %get3A_161, %get3A_83 : vector<16xf32>
      %get3A_163 = arith.index_cast %scan3A_81 : i32 to index
      %get3A_164 = arith.constant 96 : index
      %get3A_165 = tpu.vector_load %arg11[%get3A_163, %get3A_164] {strides = array<i32>} : memref<64x768xf32, #tpu.memory_space<vmem>>, vector<16xf32>,
      %mul3A_166 = arith.mulf %get3A_165, %get3A_86 : vector<16xf32>
      %add3A_167 = arith.addf %mul3A_162, %mul3A_166 : vector<16xf32>
      %swap3A_168 = arith.index_cast %scan3A_81 : i32 to index
      %swap3A_169 = arith.constant 96 : index
      %swap3A_170 = tpu.vector_load %arg10[%swap3A_168, %swap3A_169] {strides = array<i32>} : memref<64x768xf32, #tpu.memory_space<vmem>>, vector<16xf32>,
      tpu.vector_store %arg10[%swap3A_168, %swap3A_169], %add3A_167 {strides = array<i32>} : memref<64x768xf32, #tpu.memory_space<vmem>>, vector<16xf32>,
      %get3A_171 = arith.index_cast %scan3A_81 : i32 to index
      %get3A_172 = arith.constant 112 : index
      %get3A_173 = tpu.vector_load %arg10[%get3A_171, %get3A_172] {strides = array<i32>} : memref<64x768xf32, #tpu.memory_space<vmem>>, vector<16xf32>,
      %mul3A_174 = arith.mulf %get3A_173, %get3A_83 : vector<16xf32>
      %get3A_175 = arith.index_cast %scan3A_81 : i32 to index
      %get3A_176 = arith.constant 112 : index
      %get3A_177 = tpu.vector_load %arg11[%get3A_175, %get3A_176] {strides = array<i32>} : memref<64x768xf32, #tpu.memory_space<vmem>>, vector<16xf32>,
      %mul3A_178 = arith.mulf %get3A_177, %get3A_86 : vector<16xf32>
      %add3A_179 = arith.addf %mul3A_174, %mul3A_178 : vector<16xf32>
      %swap3A_180 = arith.index_cast %scan3A_81 : i32 to index
      %swap3A_181 = arith.constant 112 : index
      %swap3A_182 = tpu.vector_load %arg10[%swap3A_180, %swap3A_181] {strides = array<i32>} : memref<64x768xf32, #tpu.memory_space<vmem>>, vector<16xf32>,
      tpu.vector_store %arg10[%swap3A_180, %swap3A_181], %add3A_179 {strides = array<i32>} : memref<64x768xf32, #tpu.memory_space<vmem>>, vector<16xf32>,
      %get3A_183 = arith.index_cast %scan3A_81 : i32 to index
      %get3A_184 = arith.constant 128 : index
      %get3A_185 = tpu.vector_load %arg10[%get3A_183, %get3A_184] {strides = array<i32>} : memref<64x768xf32, #tpu.memory_space<vmem>>, vector<16xf32>,
      %mul3A_186 = arith.mulf %get3A_185, %get3A_83 : vector<16xf32>
      %get3A_187 = arith.index_cast %scan3A_81 : i32 to index
      %get3A_188 = arith.constant 128 : index
      %get3A_189 = tpu.vector_load %arg11[%get3A_187, %get3A_188] {strides = array<i32>} : memref<64x768xf32, #tpu.memory_space<vmem>>, vector<16xf32>,
      %mul3A_190 = arith.mulf %get3A_189, %get3A_86 : vector<16xf32>
      %add3A_191 = arith.addf %mul3A_186, %mul3A_190 : vector<16xf32>
      %swap3A_192 = arith.index_cast %scan3A_81 : i32 to index
      %swap3A_193 = arith.constant 128 : index
      %swap3A_194 = tpu.vector_load %arg10[%swap3A_192, %swap3A_193] {strides = array<i32>} : memref<64x768xf32, #tpu.memory_space<vmem>>, vector<16xf32>,
      tpu.vector_store %arg10[%swap3A_192, %swap3A_193], %add3A_191 {strides = array<i32>} : memref<64x768xf32, #tpu.memory_space<vmem>>, vector<16xf32>,
      %get3A_195 = arith.index_cast %scan3A_81 : i32 to index
      %get3A_196 = arith.constant 144 : index
      %get3A_197 = tpu.vector_load %arg10[%get3A_195, %get3A_196] {strides = array<i32>} : memref<64x768xf32, #tpu.memory_space<vmem>>, vector<16xf32>,
      %mul3A_198 = arith.mulf %get3A_197, %get3A_83 : vector<16xf32>
      %get3A_199 = arith.index_cast %scan3A_81 : i32 to index
      %get3A_200 = arith.constant 144 : index
      %get3A_201 = tpu.vector_load %arg11[%get3A_199, %get3A_200] {strides = array<i32>} : memref<64x768xf32, #tpu.memory_space<vmem>>, vector<16xf32>,
      %mul3A_202 = arith.mulf %get3A_201, %get3A_86 : vector<16xf32>
      %add3A_203 = arith.addf %mul3A_198, %mul3A_202 : vector<16xf32>
      %swap3A_204 = arith.index_cast %scan3A_81 : i32 to index
      %swap3A_205 = arith.constant 144 : index
      %swap3A_206 = tpu.vector_load %arg10[%swap3A_204, %swap3A_205] {strides = array<i32>} : memref<64x768xf32, #tpu.memory_space<vmem>>, vector<16xf32>,
      tpu.vector_store %arg10[%swap3A_204, %swap3A_205], %add3A_203 {strides = array<i32>} : memref<64x768xf32, #tpu.memory_space<vmem>>, vector<16xf32>,
      %get3A_207 = arith.index_cast %scan3A_81 : i32 to index
      %get3A_208 = arith.constant 160 : index
      %get3A_209 = tpu.vector_load %arg10[%get3A_207, %get3A_208] {strides = array<i32>} : memref<64x768xf32, #tpu.memory_space<vmem>>, vector<16xf32>,
      %mul3A_210 = arith.mulf %get3A_209, %get3A_83 : vector<16xf32>
      %get3A_211 = arith.index_cast %scan3A_81 : i32 to index
      %get3A_212 = arith.constant 160 : index
      %get3A_213 = tpu.vector_load %arg11[%get3A_211, %get3A_212] {strides = array<i32>} : memref<64x768xf32, #tpu.memory_space<vmem>>, vector<16xf32>,
      %mul3A_214 = arith.mulf %get3A_213, %get3A_86 : vector<16xf32>
      %add3A_215 = arith.addf %mul3A_210, %mul3A_214 : vector<16xf32>
      %swap3A_216 = arith.index_cast %scan3A_81 : i32 to index
      %swap3A_217 = arith.constant 160 : index
      %swap3A_218 = tpu.vector_load %arg10[%swap3A_216, %swap3A_217] {strides = array<i32>} : memref<64x768xf32, #tpu.memory_space<vmem>>, vector<16xf32>,
      tpu.vector_store %arg10[%swap3A_216, %swap3A_217], %add3A_215 {strides = array<i32>} : memref<64x768xf32, #tpu.memory_space<vmem>>, vector<16xf32>,
      %get3A_219 = arith.index_cast %scan3A_81 : i32 to index
      %get3A_220 = arith.constant 176 : index
      %get3A_221 = tpu.vector_load %arg10[%get3A_219, %get3A_220] {strides = array<i32>} : memref<64x768xf32, #tpu.memory_space<vmem>>, vector<16xf32>,
      %mul3A_222 = arith.mulf %get3A_221, %get3A_83 : vector<16xf32>
      %get3A_223 = arith.index_cast %scan3A_81 : i32 to index
      %get3A_224 = arith.constant 176 : index
      %get3A_225 = tpu.vector_load %arg11[%get3A_223, %get3A_224] {strides = array<i32>} : memref<64x768xf32, #tpu.memory_space<vmem>>, vector<16xf32>,
      %mul3A_226 = arith.mulf %get3A_225, %get3A_86 : vector<16xf32>
      %add3A_227 = arith.addf %mul3A_222, %mul3A_226 : vector<16xf32>
      %swap3A_228 = arith.index_cast %scan3A_81 : i32 to index
      %swap3A_229 = arith.constant 176 : index
      %swap3A_230 = tpu.vector_load %arg10[%swap3A_228, %swap3A_229] {strides = array<i32>} : memref<64x768xf32, #tpu.memory_space<vmem>>, vector<16xf32>,
      tpu.vector_store %arg10[%swap3A_228, %swap3A_229], %add3A_227 {strides = array<i32>} : memref<64x768xf32, #tpu.memory_space<vmem>>, vector<16xf32>,
      %get3A_231 = arith.index_cast %scan3A_81 : i32 to index
      %get3A_232 = arith.constant 192 : index
      %get3A_233 = tpu.vector_load %arg10[%get3A_231, %get3A_232] {strides = array<i32>} : memref<64x768xf32, #tpu.memory_space<vmem>>, vector<16xf32>,
      %mul3A_234 = arith.mulf %get3A_233, %get3A_83 : vector<16xf32>
      %get3A_235 = arith.index_cast %scan3A_81 : i32 to index
      %get3A_236 = arith.constant 192 : index
      %get3A_237 = tpu.vector_load %arg11[%get3A_235, %get3A_236] {strides = array<i32>} : memref<64x768xf32, #tpu.memory_space<vmem>>, vector<16xf32>,
      %mul3A_238 = arith.mulf %get3A_237, %get3A_86 : vector<16xf32>
      %add3A_239 = arith.addf %mul3A_234, %mul3A_238 : vector<16xf32>
      %swap3A_240 = arith.index_cast %scan3A_81 : i32 to index
      %swap3A_241 = arith.constant 192 : index
      %swap3A_242 = tpu.vector_load %arg10[%swap3A_240, %swap3A_241] {strides = array<i32>} : memref<64x768xf32, #tpu.memory_space<vmem>>, vector<16xf32>,
      tpu.vector_store %arg10[%swap3A_240, %swap3A_241], %add3A_239 {strides = array<i32>} : memref<64x768xf32, #tpu.memory_space<vmem>>, vector<16xf32>,
      %get3A_243 = arith.index_cast %scan3A_81 : i32 to index
      %get3A_244 = arith.constant 208 : index
      %get3A_245 = tpu.vector_load %arg10[%get3A_243, %get3A_244] {strides = array<i32>} : memref<64x768xf32, #tpu.memory_space<vmem>>, vector<16xf32>,
      %mul3A_246 = arith.mulf %get3A_245, %get3A_83 : vector<16xf32>
      %get3A_247 = arith.index_cast %scan3A_81 : i32 to index
      %get3A_248 = arith.constant 208 : index
      %get3A_249 = tpu.vector_load %arg11[%get3A_247, %get3A_248] {strides = array<i32>} : memref<64x768xf32, #tpu.memory_space<vmem>>, vector<16xf32>,
      %mul3A_250 = arith.mulf %get3A_249, %get3A_86 : vector<16xf32>
      %add3A_251 = arith.addf %mul3A_246, %mul3A_250 : vector<16xf32>
      %swap3A_252 = arith.index_cast %scan3A_81 : i32 to index
      %swap3A_253 = arith.constant 208 : index
      %swap3A_254 = tpu.vector_load %arg10[%swap3A_252, %swap3A_253] {strides = array<i32>} : memref<64x768xf32, #tpu.memory_space<vmem>>, vector<16xf32>,
      tpu.vector_store %arg10[%swap3A_252, %swap3A_253], %add3A_251 {strides = array<i32>} : memref<64x768xf32, #tpu.memory_space<vmem>>, vector<16xf32>,
      %get3A_255 = arith.index_cast %scan3A_81 : i32 to index
      %get3A_256 = arith.constant 224 : index
      %get3A_257 = tpu.vector_load %arg10[%get3A_255, %get3A_256] {strides = array<i32>} : memref<64x768xf32, #tpu.memory_space<vmem>>, vector<16xf32>,
      %mul3A_258 = arith.mulf %get3A_257, %get3A_83 : vector<16xf32>
      %get3A_259 = arith.index_cast %scan3A_81 : i32 to index
      %get3A_260 = arith.constant 224 : index
      %get3A_261 = tpu.vector_load %arg11[%get3A_259, %get3A_260] {strides = array<i32>} : memref<64x768xf32, #tpu.memory_space<vmem>>, vector<16xf32>,
      %mul3A_262 = arith.mulf %get3A_261, %get3A_86 : vector<16xf32>
      %add3A_263 = arith.addf %mul3A_258, %mul3A_262 : vector<16xf32>
      %swap3A_264 = arith.index_cast %scan3A_81 : i32 to index
      %swap3A_265 = arith.constant 224 : index
      %swap3A_266 = tpu.vector_load %arg10[%swap3A_264, %swap3A_265] {strides = array<i32>} : memref<64x768xf32, #tpu.memory_space<vmem>>, vector<16xf32>,
      tpu.vector_store %arg10[%swap3A_264, %swap3A_265], %add3A_263 {strides = array<i32>} : memref<64x768xf32, #tpu.memory_space<vmem>>, vector<16xf32>,
      %get3A_267 = arith.index_cast %scan3A_81 : i32 to index
      %get3A_268 = arith.constant 240 : index
      %get3A_269 = tpu.vector_load %arg10[%get3A_267, %get3A_268] {strides = array<i32>} : memref<64x768xf32, #tpu.memory_space<vmem>>, vector<16xf32>,
      %mul3A_270 = arith.mulf %get3A_269, %get3A_83 : vector<16xf32>
      %get3A_271 = arith.index_cast %scan3A_81 : i32 to index
      %get3A_272 = arith.constant 240 : index
      %get3A_273 = tpu.vector_load %arg11[%get3A_271, %get3A_272] {strides = array<i32>} : memref<64x768xf32, #tpu.memory_space<vmem>>, vector<16xf32>,
      %mul3A_274 = arith.mulf %get3A_273, %get3A_86 : vector<16xf32>
      %add3A_275 = arith.addf %mul3A_270, %mul3A_274 : vector<16xf32>
      %swap3A_276 = arith.index_cast %scan3A_81 : i32 to index
      %swap3A_277 = arith.constant 240 : index
      %swap3A_278 = tpu.vector_load %arg10[%swap3A_276, %swap3A_277] {strides = array<i32>} : memref<64x768xf32, #tpu.memory_space<vmem>>, vector<16xf32>,
      tpu.vector_store %arg10[%swap3A_276, %swap3A_277], %add3A_275 {strides = array<i32>} : memref<64x768xf32, #tpu.memory_space<vmem>>, vector<16xf32>,
      %get3A_279 = arith.index_cast %scan3A_81 : i32 to index
      %get3A_280 = arith.constant 256 : index
      %get3A_281 = tpu.vector_load %arg10[%get3A_279, %get3A_280] {strides = array<i32>} : memref<64x768xf32, #tpu.memory_space<vmem>>, vector<16xf32>,
      %mul3A_282 = arith.mulf %get3A_281, %get3A_83 : vector<16xf32>
      %get3A_283 = arith.index_cast %scan3A_81 : i32 to index
      %get3A_284 = arith.constant 256 : index
      %get3A_285 = tpu.vector_load %arg11[%get3A_283, %get3A_284] {strides = array<i32>} : memref<64x768xf32, #tpu.memory_space<vmem>>, vector<16xf32>,
      %mul3A_286 = arith.mulf %get3A_285, %get3A_86 : vector<16xf32>
      %add3A_287 = arith.addf %mul3A_282, %mul3A_286 : vector<16xf32>
      %swap3A_288 = arith.index_cast %scan3A_81 : i32 to index
      %swap3A_289 = arith.constant 256 : index
      %swap3A_290 = tpu.vector_load %arg10[%swap3A_288, %swap3A_289] {strides = array<i32>} : memref<64x768xf32, #tpu.memory_space<vmem>>, vector<16xf32>,
      tpu.vector_store %arg10[%swap3A_288, %swap3A_289], %add3A_287 {strides = array<i32>} : memref<64x768xf32, #tpu.memory_space<vmem>>, vector<16xf32>,
      %get3A_291 = arith.index_cast %scan3A_81 : i32 to index
      %get3A_292 = arith.constant 272 : index
      %get3A_293 = tpu.vector_load %arg10[%get3A_291, %get3A_292] {strides = array<i32>} : memref<64x768xf32, #tpu.memory_space<vmem>>, vector<16xf32>,
      %mul3A_294 = arith.mulf %get3A_293, %get3A_83 : vector<16xf32>
      %get3A_295 = arith.index_cast %scan3A_81 : i32 to index
      %get3A_296 = arith.constant 272 : index
      %get3A_297 = tpu.vector_load %arg11[%get3A_295, %get3A_296] {strides = array<i32>} : memref<64x768xf32, #tpu.memory_space<vmem>>, vector<16xf32>,
      %mul3A_298 = arith.mulf %get3A_297, %get3A_86 : vector<16xf32>
      %add3A_299 = arith.addf %mul3A_294, %mul3A_298 : vector<16xf32>
      %swap3A_300 = arith.index_cast %scan3A_81 : i32 to index
      %swap3A_301 = arith.constant 272 : index
      %swap3A_302 = tpu.vector_load %arg10[%swap3A_300, %swap3A_301] {strides = array<i32>} : memref<64x768xf32, #tpu.memory_space<vmem>>, vector<16xf32>,
      tpu.vector_store %arg10[%swap3A_300, %swap3A_301], %add3A_299 {strides = array<i32>} : memref<64x768xf32, #tpu.memory_space<vmem>>, vector<16xf32>,
      %get3A_303 = arith.index_cast %scan3A_81 : i32 to index
      %get3A_304 = arith.constant 288 : index
      %get3A_305 = tpu.vector_load %arg10[%get3A_303, %get3A_304] {strides = array<i32>} : memref<64x768xf32, #tpu.memory_space<vmem>>, vector<16xf32>,
      %mul3A_306 = arith.mulf %get3A_305, %get3A_83 : vector<16xf32>
      %get3A_307 = arith.index_cast %scan3A_81 : i32 to index
      %get3A_308 = arith.constant 288 : index
      %get3A_309 = tpu.vector_load %arg11[%get3A_307, %get3A_308] {strides = array<i32>} : memref<64x768xf32, #tpu.memory_space<vmem>>, vector<16xf32>,
      %mul3A_310 = arith.mulf %get3A_309, %get3A_86 : vector<16xf32>
      %add3A_311 = arith.addf %mul3A_306, %mul3A_310 : vector<16xf32>
      %swap3A_312 = arith.index_cast %scan3A_81 : i32 to index
      %swap3A_313 = arith.constant 288 : index
      %swap3A_314 = tpu.vector_load %arg10[%swap3A_312, %swap3A_313] {strides = array<i32>} : memref<64x768xf32, #tpu.memory_space<vmem>>, vector<16xf32>,
      tpu.vector_store %arg10[%swap3A_312, %swap3A_313], %add3A_311 {strides = array<i32>} : memref<64x768xf32, #tpu.memory_space<vmem>>, vector<16xf32>,
      %get3A_315 = arith.index_cast %scan3A_81 : i32 to index
      %get3A_316 = arith.constant 304 : index
      %get3A_317 = tpu.vector_load %arg10[%get3A_315, %get3A_316] {strides = array<i32>} : memref<64x768xf32, #tpu.memory_space<vmem>>, vector<16xf32>,
      %mul3A_318 = arith.mulf %get3A_317, %get3A_83 : vector<16xf32>
      %get3A_319 = arith.index_cast %scan3A_81 : i32 to index
      %get3A_320 = arith.constant 304 : index
      %get3A_321 = tpu.vector_load %arg11[%get3A_319, %get3A_320] {strides = array<i32>} : memref<64x768xf32, #tpu.memory_space<vmem>>, vector<16xf32>,
      %mul3A_322 = arith.mulf %get3A_321, %get3A_86 : vector<16xf32>
      %add3A_323 = arith.addf %mul3A_318, %mul3A_322 : vector<16xf32>
      %swap3A_324 = arith.index_cast %scan3A_81 : i32 to index
      %swap3A_325 = arith.constant 304 : index
      %swap3A_326 = tpu.vector_load %arg10[%swap3A_324, %swap3A_325] {strides = array<i32>} : memref<64x768xf32, #tpu.memory_space<vmem>>, vector<16xf32>,
      tpu.vector_store %arg10[%swap3A_324, %swap3A_325], %add3A_323 {strides = array<i32>} : memref<64x768xf32, #tpu.memory_space<vmem>>, vector<16xf32>,
      %get3A_327 = arith.index_cast %scan3A_81 : i32 to index
      %get3A_328 = arith.constant 320 : index
      %get3A_329 = tpu.vector_load %arg10[%get3A_327, %get3A_328] {strides = array<i32>} : memref<64x768xf32, #tpu.memory_space<vmem>>, vector<16xf32>,
      %mul3A_330 = arith.mulf %get3A_329, %get3A_83 : vector<16xf32>
      %get3A_331 = arith.index_cast %scan3A_81 : i32 to index
      %get3A_332 = arith.constant 320 : index
      %get3A_333 = tpu.vector_load %arg11[%get3A_331, %get3A_332] {strides = array<i32>} : memref<64x768xf32, #tpu.memory_space<vmem>>, vector<16xf32>,
      %mul3A_334 = arith.mulf %get3A_333, %get3A_86 : vector<16xf32>
      %add3A_335 = arith.addf %mul3A_330, %mul3A_334 : vector<16xf32>
      %swap3A_336 = arith.index_cast %scan3A_81 : i32 to index
      %swap3A_337 = arith.constant 320 : index
      %swap3A_338 = tpu.vector_load %arg10[%swap3A_336, %swap3A_337] {strides = array<i32>} : memref<64x768xf32, #tpu.memory_space<vmem>>, vector<16xf32>,
      tpu.vector_store %arg10[%swap3A_336, %swap3A_337], %add3A_335 {strides = array<i32>} : memref<64x768xf32, #tpu.memory_space<vmem>>, vector<16xf32>,
      %get3A_339 = arith.index_cast %scan3A_81 : i32 to index
      %get3A_340 = arith.constant 336 : index
      %get3A_341 = tpu.vector_load %arg10[%get3A_339, %get3A_340] {strides = array<i32>} : memref<64x768xf32, #tpu.memory_space<vmem>>, vector<16xf32>,
      %mul3A_342 = arith.mulf %get3A_341, %get3A_83 : vector<16xf32>
      %get3A_343 = arith.index_cast %scan3A_81 : i32 to index
      %get3A_344 = arith.constant 336 : index
      %get3A_345 = tpu.vector_load %arg11[%get3A_343, %get3A_344] {strides = array<i32>} : memref<64x768xf32, #tpu.memory_space<vmem>>, vector<16xf32>,
      %mul3A_346 = arith.mulf %get3A_345, %get3A_86 : vector<16xf32>
      %add3A_347 = arith.addf %mul3A_342, %mul3A_346 : vector<16xf32>
      %swap3A_348 = arith.index_cast %scan3A_81 : i32 to index
      %swap3A_349 = arith.constant 336 : index
      %swap3A_350 = tpu.vector_load %arg10[%swap3A_348, %swap3A_349] {strides = array<i32>} : memref<64x768xf32, #tpu.memory_space<vmem>>, vector<16xf32>,
      tpu.vector_store %arg10[%swap3A_348, %swap3A_349], %add3A_347 {strides = array<i32>} : memref<64x768xf32, #tpu.memory_space<vmem>>, vector<16xf32>,
      %get3A_351 = arith.index_cast %scan3A_81 : i32 to index
      %get3A_352 = arith.constant 352 : index
      %get3A_353 = tpu.vector_load %arg10[%get3A_351, %get3A_352] {strides = array<i32>} : memref<64x768xf32, #tpu.memory_space<vmem>>, vector<16xf32>,
      %mul3A_354 = arith.mulf %get3A_353, %get3A_83 : vector<16xf32>
      %get3A_355 = arith.index_cast %scan3A_81 : i32 to index
      %get3A_356 = arith.constant 352 : index
      %get3A_357 = tpu.vector_load %arg11[%get3A_355, %get3A_356] {strides = array<i32>} : memref<64x768xf32, #tpu.memory_space<vmem>>, vector<16xf32>,
      %mul3A_358 = arith.mulf %get3A_357, %get3A_86 : vector<16xf32>
      %add3A_359 = arith.addf %mul3A_354, %mul3A_358 : vector<16xf32>
      %swap3A_360 = arith.index_cast %scan3A_81 : i32 to index
      %swap3A_361 = arith.constant 352 : index
      %swap3A_362 = tpu.vector_load %arg10[%swap3A_360, %swap3A_361] {strides = array<i32>} : memref<64x768xf32, #tpu.memory_space<vmem>>, vector<16xf32>,
      tpu.vector_store %arg10[%swap3A_360, %swap3A_361], %add3A_359 {strides = array<i32>} : memref<64x768xf32, #tpu.memory_space<vmem>>, vector<16xf32>,
      %get3A_363 = arith.index_cast %scan3A_81 : i32 to index
      %get3A_364 = arith.constant 368 : index
      %get3A_365 = tpu.vector_load %arg10[%get3A_363, %get3A_364] {strides = array<i32>} : memref<64x768xf32, #tpu.memory_space<vmem>>, vector<16xf32>,
      %mul3A_366 = arith.mulf %get3A_365, %get3A_83 : vector<16xf32>
      %get3A_367 = arith.index_cast %scan3A_81 : i32 to index
      %get3A_368 = arith.constant 368 : index
      %get3A_369 = tpu.vector_load %arg11[%get3A_367, %get3A_368] {strides = array<i32>} : memref<64x768xf32, #tpu.memory_space<vmem>>, vector<16xf32>,
      %mul3A_370 = arith.mulf %get3A_369, %get3A_86 : vector<16xf32>
      %add3A_371 = arith.addf %mul3A_366, %mul3A_370 : vector<16xf32>
      %swap3A_372 = arith.index_cast %scan3A_81 : i32 to index
      %swap3A_373 = arith.constant 368 : index
      %swap3A_374 = tpu.vector_load %arg10[%swap3A_372, %swap3A_373] {strides = array<i32>} : memref<64x768xf32, #tpu.memory_space<vmem>>, vector<16xf32>,
      tpu.vector_store %arg10[%swap3A_372, %swap3A_373], %add3A_371 {strides = array<i32>} : memref<64x768xf32, #tpu.memory_space<vmem>>, vector<16xf32>,
      %get3A_375 = arith.index_cast %scan3A_81 : i32 to index
      %get3A_376 = arith.constant 384 : index
      %get3A_377 = tpu.vector_load %arg10[%get3A_375, %get3A_376] {strides = array<i32>} : memref<64x768xf32, #tpu.memory_space<vmem>>, vector<16xf32>,
      %mul3A_378 = arith.mulf %get3A_377, %get3A_83 : vector<16xf32>
      %get3A_379 = arith.index_cast %scan3A_81 : i32 to index
      %get3A_380 = arith.constant 384 : index
      %get3A_381 = tpu.vector_load %arg11[%get3A_379, %get3A_380] {strides = array<i32>} : memref<64x768xf32, #tpu.memory_space<vmem>>, vector<16xf32>,
      %mul3A_382 = arith.mulf %get3A_381, %get3A_86 : vector<16xf32>
      %add3A_383 = arith.addf %mul3A_378, %mul3A_382 : vector<16xf32>
      %swap3A_384 = arith.index_cast %scan3A_81 : i32 to index
      %swap3A_385 = arith.constant 384 : index
      %swap3A_386 = tpu.vector_load %arg10[%swap3A_384, %swap3A_385] {strides = array<i32>} : memref<64x768xf32, #tpu.memory_space<vmem>>, vector<16xf32>,
      tpu.vector_store %arg10[%swap3A_384, %swap3A_385], %add3A_383 {strides = array<i32>} : memref<64x768xf32, #tpu.memory_space<vmem>>, vector<16xf32>,
      %get3A_387 = arith.index_cast %scan3A_81 : i32 to index
      %get3A_388 = arith.constant 400 : index
      %get3A_389 = tpu.vector_load %arg10[%get3A_387, %get3A_388] {strides = array<i32>} : memref<64x768xf32, #tpu.memory_space<vmem>>, vector<16xf32>,
      %mul3A_390 = arith.mulf %get3A_389, %get3A_83 : vector<16xf32>
      %get3A_391 = arith.index_cast %scan3A_81 : i32 to index
      %get3A_392 = arith.constant 400 : index
      %get3A_393 = tpu.vector_load %arg11[%get3A_391, %get3A_392] {strides = array<i32>} : memref<64x768xf32, #tpu.memory_space<vmem>>, vector<16xf32>,
      %mul3A_394 = arith.mulf %get3A_393, %get3A_86 : vector<16xf32>
      %add3A_395 = arith.addf %mul3A_390, %mul3A_394 : vector<16xf32>
      %swap3A_396 = arith.index_cast %scan3A_81 : i32 to index
      %swap3A_397 = arith.constant 400 : index
      %swap3A_398 = tpu.vector_load %arg10[%swap3A_396, %swap3A_397] {strides = array<i32>} : memref<64x768xf32, #tpu.memory_space<vmem>>, vector<16xf32>,
      tpu.vector_store %arg10[%swap3A_396, %swap3A_397], %add3A_395 {strides = array<i32>} : memref<64x768xf32, #tpu.memory_space<vmem>>, vector<16xf32>,
      %get3A_399 = arith.index_cast %scan3A_81 : i32 to index
      %get3A_400 = arith.constant 416 : index
      %get3A_401 = tpu.vector_load %arg10[%get3A_399, %get3A_400] {strides = array<i32>} : memref<64x768xf32, #tpu.memory_space<vmem>>, vector<16xf32>,
      %mul3A_402 = arith.mulf %get3A_401, %get3A_83 : vector<16xf32>
      %get3A_403 = arith.index_cast %scan3A_81 : i32 to index
      %get3A_404 = arith.constant 416 : index
      %get3A_405 = tpu.vector_load %arg11[%get3A_403, %get3A_404] {strides = array<i32>} : memref<64x768xf32, #tpu.memory_space<vmem>>, vector<16xf32>,
      %mul3A_406 = arith.mulf %get3A_405, %get3A_86 : vector<16xf32>
      %add3A_407 = arith.addf %mul3A_402, %mul3A_406 : vector<16xf32>
      %swap3A_408 = arith.index_cast %scan3A_81 : i32 to index
      %swap3A_409 = arith.constant 416 : index
      %swap3A_410 = tpu.vector_load %arg10[%swap3A_408, %swap3A_409] {strides = array<i32>} : memref<64x768xf32, #tpu.memory_space<vmem>>, vector<16xf32>,
      tpu.vector_store %arg10[%swap3A_408, %swap3A_409], %add3A_407 {strides = array<i32>} : memref<64x768xf32, #tpu.memory_space<vmem>>, vector<16xf32>,
      %get3A_411 = arith.index_cast %scan3A_81 : i32 to index
      %get3A_412 = arith.constant 432 : index
      %get3A_413 = tpu.vector_load %arg10[%get3A_411, %get3A_412] {strides = array<i32>} : memref<64x768xf32, #tpu.memory_space<vmem>>, vector<16xf32>,
      %mul3A_414 = arith.mulf %get3A_413, %get3A_83 : vector<16xf32>
      %get3A_415 = arith.index_cast %scan3A_81 : i32 to index
      %get3A_416 = arith.constant 432 : index
      %get3A_417 = tpu.vector_load %arg11[%get3A_415, %get3A_416] {strides = array<i32>} : memref<64x768xf32, #tpu.memory_space<vmem>>, vector<16xf32>,
      %mul3A_418 = arith.mulf %get3A_417, %get3A_86 : vector<16xf32>
      %add3A_419 = arith.addf %mul3A_414, %mul3A_418 : vector<16xf32>
      %swap3A_420 = arith.index_cast %scan3A_81 : i32 to index
      %swap3A_421 = arith.constant 432 : index
      %swap3A_422 = tpu.vector_load %arg10[%swap3A_420, %swap3A_421] {strides = array<i32>} : memref<64x768xf32, #tpu.memory_space<vmem>>, vector<16xf32>,
      tpu.vector_store %arg10[%swap3A_420, %swap3A_421], %add3A_419 {strides = array<i32>} : memref<64x768xf32, #tpu.memory_space<vmem>>, vector<16xf32>,
      %get3A_423 = arith.index_cast %scan3A_81 : i32 to index
      %get3A_424 = arith.constant 448 : index
      %get3A_425 = tpu.vector_load %arg10[%get3A_423, %get3A_424] {strides = array<i32>} : memref<64x768xf32, #tpu.memory_space<vmem>>, vector<16xf32>,
      %mul3A_426 = arith.mulf %get3A_425, %get3A_83 : vector<16xf32>
      %get3A_427 = arith.index_cast %scan3A_81 : i32 to index
      %get3A_428 = arith.constant 448 : index
      %get3A_429 = tpu.vector_load %arg11[%get3A_427, %get3A_428] {strides = array<i32>} : memref<64x768xf32, #tpu.memory_space<vmem>>, vector<16xf32>,
      %mul3A_430 = arith.mulf %get3A_429, %get3A_86 : vector<16xf32>
      %add3A_431 = arith.addf %mul3A_426, %mul3A_430 : vector<16xf32>
      %swap3A_432 = arith.index_cast %scan3A_81 : i32 to index
      %swap3A_433 = arith.constant 448 : index
      %swap3A_434 = tpu.vector_load %arg10[%swap3A_432, %swap3A_433] {strides = array<i32>} : memref<64x768xf32, #tpu.memory_space<vmem>>, vector<16xf32>,
      tpu.vector_store %arg10[%swap3A_432, %swap3A_433], %add3A_431 {strides = array<i32>} : memref<64x768xf32, #tpu.memory_space<vmem>>, vector<16xf32>,
      %get3A_435 = arith.index_cast %scan3A_81 : i32 to index
      %get3A_436 = arith.constant 464 : index
      %get3A_437 = tpu.vector_load %arg10[%get3A_435, %get3A_436] {strides = array<i32>} : memref<64x768xf32, #tpu.memory_space<vmem>>, vector<16xf32>,
      %mul3A_438 = arith.mulf %get3A_437, %get3A_83 : vector<16xf32>
      %get3A_439 = arith.index_cast %scan3A_81 : i32 to index
      %get3A_440 = arith.constant 464 : index
      %get3A_441 = tpu.vector_load %arg11[%get3A_439, %get3A_440] {strides = array<i32>} : memref<64x768xf32, #tpu.memory_space<vmem>>, vector<16xf32>,
      %mul3A_442 = arith.mulf %get3A_441, %get3A_86 : vector<16xf32>
      %add3A_443 = arith.addf %mul3A_438, %mul3A_442 : vector<16xf32>
      %swap3A_444 = arith.index_cast %scan3A_81 : i32 to index
      %swap3A_445 = arith.constant 464 : index
      %swap3A_446 = tpu.vector_load %arg10[%swap3A_444, %swap3A_445] {strides = array<i32>} : memref<64x768xf32, #tpu.memory_space<vmem>>, vector<16xf32>,
      tpu.vector_store %arg10[%swap3A_444, %swap3A_445], %add3A_443 {strides = array<i32>} : memref<64x768xf32, #tpu.memory_space<vmem>>, vector<16xf32>,
      %get3A_447 = arith.index_cast %scan3A_81 : i32 to index
      %get3A_448 = arith.constant 480 : index
      %get3A_449 = tpu.vector_load %arg10[%get3A_447, %get3A_448] {strides = array<i32>} : memref<64x768xf32, #tpu.memory_space<vmem>>, vector<16xf32>,
      %mul3A_450 = arith.mulf %get3A_449, %get3A_83 : vector<16xf32>
      %get3A_451 = arith.index_cast %scan3A_81 : i32 to index
      %get3A_452 = arith.constant 480 : index
      %get3A_453 = tpu.vector_load %arg11[%get3A_451, %get3A_452] {strides = array<i32>} : memref<64x768xf32, #tpu.memory_space<vmem>>, vector<16xf32>,
      %mul3A_454 = arith.mulf %get3A_453, %get3A_86 : vector<16xf32>
      %add3A_455 = arith.addf %mul3A_450, %mul3A_454 : vector<16xf32>
      %swap3A_456 = arith.index_cast %scan3A_81 : i32 to index
      %swap3A_457 = arith.constant 480 : index
      %swap3A_458 = tpu.vector_load %arg10[%swap3A_456, %swap3A_457] {strides = array<i32>} : memref<64x768xf32, #tpu.memory_space<vmem>>, vector<16xf32>,
      tpu.vector_store %arg10[%swap3A_456, %swap3A_457], %add3A_455 {strides = array<i32>} : memref<64x768xf32, #tpu.memory_space<vmem>>, vector<16xf32>,
      %get3A_459 = arith.index_cast %scan3A_81 : i32 to index
      %get3A_460 = arith.constant 496 : index
      %get3A_461 = tpu.vector_load %arg10[%get3A_459, %get3A_460] {strides = array<i32>} : memref<64x768xf32, #tpu.memory_space<vmem>>, vector<16xf32>,
      %mul3A_462 = arith.mulf %get3A_461, %get3A_83 : vector<16xf32>
      %get3A_463 = arith.index_cast %scan3A_81 : i32 to index
      %get3A_464 = arith.constant 496 : index
      %get3A_465 = tpu.vector_load %arg11[%get3A_463, %get3A_464] {strides = array<i32>} : memref<64x768xf32, #tpu.memory_space<vmem>>, vector<16xf32>,
      %mul3A_466 = arith.mulf %get3A_465, %get3A_86 : vector<16xf32>
      %add3A_467 = arith.addf %mul3A_462, %mul3A_466 : vector<16xf32>
      %swap3A_468 = arith.index_cast %scan3A_81 : i32 to index
      %swap3A_469 = arith.constant 496 : index
      %swap3A_470 = tpu.vector_load %arg10[%swap3A_468, %swap3A_469] {strides = array<i32>} : memref<64x768xf32, #tpu.memory_space<vmem>>, vector<16xf32>,
      tpu.vector_store %arg10[%swap3A_468, %swap3A_469], %add3A_467 {strides = array<i32>} : memref<64x768xf32, #tpu.memory_space<vmem>>, vector<16xf32>,
      %get3A_471 = arith.index_cast %scan3A_81 : i32 to index
      %get3A_472 = arith.constant 512 : index
      %get3A_473 = tpu.vector_load %arg10[%get3A_471, %get3A_472] {strides = array<i32>} : memref<64x768xf32, #tpu.memory_space<vmem>>, vector<16xf32>,
      %mul3A_474 = arith.mulf %get3A_473, %get3A_83 : vector<16xf32>
      %get3A_475 = arith.index_cast %scan3A_81 : i32 to index
      %get3A_476 = arith.constant 512 : index
      %get3A_477 = tpu.vector_load %arg11[%get3A_475, %get3A_476] {strides = array<i32>} : memref<64x768xf32, #tpu.memory_space<vmem>>, vector<16xf32>,
      %mul3A_478 = arith.mulf %get3A_477, %get3A_86 : vector<16xf32>
      %add3A_479 = arith.addf %mul3A_474, %mul3A_478 : vector<16xf32>
      %swap3A_480 = arith.index_cast %scan3A_81 : i32 to index
      %swap3A_481 = arith.constant 512 : index
      %swap3A_482 = tpu.vector_load %arg10[%swap3A_480, %swap3A_481] {strides = array<i32>} : memref<64x768xf32, #tpu.memory_space<vmem>>, vector<16xf32>,
      tpu.vector_store %arg10[%swap3A_480, %swap3A_481], %add3A_479 {strides = array<i32>} : memref<64x768xf32, #tpu.memory_space<vmem>>, vector<16xf32>,
      %get3A_483 = arith.index_cast %scan3A_81 : i32 to index
      %get3A_484 = arith.constant 528 : index
      %get3A_485 = tpu.vector_load %arg10[%get3A_483, %get3A_484] {strides = array<i32>} : memref<64x768xf32, #tpu.memory_space<vmem>>, vector<16xf32>,
      %mul3A_486 = arith.mulf %get3A_485, %get3A_83 : vector<16xf32>
      %get3A_487 = arith.index_cast %scan3A_81 : i32 to index
      %get3A_488 = arith.constant 528 : index
      %get3A_489 = tpu.vector_load %arg11[%get3A_487, %get3A_488] {strides = array<i32>} : memref<64x768xf32, #tpu.memory_space<vmem>>, vector<16xf32>,
      %mul3A_490 = arith.mulf %get3A_489, %get3A_86 : vector<16xf32>
      %add3A_491 = arith.addf %mul3A_486, %mul3A_490 : vector<16xf32>
      %swap3A_492 = arith.index_cast %scan3A_81 : i32 to index
      %swap3A_493 = arith.constant 528 : index
      %swap3A_494 = tpu.vector_load %arg10[%swap3A_492, %swap3A_493] {strides = array<i32>} : memref<64x768xf32, #tpu.memory_space<vmem>>, vector<16xf32>,
      tpu.vector_store %arg10[%swap3A_492, %swap3A_493], %add3A_491 {strides = array<i32>} : memref<64x768xf32, #tpu.memory_space<vmem>>, vector<16xf32>,
      %get3A_495 = arith.index_cast %scan3A_81 : i32 to index
      %get3A_496 = arith.constant 544 : index
      %get3A_497 = tpu.vector_load %arg10[%get3A_495, %get3A_496] {strides = array<i32>} : memref<64x768xf32, #tpu.memory_space<vmem>>, vector<16xf32>,
      %mul3A_498 = arith.mulf %get3A_497, %get3A_83 : vector<16xf32>
      %get3A_499 = arith.index_cast %scan3A_81 : i32 to index
      %get3A_500 = arith.constant 544 : index
      %get3A_501 = tpu.vector_load %arg11[%get3A_499, %get3A_500] {strides = array<i32>} : memref<64x768xf32, #tpu.memory_space<vmem>>, vector<16xf32>,
      %mul3A_502 = arith.mulf %get3A_501, %get3A_86 : vector<16xf32>
      %add3A_503 = arith.addf %mul3A_498, %mul3A_502 : vector<16xf32>
      %swap3A_504 = arith.index_cast %scan3A_81 : i32 to index
      %swap3A_505 = arith.constant 544 : index
      %swap3A_506 = tpu.vector_load %arg10[%swap3A_504, %swap3A_505] {strides = array<i32>} : memref<64x768xf32, #tpu.memory_space<vmem>>, vector<16xf32>,
      tpu.vector_store %arg10[%swap3A_504, %swap3A_505], %add3A_503 {strides = array<i32>} : memref<64x768xf32, #tpu.memory_space<vmem>>, vector<16xf32>,
      %get3A_507 = arith.index_cast %scan3A_81 : i32 to index
      %get3A_508 = arith.constant 560 : index
      %get3A_509 = tpu.vector_load %arg10[%get3A_507, %get3A_508] {strides = array<i32>} : memref<64x768xf32, #tpu.memory_space<vmem>>, vector<16xf32>,
      %mul3A_510 = arith.mulf %get3A_509, %get3A_83 : vector<16xf32>
      %get3A_511 = arith.index_cast %scan3A_81 : i32 to index
      %get3A_512 = arith.constant 560 : index
      %get3A_513 = tpu.vector_load %arg11[%get3A_511, %get3A_512] {strides = array<i32>} : memref<64x768xf32, #tpu.memory_space<vmem>>, vector<16xf32>,
      %mul3A_514 = arith.mulf %get3A_513, %get3A_86 : vector<16xf32>
      %add3A_515 = arith.addf %mul3A_510, %mul3A_514 : vector<16xf32>
      %swap3A_516 = arith.index_cast %scan3A_81 : i32 to index
      %swap3A_517 = arith.constant 560 : index
      %swap3A_518 = tpu.vector_load %arg10[%swap3A_516, %swap3A_517] {strides = array<i32>} : memref<64x768xf32, #tpu.memory_space<vmem>>, vector<16xf32>,
      tpu.vector_store %arg10[%swap3A_516, %swap3A_517], %add3A_515 {strides = array<i32>} : memref<64x768xf32, #tpu.memory_space<vmem>>, vector<16xf32>,
      %get3A_519 = arith.index_cast %scan3A_81 : i32 to index
      %get3A_520 = arith.constant 576 : index
      %get3A_521 = tpu.vector_load %arg10[%get3A_519, %get3A_520] {strides = array<i32>} : memref<64x768xf32, #tpu.memory_space<vmem>>, vector<16xf32>,
      %mul3A_522 = arith.mulf %get3A_521, %get3A_83 : vector<16xf32>
      %get3A_523 = arith.index_cast %scan3A_81 : i32 to index
      %get3A_524 = arith.constant 576 : index
      %get3A_525 = tpu.vector_load %arg11[%get3A_523, %get3A_524] {strides = array<i32>} : memref<64x768xf32, #tpu.memory_space<vmem>>, vector<16xf32>,
      %mul3A_526 = arith.mulf %get3A_525, %get3A_86 : vector<16xf32>
      %add3A_527 = arith.addf %mul3A_522, %mul3A_526 : vector<16xf32>
      %swap3A_528 = arith.index_cast %scan3A_81 : i32 to index
      %swap3A_529 = arith.constant 576 : index
      %swap3A_530 = tpu.vector_load %arg10[%swap3A_528, %swap3A_529] {strides = array<i32>} : memref<64x768xf32, #tpu.memory_space<vmem>>, vector<16xf32>,
      tpu.vector_store %arg10[%swap3A_528, %swap3A_529], %add3A_527 {strides = array<i32>} : memref<64x768xf32, #tpu.memory_space<vmem>>, vector<16xf32>,
      %get3A_531 = arith.index_cast %scan3A_81 : i32 to index
      %get3A_532 = arith.constant 592 : index
      %get3A_533 = tpu.vector_load %arg10[%get3A_531, %get3A_532] {strides = array<i32>} : memref<64x768xf32, #tpu.memory_space<vmem>>, vector<16xf32>,
      %mul3A_534 = arith.mulf %get3A_533, %get3A_83 : vector<16xf32>
      %get3A_535 = arith.index_cast %scan3A_81 : i32 to index
      %get3A_536 = arith.constant 592 : index
      %get3A_537 = tpu.vector_load %arg11[%get3A_535, %get3A_536] {strides = array<i32>} : memref<64x768xf32, #tpu.memory_space<vmem>>, vector<16xf32>,
      %mul3A_538 = arith.mulf %get3A_537, %get3A_86 : vector<16xf32>
      %add3A_539 = arith.addf %mul3A_534, %mul3A_538 : vector<16xf32>
      %swap3A_540 = arith.index_cast %scan3A_81 : i32 to index
      %swap3A_541 = arith.constant 592 : index
      %swap3A_542 = tpu.vector_load %arg10[%swap3A_540, %swap3A_541] {strides = array<i32>} : memref<64x768xf32, #tpu.memory_space<vmem>>, vector<16xf32>,
      tpu.vector_store %arg10[%swap3A_540, %swap3A_541], %add3A_539 {strides = array<i32>} : memref<64x768xf32, #tpu.memory_space<vmem>>, vector<16xf32>,
      %get3A_543 = arith.index_cast %scan3A_81 : i32 to index
      %get3A_544 = arith.constant 608 : index
      %get3A_545 = tpu.vector_load %arg10[%get3A_543, %get3A_544] {strides = array<i32>} : memref<64x768xf32, #tpu.memory_space<vmem>>, vector<16xf32>,
      %mul3A_546 = arith.mulf %get3A_545, %get3A_83 : vector<16xf32>
      %get3A_547 = arith.index_cast %scan3A_81 : i32 to index
      %get3A_548 = arith.constant 608 : index
      %get3A_549 = tpu.vector_load %arg11[%get3A_547, %get3A_548] {strides = array<i32>} : memref<64x768xf32, #tpu.memory_space<vmem>>, vector<16xf32>,
      %mul3A_550 = arith.mulf %get3A_549, %get3A_86 : vector<16xf32>
      %add3A_551 = arith.addf %mul3A_546, %mul3A_550 : vector<16xf32>
      %swap3A_552 = arith.index_cast %scan3A_81 : i32 to index
      %swap3A_553 = arith.constant 608 : index
      %swap3A_554 = tpu.vector_load %arg10[%swap3A_552, %swap3A_553] {strides = array<i32>} : memref<64x768xf32, #tpu.memory_space<vmem>>, vector<16xf32>,
      tpu.vector_store %arg10[%swap3A_552, %swap3A_553], %add3A_551 {strides = array<i32>} : memref<64x768xf32, #tpu.memory_space<vmem>>, vector<16xf32>,
      %get3A_555 = arith.index_cast %scan3A_81 : i32 to index
      %get3A_556 = arith.constant 624 : index
      %get3A_557 = tpu.vector_load %arg10[%get3A_555, %get3A_556] {strides = array<i32>} : memref<64x768xf32, #tpu.memory_space<vmem>>, vector<16xf32>,
      %mul3A_558 = arith.mulf %get3A_557, %get3A_83 : vector<16xf32>
      %get3A_559 = arith.index_cast %scan3A_81 : i32 to index
      %get3A_560 = arith.constant 624 : index
      %get3A_561 = tpu.vector_load %arg11[%get3A_559, %get3A_560] {strides = array<i32>} : memref<64x768xf32, #tpu.memory_space<vmem>>, vector<16xf32>,
      %mul3A_562 = arith.mulf %get3A_561, %get3A_86 : vector<16xf32>
      %add3A_563 = arith.addf %mul3A_558, %mul3A_562 : vector<16xf32>
      %swap3A_564 = arith.index_cast %scan3A_81 : i32 to index
      %swap3A_565 = arith.constant 624 : index
      %swap3A_566 = tpu.vector_load %arg10[%swap3A_564, %swap3A_565] {strides = array<i32>} : memref<64x768xf32, #tpu.memory_space<vmem>>, vector<16xf32>,
      tpu.vector_store %arg10[%swap3A_564, %swap3A_565], %add3A_563 {strides = array<i32>} : memref<64x768xf32, #tpu.memory_space<vmem>>, vector<16xf32>,
      %get3A_567 = arith.index_cast %scan3A_81 : i32 to index
      %get3A_568 = arith.constant 640 : index
      %get3A_569 = tpu.vector_load %arg10[%get3A_567, %get3A_568] {strides = array<i32>} : memref<64x768xf32, #tpu.memory_space<vmem>>, vector<16xf32>,
      %mul3A_570 = arith.mulf %get3A_569, %get3A_83 : vector<16xf32>
      %get3A_571 = arith.index_cast %scan3A_81 : i32 to index
      %get3A_572 = arith.constant 640 : index
      %get3A_573 = tpu.vector_load %arg11[%get3A_571, %get3A_572] {strides = array<i32>} : memref<64x768xf32, #tpu.memory_space<vmem>>, vector<16xf32>,
      %mul3A_574 = arith.mulf %get3A_573, %get3A_86 : vector<16xf32>
      %add3A_575 = arith.addf %mul3A_570, %mul3A_574 : vector<16xf32>
      %swap3A_576 = arith.index_cast %scan3A_81 : i32 to index
      %swap3A_577 = arith.constant 640 : index
      %swap3A_578 = tpu.vector_load %arg10[%swap3A_576, %swap3A_577] {strides = array<i32>} : memref<64x768xf32, #tpu.memory_space<vmem>>, vector<16xf32>,
      tpu.vector_store %arg10[%swap3A_576, %swap3A_577], %add3A_575 {strides = array<i32>} : memref<64x768xf32, #tpu.memory_space<vmem>>, vector<16xf32>,
      %get3A_579 = arith.index_cast %scan3A_81 : i32 to index
      %get3A_580 = arith.constant 656 : index
      %get3A_581 = tpu.vector_load %arg10[%get3A_579, %get3A_580] {strides = array<i32>} : memref<64x768xf32, #tpu.memory_space<vmem>>, vector<16xf32>,
      %mul3A_582 = arith.mulf %get3A_581, %get3A_83 : vector<16xf32>
      %get3A_583 = arith.index_cast %scan3A_81 : i32 to index
      %get3A_584 = arith.constant 656 : index
      %get3A_585 = tpu.vector_load %arg11[%get3A_583, %get3A_584] {strides = array<i32>} : memref<64x768xf32, #tpu.memory_space<vmem>>, vector<16xf32>,
      %mul3A_586 = arith.mulf %get3A_585, %get3A_86 : vector<16xf32>
      %add3A_587 = arith.addf %mul3A_582, %mul3A_586 : vector<16xf32>
      %swap3A_588 = arith.index_cast %scan3A_81 : i32 to index
      %swap3A_589 = arith.constant 656 : index
      %swap3A_590 = tpu.vector_load %arg10[%swap3A_588, %swap3A_589] {strides = array<i32>} : memref<64x768xf32, #tpu.memory_space<vmem>>, vector<16xf32>,
      tpu.vector_store %arg10[%swap3A_588, %swap3A_589], %add3A_587 {strides = array<i32>} : memref<64x768xf32, #tpu.memory_space<vmem>>, vector<16xf32>,
      %get3A_591 = arith.index_cast %scan3A_81 : i32 to index
      %get3A_592 = arith.constant 672 : index
      %get3A_593 = tpu.vector_load %arg10[%get3A_591, %get3A_592] {strides = array<i32>} : memref<64x768xf32, #tpu.memory_space<vmem>>, vector<16xf32>,
      %mul3A_594 = arith.mulf %get3A_593, %get3A_83 : vector<16xf32>
      %get3A_595 = arith.index_cast %scan3A_81 : i32 to index
      %get3A_596 = arith.constant 672 : index
      %get3A_597 = tpu.vector_load %arg11[%get3A_595, %get3A_596] {strides = array<i32>} : memref<64x768xf32, #tpu.memory_space<vmem>>, vector<16xf32>,
      %mul3A_598 = arith.mulf %get3A_597, %get3A_86 : vector<16xf32>
      %add3A_599 = arith.addf %mul3A_594, %mul3A_598 : vector<16xf32>
      %swap3A_600 = arith.index_cast %scan3A_81 : i32 to index
      %swap3A_601 = arith.constant 672 : index
      %swap3A_602 = tpu.vector_load %arg10[%swap3A_600, %swap3A_601] {strides = array<i32>} : memref<64x768xf32, #tpu.memory_space<vmem>>, vector<16xf32>,
      tpu.vector_store %arg10[%swap3A_600, %swap3A_601], %add3A_599 {strides = array<i32>} : memref<64x768xf32, #tpu.memory_space<vmem>>, vector<16xf32>,
      %get3A_603 = arith.index_cast %scan3A_81 : i32 to index
      %get3A_604 = arith.constant 688 : index
      %get3A_605 = tpu.vector_load %arg10[%get3A_603, %get3A_604] {strides = array<i32>} : memref<64x768xf32, #tpu.memory_space<vmem>>, vector<16xf32>,
      %mul3A_606 = arith.mulf %get3A_605, %get3A_83 : vector<16xf32>
      %get3A_607 = arith.index_cast %scan3A_81 : i32 to index
      %get3A_608 = arith.constant 688 : index
      %get3A_609 = tpu.vector_load %arg11[%get3A_607, %get3A_608] {strides = array<i32>} : memref<64x768xf32, #tpu.memory_space<vmem>>, vector<16xf32>,
      %mul3A_610 = arith.mulf %get3A_609, %get3A_86 : vector<16xf32>
      %add3A_611 = arith.addf %mul3A_606, %mul3A_610 : vector<16xf32>
      %swap3A_612 = arith.index_cast %scan3A_81 : i32 to index
      %swap3A_613 = arith.constant 688 : index
      %swap3A_614 = tpu.vector_load %arg10[%swap3A_612, %swap3A_613] {strides = array<i32>} : memref<64x768xf32, #tpu.memory_space<vmem>>, vector<16xf32>,
      tpu.vector_store %arg10[%swap3A_612, %swap3A_613], %add3A_611 {strides = array<i32>} : memref<64x768xf32, #tpu.memory_space<vmem>>, vector<16xf32>,
      %get3A_615 = arith.index_cast %scan3A_81 : i32 to index
      %get3A_616 = arith.constant 704 : index
      %get3A_617 = tpu.vector_load %arg10[%get3A_615, %get3A_616] {strides = array<i32>} : memref<64x768xf32, #tpu.memory_space<vmem>>, vector<16xf32>,
      %mul3A_618 = arith.mulf %get3A_617, %get3A_83 : vector<16xf32>
      %get3A_619 = arith.index_cast %scan3A_81 : i32 to index
      %get3A_620 = arith.constant 704 : index
      %get3A_621 = tpu.vector_load %arg11[%get3A_619, %get3A_620] {strides = array<i32>} : memref<64x768xf32, #tpu.memory_space<vmem>>, vector<16xf32>,
      %mul3A_622 = arith.mulf %get3A_621, %get3A_86 : vector<16xf32>
      %add3A_623 = arith.addf %mul3A_618, %mul3A_622 : vector<16xf32>
      %swap3A_624 = arith.index_cast %scan3A_81 : i32 to index
      %swap3A_625 = arith.constant 704 : index
      %swap3A_626 = tpu.vector_load %arg10[%swap3A_624, %swap3A_625] {strides = array<i32>} : memref<64x768xf32, #tpu.memory_space<vmem>>, vector<16xf32>,
      tpu.vector_store %arg10[%swap3A_624, %swap3A_625], %add3A_623 {strides = array<i32>} : memref<64x768xf32, #tpu.memory_space<vmem>>, vector<16xf32>,
      %get3A_627 = arith.index_cast %scan3A_81 : i32 to index
      %get3A_628 = arith.constant 720 : index
      %get3A_629 = tpu.vector_load %arg10[%get3A_627, %get3A_628] {strides = array<i32>} : memref<64x768xf32, #tpu.memory_space<vmem>>, vector<16xf32>,
      %mul3A_630 = arith.mulf %get3A_629, %get3A_83 : vector<16xf32>
      %get3A_631 = arith.index_cast %scan3A_81 : i32 to index
      %get3A_632 = arith.constant 720 : index
      %get3A_633 = tpu.vector_load %arg11[%get3A_631, %get3A_632] {strides = array<i32>} : memref<64x768xf32, #tpu.memory_space<vmem>>, vector<16xf32>,
      %mul3A_634 = arith.mulf %get3A_633, %get3A_86 : vector<16xf32>
      %add3A_635 = arith.addf %mul3A_630, %mul3A_634 : vector<16xf32>
      %swap3A_636 = arith.index_cast %scan3A_81 : i32 to index
      %swap3A_637 = arith.constant 720 : index
      %swap3A_638 = tpu.vector_load %arg10[%swap3A_636, %swap3A_637] {strides = array<i32>} : memref<64x768xf32, #tpu.memory_space<vmem>>, vector<16xf32>,
      tpu.vector_store %arg10[%swap3A_636, %swap3A_637], %add3A_635 {strides = array<i32>} : memref<64x768xf32, #tpu.memory_space<vmem>>, vector<16xf32>,
      %get3A_639 = arith.index_cast %scan3A_81 : i32 to index
      %get3A_640 = arith.constant 736 : index
      %get3A_641 = tpu.vector_load %arg10[%get3A_639, %get3A_640] {strides = array<i32>} : memref<64x768xf32, #tpu.memory_space<vmem>>, vector<16xf32>,
      %mul3A_642 = arith.mulf %get3A_641, %get3A_83 : vector<16xf32>
      %get3A_643 = arith.index_cast %scan3A_81 : i32 to index
      %get3A_644 = arith.constant 736 : index
      %get3A_645 = tpu.vector_load %arg11[%get3A_643, %get3A_644] {strides = array<i32>} : memref<64x768xf32, #tpu.memory_space<vmem>>, vector<16xf32>,
      %mul3A_646 = arith.mulf %get3A_645, %get3A_86 : vector<16xf32>
      %add3A_647 = arith.addf %mul3A_642, %mul3A_646 : vector<16xf32>
      %swap3A_648 = arith.index_cast %scan3A_81 : i32 to index
      %swap3A_649 = arith.constant 736 : index
      %swap3A_650 = tpu.vector_load %arg10[%swap3A_648, %swap3A_649] {strides = array<i32>} : memref<64x768xf32, #tpu.memory_space<vmem>>, vector<16xf32>,
      tpu.vector_store %arg10[%swap3A_648, %swap3A_649], %add3A_647 {strides = array<i32>} : memref<64x768xf32, #tpu.memory_space<vmem>>, vector<16xf32>,
      %get3A_651 = arith.index_cast %scan3A_81 : i32 to index
      %get3A_652 = arith.constant 752 : index
      %get3A_653 = tpu.vector_load %arg10[%get3A_651, %get3A_652] {strides = array<i32>} : memref<64x768xf32, #tpu.memory_space<vmem>>, vector<16xf32>,
      %mul3A_654 = arith.mulf %get3A_653, %get3A_83 : vector<16xf32>
      %get3A_655 = arith.index_cast %scan3A_81 : i32 to index
      %get3A_656 = arith.constant 752 : index
      %get3A_657 = tpu.vector_load %arg11[%get3A_655, %get3A_656] {strides = array<i32>} : memref<64x768xf32, #tpu.memory_space<vmem>>, vector<16xf32>,
      %mul3A_658 = arith.mulf %get3A_657, %get3A_86 : vector<16xf32>
      %add3A_659 = arith.addf %mul3A_654, %mul3A_658 : vector<16xf32>
      %swap3A_660 = arith.index_cast %scan3A_81 : i32 to index
      %swap3A_661 = arith.constant 752 : index
      %swap3A_662 = tpu.vector_load %arg10[%swap3A_660, %swap3A_661] {strides = array<i32>} : memref<64x768xf32, #tpu.memory_space<vmem>>, vector<16xf32>,
      tpu.vector_store %arg10[%swap3A_660, %swap3A_661], %add3A_659 {strides = array<i32>} : memref<64x768xf32, #tpu.memory_space<vmem>>, vector<16xf32>,
    }
    %scan3A_80 = arith.constant 64 : i32
    "tpu.region"() ({
      %run_scoped3A = tpu.sem_alloc : memref<!tpu.dma_semaphore, #tpu.memory_space<semaphore_mem>>
      %dma_start3A_81 = arith.constant 0 : i32
      %dma_start3A_82 = tpu.memref_slice %arg5[%mul3A_2, %dma_start3A_81] : memref<2048x768xf32, #tpu.memory_space<hbm>> -> memref<64x768xf32, #tpu.memory_space<hbm>>
      %dma_start3A_83 = arith.constant 0 : i32
      %dma_start3A_84 = tpu.memref_slice %arg5[%mul3A_2, %dma_start3A_83] : memref<2048x768xf32, #tpu.memory_space<hbm>> -> memref<64x768xf32, #tpu.memory_space<hbm>>
      tpu.enqueue_dma source(%arg10 : memref<64x768xf32, #tpu.memory_space<vmem>>) target(%dma_start3A_84 : memref<64x768xf32, #tpu.memory_space<hbm>>) target_semaphore(%run_scoped3A : memref<!tpu.dma_semaphore, #tpu.memory_space<semaphore_mem>>)
      %dma_wait3A_85 = arith.constant 0 : i32
      %dma_wait3A_86 = tpu.memref_slice %arg5[%mul3A_2, %dma_wait3A_85] : memref<2048x768xf32, #tpu.memory_space<hbm>> -> memref<64x768xf32, #tpu.memory_space<hbm>>
      %dma_wait3A_87 = arith.constant 0 : i32
      %dma_wait3A_88 = tpu.memref_slice %arg5[%mul3A_2, %dma_wait3A_87] : memref<2048x768xf32, #tpu.memory_space<hbm>> -> memref<64x768xf32, #tpu.memory_space<hbm>>
      tpu.wait_dma2 semaphore(%run_scoped3A : memref<!tpu.dma_semaphore, #tpu.memory_space<semaphore_mem>>) src(%arg10 : memref<64x768xf32, #tpu.memory_space<vmem>>) dst(%dma_wait3A_88 : memref<64x768xf32, #tpu.memory_space<hbm>>)
      tpu.yield
    }) : () -> ()
    return
  }
}

module attributes {stable_mosaic.version = 14 : i64} {
  func.func @_ffn_body(%arg0: i32, %arg1: memref<15xi32, #tpu.memory_space<smem>>, %arg2: memref<15xi32, #tpu.memory_space<smem>>, %arg3: memref<15xi32, #tpu.memory_space<smem>>, %arg4: memref<512x768xf32, #tpu.memory_space<vmem>>, %arg5: memref<1x1536x768xf32, #tpu.memory_space<vmem>>, %arg6: memref<1x768x1536xf32, #tpu.memory_space<vmem>>, %arg7: memref<512x768xf32, #tpu.memory_space<vmem>>) attributes {dimension_semantics = [#tpu.dimension_semantics<arbitrary>], iteration_bounds = array<i64: 15>, scalar_prefetch = 3 : i64, scratch_operands = 0 : i64, tpu.core_type = #tpu.core_type<tc>, window_params = [{transform_indices = @transform_0, window_bounds = array<i64: 512, 768>}, {transform_indices = @transform_1, window_bounds = array<i64: 1, 1536, 768>}, {transform_indices = @transform_2, window_bounds = array<i64: 1, 768, 1536>}, {transform_indices = @transform_3, window_bounds = array<i64: 512, 768>}]} {
    %get3A = arith.index_cast %arg0 : i32 to index
    %get3A_0 = memref.load %arg3[%get3A] : memref<15xi32, #tpu.memory_space<smem>>
    %eq3A = arith.constant 1 : i32
    %eq3A_1 = arith.cmpi eq, %get3A_0, %eq3A : i32
    %convert_element_type3A = arith.extui %eq3A_1 : i1 to i32
    %cond3A = arith.constant 0 : i32
    %cond3A_2 = arith.cmpi ne, %convert_element_type3A, %cond3A : i32
    scf.if %cond3A_2 {
      %get3A_3 = arith.constant 0 : index
      %get3A_4 = arith.constant 0 : index
      %get3A_5 = vector.load %arg4[%get3A_3, %get3A_4] : memref<512x768xf32, #tpu.memory_space<vmem>>, vector<512x768xf32>
      %convert_element_type3A_6 = arith.truncf %get3A_5 : vector<512x768xf32> to vector<512x768xbf16>
      %get3A_7 = arith.constant 0 : index
      %get3A_8 = arith.constant 0 : index
      %get3A_9 = arith.constant 0 : index
      %get3A_10 = vector.load %arg5[%get3A_7, %get3A_8, %get3A_9] : memref<1x1536x768xf32, #tpu.memory_space<vmem>>, vector<1x1536x768xf32>
      %get3A_11 = vector.shape_cast %get3A_10 : vector<1x1536x768xf32> to vector<1536x768xf32>
      %convert_element_type3A_12 = arith.truncf %get3A_11 : vector<1536x768xf32> to vector<1536x768xbf16>
      %dot_general3A = arith.constant dense<0.000000e+00> : vector<512x1536xf32>
      %dot_general3A_13 = tpu.matmul %convert_element_type3A_6, %convert_element_type3A_12, %dot_general3A {dimension_numbers = #tpu.dot_dimension_numbers<[1], [1], [0], [0], [0, 0, 1, 0], [], []>, transpose_lhs_hint = false} : vector<512x768xbf16>, vector<1536x768xbf16>, vector<512x1536xf32> -> vector<512x1536xf32>
      %mul3A = arith.constant 5.000000e-01 : f32
      %mul3A_14 = vector.broadcast %mul3A : f32 to vector<512x1536xf32>
      %mul3A_15 = arith.mulf %mul3A_14, %dot_general3A_13 : vector<512x1536xf32>
      %mul3A_16 = arith.constant 0.707106769 : f32
      %mul3A_17 = vector.broadcast %mul3A_16 : f32 to vector<512x1536xf32>
      %mul3A_18 = arith.mulf %dot_general3A_13, %mul3A_17 : vector<512x1536xf32>
      %erf3A = math.erf %mul3A_18 : vector<512x1536xf32>
      %add3A = arith.constant 1.000000e+00 : f32
      %add3A_19 = vector.broadcast %add3A : f32 to vector<512x1536xf32>
      %add3A_20 = arith.addf %add3A_19, %erf3A : vector<512x1536xf32>
      %mul3A_21 = arith.mulf %mul3A_15, %add3A_20 : vector<512x1536xf32>
      %convert_element_type3A_22 = arith.truncf %mul3A_21 : vector<512x1536xf32> to vector<512x1536xbf16>
      %get3A_23 = arith.constant 0 : index
      %get3A_24 = arith.constant 0 : index
      %get3A_25 = arith.constant 0 : index
      %get3A_26 = vector.load %arg6[%get3A_23, %get3A_24, %get3A_25] : memref<1x768x1536xf32, #tpu.memory_space<vmem>>, vector<1x768x1536xf32>
      %get3A_27 = vector.shape_cast %get3A_26 : vector<1x768x1536xf32> to vector<768x1536xf32>
      %convert_element_type3A_28 = arith.truncf %get3A_27 : vector<768x1536xf32> to vector<768x1536xbf16>
      %dot_general3A_29 = arith.constant dense<0.000000e+00> : vector<512x768xf32>
      %dot_general3A_30 = tpu.matmul %convert_element_type3A_22, %convert_element_type3A_28, %dot_general3A_29 {dimension_numbers = #tpu.dot_dimension_numbers<[1], [1], [0], [0], [0, 0, 1, 0], [], []>, transpose_lhs_hint = false} : vector<512x1536xbf16>, vector<768x1536xbf16>, vector<512x768xf32> -> vector<512x768xf32>
      %swap3A = arith.constant 0 : index
      %swap3A_31 = arith.constant 0 : index
      %swap3A_32 = vector.load %arg7[%swap3A, %swap3A_31] : memref<512x768xf32, #tpu.memory_space<vmem>>, vector<512x768xf32>
      tpu.vector_store %arg7[%swap3A, %swap3A_31], %dot_general3A_30 {strides = array<i32>} : memref<512x768xf32, #tpu.memory_space<vmem>>, vector<512x768xf32>,
    } else {
    }
    return
  }
  func.func @transform_0(%arg0: i32, %arg1: memref<15xi32, #tpu.memory_space<smem>>, %arg2: memref<15xi32, #tpu.memory_space<smem>>, %arg3: memref<15xi32, #tpu.memory_space<smem>>) -> (i32, i32) {
    %get3A = arith.index_cast %arg0 : i32 to index
    %get3A_0 = memref.load %arg2[%get3A] : memref<15xi32, #tpu.memory_space<smem>>
    %c0_i32 = arith.constant 0 : i32
    %c0_i32_1 = arith.constant 0 : i32
    return %get3A_0, %c0_i32 : i32, i32
  }
  func.func @transform_1(%arg0: i32, %arg1: memref<15xi32, #tpu.memory_space<smem>>, %arg2: memref<15xi32, #tpu.memory_space<smem>>, %arg3: memref<15xi32, #tpu.memory_space<smem>>) -> (i32, i32, i32) {
    %get3A = arith.index_cast %arg0 : i32 to index
    %get3A_0 = memref.load %arg1[%get3A] : memref<15xi32, #tpu.memory_space<smem>>
    %c0_i32 = arith.constant 0 : i32
    %c0_i32_1 = arith.constant 0 : i32
    %c0_i32_2 = arith.constant 0 : i32
    return %get3A_0, %c0_i32, %c0_i32_1 : i32, i32, i32
  }
  func.func @transform_2(%arg0: i32, %arg1: memref<15xi32, #tpu.memory_space<smem>>, %arg2: memref<15xi32, #tpu.memory_space<smem>>, %arg3: memref<15xi32, #tpu.memory_space<smem>>) -> (i32, i32, i32) {
    %get3A = arith.index_cast %arg0 : i32 to index
    %get3A_0 = memref.load %arg1[%get3A] : memref<15xi32, #tpu.memory_space<smem>>
    %c0_i32 = arith.constant 0 : i32
    %c0_i32_1 = arith.constant 0 : i32
    %c0_i32_2 = arith.constant 0 : i32
    return %get3A_0, %c0_i32, %c0_i32_1 : i32, i32, i32
  }
  func.func @transform_3(%arg0: i32, %arg1: memref<15xi32, #tpu.memory_space<smem>>, %arg2: memref<15xi32, #tpu.memory_space<smem>>, %arg3: memref<15xi32, #tpu.memory_space<smem>>) -> (i32, i32) {
    %get3A = arith.index_cast %arg0 : i32 to index
    %get3A_0 = memref.load %arg2[%get3A] : memref<15xi32, #tpu.memory_space<smem>>
    %c0_i32 = arith.constant 0 : i32
    %c0_i32_1 = arith.constant 0 : i32
    return %get3A_0, %c0_i32 : i32, i32
  }
}

module attributes {stable_mosaic.version = 14 : i64} {
  func.func @_router_body(%arg0: memref<2048x768xf32, #tpu.memory_space<vmem>>, %arg1: memref<8x768xf32, #tpu.memory_space<vmem>>, %arg2: memref<2048x8xi32, #tpu.memory_space<vmem>>, %arg3: memref<2048x32xf32, #tpu.memory_space<vmem>>, %arg4: memref<15xi32, #tpu.memory_space<smem>>, %arg5: memref<15xi32, #tpu.memory_space<smem>>, %arg6: memref<15xi32, #tpu.memory_space<smem>>) attributes {dimension_semantics = [], scalar_prefetch = 0 : i64, scratch_operands = 0 : i64, tpu.core_type = #tpu.core_type<tc>} {
    %get3A = arith.constant 0 : index
    %get3A_0 = arith.constant 0 : index
    %get3A_1 = vector.load %arg0[%get3A, %get3A_0] : memref<2048x768xf32, #tpu.memory_space<vmem>>, vector<2048x768xf32>
    %get3A_2 = arith.constant 0 : index
    %get3A_3 = arith.constant 0 : index
    %get3A_4 = vector.load %arg1[%get3A_2, %get3A_3] : memref<8x768xf32, #tpu.memory_space<vmem>>, vector<8x768xf32>
    %dot_general3A = arith.constant dense<0.000000e+00> : vector<2048x8xf32>
    %dot_general3A_5 = tpu.matmul %get3A_1, %get3A_4, %dot_general3A {dimension_numbers = #tpu.dot_dimension_numbers<[1], [1], [0], [0], [0, 0, 1, 0], [], []>, transpose_lhs_hint = false} : vector<2048x768xf32>, vector<8x768xf32>, vector<2048x8xf32> -> vector<2048x8xf32>
    %iota3A = tpu.iota {dimensions = array<i32: 1>} : vector<2048x8xi32>
    %reduce_max3A = arith.constant dense<0xFF800000> : vector<2048xf32>
    %reduce_max3A_6 = vector.multi_reduction <maximumf>, %dot_general3A_5, %reduce_max3A [1] : vector<2048x8xf32> to vector<2048xf32>
    %broadcast_in_dim3A = vector.shape_cast %reduce_max3A_6 : vector<2048xf32> to vector<2048x1xf32>
    %eq3A = vector.broadcast %broadcast_in_dim3A : vector<2048x1xf32> to vector<2048x8xf32>
    %eq3A_7 = arith.cmpf oeq, %dot_general3A_5, %eq3A : vector<2048x8xf32>
    %jit3A = arith.constant 8 : i32
    %broadcast_in_dim3A_8 = vector.broadcast %jit3A : i32 to vector<2048x8xi32>
    %select_n3A = arith.select %eq3A_7, %iota3A, %broadcast_in_dim3A_8 : vector<2048x8xi1>, vector<2048x8xi32>
    %reduce_min3A = arith.constant dense<2147483647> : vector<2048xi32>
    %reduce_min3A_9 = vector.multi_reduction <minsi>, %select_n3A, %reduce_min3A [1] : vector<2048x8xi32> to vector<2048xi32>
    %broadcast_in_dim3A_10 = vector.shape_cast %reduce_min3A_9 : vector<2048xi32> to vector<2048x1xi32>
    %eq3A_11 = vector.broadcast %broadcast_in_dim3A_10 : vector<2048x1xi32> to vector<2048x8xi32>
    %eq3A_12 = arith.cmpi eq, %iota3A, %eq3A_11 : vector<2048x8xi32>
    %jit3A_13 = arith.constant 0xFF800000 : f32
    %broadcast_in_dim3A_14 = vector.broadcast %jit3A_13 : f32 to vector<2048x8xf32>
    %select_n3A_15 = arith.select %eq3A_12, %broadcast_in_dim3A_14, %dot_general3A_5 : vector<2048x8xi1>, vector<2048x8xf32>
    %reduce_max3A_16 = arith.constant dense<0xFF800000> : vector<2048xf32>
    %reduce_max3A_17 = vector.multi_reduction <maximumf>, %select_n3A_15, %reduce_max3A_16 [1] : vector<2048x8xf32> to vector<2048xf32>
    %broadcast_in_dim3A_18 = vector.shape_cast %reduce_max3A_17 : vector<2048xf32> to vector<2048x1xf32>
    %eq3A_19 = vector.broadcast %broadcast_in_dim3A_18 : vector<2048x1xf32> to vector<2048x8xf32>
    %eq3A_20 = arith.cmpf oeq, %select_n3A_15, %eq3A_19 : vector<2048x8xf32>
    %jit3A_21 = arith.constant 8 : i32
    %broadcast_in_dim3A_22 = vector.broadcast %jit3A_21 : i32 to vector<2048x8xi32>
    %select_n3A_23 = arith.select %eq3A_20, %iota3A, %broadcast_in_dim3A_22 : vector<2048x8xi1>, vector<2048x8xi32>
    %reduce_min3A_24 = arith.constant dense<2147483647> : vector<2048xi32>
    %reduce_min3A_25 = vector.multi_reduction <minsi>, %select_n3A_23, %reduce_min3A_24 [1] : vector<2048x8xi32> to vector<2048xi32>
    %broadcast_in_dim3A_26 = vector.shape_cast %reduce_min3A_25 : vector<2048xi32> to vector<2048x1xi32>
    %sub3A = arith.subf %broadcast_in_dim3A_18, %broadcast_in_dim3A : vector<2048x1xf32>
    %exp3A = math.exp %sub3A : vector<2048x1xf32>
    %add3A = arith.constant 1.000000e+00 : f32
    %add3A_27 = vector.broadcast %add3A : f32 to vector<2048x1xf32>
    %add3A_28 = arith.addf %add3A_27, %exp3A : vector<2048x1xf32>
    %div3A = arith.constant 1.000000e+00 : f32
    %div3A_29 = vector.broadcast %div3A : f32 to vector<2048x1xf32>
    %div3A_30 = arith.divf %div3A_29, %add3A_28 : vector<2048x1xf32>
    %eq3A_31 = vector.broadcast %broadcast_in_dim3A_10 : vector<2048x1xi32> to vector<2048x8xi32>
    %eq3A_32 = arith.cmpi eq, %iota3A, %eq3A_31 : vector<2048x8xi32>
    %convert_element_type3A = arith.extui %eq3A_32 : vector<2048x8xi1> to vector<2048x8xi32>
    %convert_element_type3A_33 = arith.sitofp %convert_element_type3A : vector<2048x8xi32> to vector<2048x8xf32>
    %eq3A_34 = vector.broadcast %broadcast_in_dim3A_26 : vector<2048x1xi32> to vector<2048x8xi32>
    %eq3A_35 = arith.cmpi eq, %iota3A, %eq3A_34 : vector<2048x8xi32>
    %convert_element_type3A_36 = arith.extui %eq3A_35 : vector<2048x8xi1> to vector<2048x8xi32>
    %convert_element_type3A_37 = arith.sitofp %convert_element_type3A_36 : vector<2048x8xi32> to vector<2048x8xf32>
    %add3A_38 = arith.addf %convert_element_type3A_33, %convert_element_type3A_37 : vector<2048x8xf32>
    %iota3A_39 = tpu.iota {dimensions = array<i32: 0>} : vector<128x128xi32>
    %iota3A_40 = tpu.iota {dimensions = array<i32: 1>} : vector<128x128xi32>
    %lt3A = arith.cmpi slt, %iota3A_40, %iota3A_39 : vector<128x128xi32>
    %convert_element_type3A_41 = arith.extui %lt3A : vector<128x128xi1> to vector<128x128xi32>
    %convert_element_type3A_42 = arith.sitofp %convert_element_type3A_41 : vector<128x128xi32> to vector<128x128xf32>
    %broadcast_in_dim3A_43 = arith.constant 0 : i32
    %broadcast_in_dim3A_44 = vector.broadcast %broadcast_in_dim3A_43 : i32 to vector<1x8xi32>
    %slice3A = vector.extract_strided_slice %add3A_38 {offsets = [0, 0], sizes = [128, 8], strides = [1, 1]} : vector<2048x8xf32> to vector<128x8xf32>
    %dot_general3A_45 = arith.constant dense<0.000000e+00> : vector<128x8xf32>
    %dot_general3A_46 = tpu.matmul %convert_element_type3A_42, %slice3A, %dot_general3A_45 {dimension_numbers = #tpu.dot_dimension_numbers<[1], [0], [0], [1], [0, 0, 1, 1], [], []>, transpose_lhs_hint = false} : vector<128x128xf32>, vector<128x8xf32>, vector<128x8xf32> -> vector<128x8xf32>
    %convert_element_type3A_47 = arith.fptosi %dot_general3A_46 : vector<128x8xf32> to vector<128x8xi32>
    %add3A_48 = vector.broadcast %broadcast_in_dim3A_44 : vector<1x8xi32> to vector<128x8xi32>
    %add3A_49 = arith.addi %convert_element_type3A_47, %add3A_48 : vector<128x8xi32>
    %reduce_sum3A = arith.constant dense<0.000000e+00> : vector<8xf32>
    %reduce_sum3A_50 = vector.multi_reduction <add>, %slice3A, %reduce_sum3A [0] : vector<128x8xf32> to vector<8xf32>
    %broadcast_in_dim3A_51 = vector.shape_cast %reduce_sum3A_50 : vector<8xf32> to vector<1x8xf32>
    %convert_element_type3A_52 = arith.fptosi %broadcast_in_dim3A_51 : vector<1x8xf32> to vector<1x8xi32>
    %add3A_53 = arith.addi %broadcast_in_dim3A_44, %convert_element_type3A_52 : vector<1x8xi32>
    %slice3A_54 = vector.extract_strided_slice %add3A_38 {offsets = [128, 0], sizes = [128, 8], strides = [1, 1]} : vector<2048x8xf32> to vector<128x8xf32>
    %dot_general3A_55 = arith.constant dense<0.000000e+00> : vector<128x8xf32>
    %dot_general3A_56 = tpu.matmul %convert_element_type3A_42, %slice3A_54, %dot_general3A_55 {dimension_numbers = #tpu.dot_dimension_numbers<[1], [0], [0], [1], [0, 0, 1, 1], [], []>, transpose_lhs_hint = false} : vector<128x128xf32>, vector<128x8xf32>, vector<128x8xf32> -> vector<128x8xf32>
    %convert_element_type3A_57 = arith.fptosi %dot_general3A_56 : vector<128x8xf32> to vector<128x8xi32>
    %add3A_58 = vector.broadcast %add3A_53 : vector<1x8xi32> to vector<128x8xi32>
    %add3A_59 = arith.addi %convert_element_type3A_57, %add3A_58 : vector<128x8xi32>
    %reduce_sum3A_60 = arith.constant dense<0.000000e+00> : vector<8xf32>
    %reduce_sum3A_61 = vector.multi_reduction <add>, %slice3A_54, %reduce_sum3A_60 [0] : vector<128x8xf32> to vector<8xf32>
    %broadcast_in_dim3A_62 = vector.shape_cast %reduce_sum3A_61 : vector<8xf32> to vector<1x8xf32>
    %convert_element_type3A_63 = arith.fptosi %broadcast_in_dim3A_62 : vector<1x8xf32> to vector<1x8xi32>
    %add3A_64 = arith.addi %add3A_53, %convert_element_type3A_63 : vector<1x8xi32>
    %slice3A_65 = vector.extract_strided_slice %add3A_38 {offsets = [256, 0], sizes = [128, 8], strides = [1, 1]} : vector<2048x8xf32> to vector<128x8xf32>
    %dot_general3A_66 = arith.constant dense<0.000000e+00> : vector<128x8xf32>
    %dot_general3A_67 = tpu.matmul %convert_element_type3A_42, %slice3A_65, %dot_general3A_66 {dimension_numbers = #tpu.dot_dimension_numbers<[1], [0], [0], [1], [0, 0, 1, 1], [], []>, transpose_lhs_hint = false} : vector<128x128xf32>, vector<128x8xf32>, vector<128x8xf32> -> vector<128x8xf32>
    %convert_element_type3A_68 = arith.fptosi %dot_general3A_67 : vector<128x8xf32> to vector<128x8xi32>
    %add3A_69 = vector.broadcast %add3A_64 : vector<1x8xi32> to vector<128x8xi32>
    %add3A_70 = arith.addi %convert_element_type3A_68, %add3A_69 : vector<128x8xi32>
    %reduce_sum3A_71 = arith.constant dense<0.000000e+00> : vector<8xf32>
    %reduce_sum3A_72 = vector.multi_reduction <add>, %slice3A_65, %reduce_sum3A_71 [0] : vector<128x8xf32> to vector<8xf32>
    %broadcast_in_dim3A_73 = vector.shape_cast %reduce_sum3A_72 : vector<8xf32> to vector<1x8xf32>
    %convert_element_type3A_74 = arith.fptosi %broadcast_in_dim3A_73 : vector<1x8xf32> to vector<1x8xi32>
    %add3A_75 = arith.addi %add3A_64, %convert_element_type3A_74 : vector<1x8xi32>
    %slice3A_76 = vector.extract_strided_slice %add3A_38 {offsets = [384, 0], sizes = [128, 8], strides = [1, 1]} : vector<2048x8xf32> to vector<128x8xf32>
    %dot_general3A_77 = arith.constant dense<0.000000e+00> : vector<128x8xf32>
    %dot_general3A_78 = tpu.matmul %convert_element_type3A_42, %slice3A_76, %dot_general3A_77 {dimension_numbers = #tpu.dot_dimension_numbers<[1], [0], [0], [1], [0, 0, 1, 1], [], []>, transpose_lhs_hint = false} : vector<128x128xf32>, vector<128x8xf32>, vector<128x8xf32> -> vector<128x8xf32>
    %convert_element_type3A_79 = arith.fptosi %dot_general3A_78 : vector<128x8xf32> to vector<128x8xi32>
    %add3A_80 = vector.broadcast %add3A_75 : vector<1x8xi32> to vector<128x8xi32>
    %add3A_81 = arith.addi %convert_element_type3A_79, %add3A_80 : vector<128x8xi32>
    %reduce_sum3A_82 = arith.constant dense<0.000000e+00> : vector<8xf32>
    %reduce_sum3A_83 = vector.multi_reduction <add>, %slice3A_76, %reduce_sum3A_82 [0] : vector<128x8xf32> to vector<8xf32>
    %broadcast_in_dim3A_84 = vector.shape_cast %reduce_sum3A_83 : vector<8xf32> to vector<1x8xf32>
    %convert_element_type3A_85 = arith.fptosi %broadcast_in_dim3A_84 : vector<1x8xf32> to vector<1x8xi32>
    %add3A_86 = arith.addi %add3A_75, %convert_element_type3A_85 : vector<1x8xi32>
    %slice3A_87 = vector.extract_strided_slice %add3A_38 {offsets = [512, 0], sizes = [128, 8], strides = [1, 1]} : vector<2048x8xf32> to vector<128x8xf32>
    %dot_general3A_88 = arith.constant dense<0.000000e+00> : vector<128x8xf32>
    %dot_general3A_89 = tpu.matmul %convert_element_type3A_42, %slice3A_87, %dot_general3A_88 {dimension_numbers = #tpu.dot_dimension_numbers<[1], [0], [0], [1], [0, 0, 1, 1], [], []>, transpose_lhs_hint = false} : vector<128x128xf32>, vector<128x8xf32>, vector<128x8xf32> -> vector<128x8xf32>
    %convert_element_type3A_90 = arith.fptosi %dot_general3A_89 : vector<128x8xf32> to vector<128x8xi32>
    %add3A_91 = vector.broadcast %add3A_86 : vector<1x8xi32> to vector<128x8xi32>
    %add3A_92 = arith.addi %convert_element_type3A_90, %add3A_91 : vector<128x8xi32>
    %reduce_sum3A_93 = arith.constant dense<0.000000e+00> : vector<8xf32>
    %reduce_sum3A_94 = vector.multi_reduction <add>, %slice3A_87, %reduce_sum3A_93 [0] : vector<128x8xf32> to vector<8xf32>
    %broadcast_in_dim3A_95 = vector.shape_cast %reduce_sum3A_94 : vector<8xf32> to vector<1x8xf32>
    %convert_element_type3A_96 = arith.fptosi %broadcast_in_dim3A_95 : vector<1x8xf32> to vector<1x8xi32>
    %add3A_97 = arith.addi %add3A_86, %convert_element_type3A_96 : vector<1x8xi32>
    %slice3A_98 = vector.extract_strided_slice %add3A_38 {offsets = [640, 0], sizes = [128, 8], strides = [1, 1]} : vector<2048x8xf32> to vector<128x8xf32>
    %dot_general3A_99 = arith.constant dense<0.000000e+00> : vector<128x8xf32>
    %dot_general3A_100 = tpu.matmul %convert_element_type3A_42, %slice3A_98, %dot_general3A_99 {dimension_numbers = #tpu.dot_dimension_numbers<[1], [0], [0], [1], [0, 0, 1, 1], [], []>, transpose_lhs_hint = false} : vector<128x128xf32>, vector<128x8xf32>, vector<128x8xf32> -> vector<128x8xf32>
    %convert_element_type3A_101 = arith.fptosi %dot_general3A_100 : vector<128x8xf32> to vector<128x8xi32>
    %add3A_102 = vector.broadcast %add3A_97 : vector<1x8xi32> to vector<128x8xi32>
    %add3A_103 = arith.addi %convert_element_type3A_101, %add3A_102 : vector<128x8xi32>
    %reduce_sum3A_104 = arith.constant dense<0.000000e+00> : vector<8xf32>
    %reduce_sum3A_105 = vector.multi_reduction <add>, %slice3A_98, %reduce_sum3A_104 [0] : vector<128x8xf32> to vector<8xf32>
    %broadcast_in_dim3A_106 = vector.shape_cast %reduce_sum3A_105 : vector<8xf32> to vector<1x8xf32>
    %convert_element_type3A_107 = arith.fptosi %broadcast_in_dim3A_106 : vector<1x8xf32> to vector<1x8xi32>
    %add3A_108 = arith.addi %add3A_97, %convert_element_type3A_107 : vector<1x8xi32>
    %slice3A_109 = vector.extract_strided_slice %add3A_38 {offsets = [768, 0], sizes = [128, 8], strides = [1, 1]} : vector<2048x8xf32> to vector<128x8xf32>
    %dot_general3A_110 = arith.constant dense<0.000000e+00> : vector<128x8xf32>
    %dot_general3A_111 = tpu.matmul %convert_element_type3A_42, %slice3A_109, %dot_general3A_110 {dimension_numbers = #tpu.dot_dimension_numbers<[1], [0], [0], [1], [0, 0, 1, 1], [], []>, transpose_lhs_hint = false} : vector<128x128xf32>, vector<128x8xf32>, vector<128x8xf32> -> vector<128x8xf32>
    %convert_element_type3A_112 = arith.fptosi %dot_general3A_111 : vector<128x8xf32> to vector<128x8xi32>
    %add3A_113 = vector.broadcast %add3A_108 : vector<1x8xi32> to vector<128x8xi32>
    %add3A_114 = arith.addi %convert_element_type3A_112, %add3A_113 : vector<128x8xi32>
    %reduce_sum3A_115 = arith.constant dense<0.000000e+00> : vector<8xf32>
    %reduce_sum3A_116 = vector.multi_reduction <add>, %slice3A_109, %reduce_sum3A_115 [0] : vector<128x8xf32> to vector<8xf32>
    %broadcast_in_dim3A_117 = vector.shape_cast %reduce_sum3A_116 : vector<8xf32> to vector<1x8xf32>
    %convert_element_type3A_118 = arith.fptosi %broadcast_in_dim3A_117 : vector<1x8xf32> to vector<1x8xi32>
    %add3A_119 = arith.addi %add3A_108, %convert_element_type3A_118 : vector<1x8xi32>
    %slice3A_120 = vector.extract_strided_slice %add3A_38 {offsets = [896, 0], sizes = [128, 8], strides = [1, 1]} : vector<2048x8xf32> to vector<128x8xf32>
    %dot_general3A_121 = arith.constant dense<0.000000e+00> : vector<128x8xf32>
    %dot_general3A_122 = tpu.matmul %convert_element_type3A_42, %slice3A_120, %dot_general3A_121 {dimension_numbers = #tpu.dot_dimension_numbers<[1], [0], [0], [1], [0, 0, 1, 1], [], []>, transpose_lhs_hint = false} : vector<128x128xf32>, vector<128x8xf32>, vector<128x8xf32> -> vector<128x8xf32>
    %convert_element_type3A_123 = arith.fptosi %dot_general3A_122 : vector<128x8xf32> to vector<128x8xi32>
    %add3A_124 = vector.broadcast %add3A_119 : vector<1x8xi32> to vector<128x8xi32>
    %add3A_125 = arith.addi %convert_element_type3A_123, %add3A_124 : vector<128x8xi32>
    %reduce_sum3A_126 = arith.constant dense<0.000000e+00> : vector<8xf32>
    %reduce_sum3A_127 = vector.multi_reduction <add>, %slice3A_120, %reduce_sum3A_126 [0] : vector<128x8xf32> to vector<8xf32>
    %broadcast_in_dim3A_128 = vector.shape_cast %reduce_sum3A_127 : vector<8xf32> to vector<1x8xf32>
    %convert_element_type3A_129 = arith.fptosi %broadcast_in_dim3A_128 : vector<1x8xf32> to vector<1x8xi32>
    %add3A_130 = arith.addi %add3A_119, %convert_element_type3A_129 : vector<1x8xi32>
    %slice3A_131 = vector.extract_strided_slice %add3A_38 {offsets = [1024, 0], sizes = [128, 8], strides = [1, 1]} : vector<2048x8xf32> to vector<128x8xf32>
    %dot_general3A_132 = arith.constant dense<0.000000e+00> : vector<128x8xf32>
    %dot_general3A_133 = tpu.matmul %convert_element_type3A_42, %slice3A_131, %dot_general3A_132 {dimension_numbers = #tpu.dot_dimension_numbers<[1], [0], [0], [1], [0, 0, 1, 1], [], []>, transpose_lhs_hint = false} : vector<128x128xf32>, vector<128x8xf32>, vector<128x8xf32> -> vector<128x8xf32>
    %convert_element_type3A_134 = arith.fptosi %dot_general3A_133 : vector<128x8xf32> to vector<128x8xi32>
    %add3A_135 = vector.broadcast %add3A_130 : vector<1x8xi32> to vector<128x8xi32>
    %add3A_136 = arith.addi %convert_element_type3A_134, %add3A_135 : vector<128x8xi32>
    %reduce_sum3A_137 = arith.constant dense<0.000000e+00> : vector<8xf32>
    %reduce_sum3A_138 = vector.multi_reduction <add>, %slice3A_131, %reduce_sum3A_137 [0] : vector<128x8xf32> to vector<8xf32>
    %broadcast_in_dim3A_139 = vector.shape_cast %reduce_sum3A_138 : vector<8xf32> to vector<1x8xf32>
    %convert_element_type3A_140 = arith.fptosi %broadcast_in_dim3A_139 : vector<1x8xf32> to vector<1x8xi32>
    %add3A_141 = arith.addi %add3A_130, %convert_element_type3A_140 : vector<1x8xi32>
    %slice3A_142 = vector.extract_strided_slice %add3A_38 {offsets = [1152, 0], sizes = [128, 8], strides = [1, 1]} : vector<2048x8xf32> to vector<128x8xf32>
    %dot_general3A_143 = arith.constant dense<0.000000e+00> : vector<128x8xf32>
    %dot_general3A_144 = tpu.matmul %convert_element_type3A_42, %slice3A_142, %dot_general3A_143 {dimension_numbers = #tpu.dot_dimension_numbers<[1], [0], [0], [1], [0, 0, 1, 1], [], []>, transpose_lhs_hint = false} : vector<128x128xf32>, vector<128x8xf32>, vector<128x8xf32> -> vector<128x8xf32>
    %convert_element_type3A_145 = arith.fptosi %dot_general3A_144 : vector<128x8xf32> to vector<128x8xi32>
    %add3A_146 = vector.broadcast %add3A_141 : vector<1x8xi32> to vector<128x8xi32>
    %add3A_147 = arith.addi %convert_element_type3A_145, %add3A_146 : vector<128x8xi32>
    %reduce_sum3A_148 = arith.constant dense<0.000000e+00> : vector<8xf32>
    %reduce_sum3A_149 = vector.multi_reduction <add>, %slice3A_142, %reduce_sum3A_148 [0] : vector<128x8xf32> to vector<8xf32>
    %broadcast_in_dim3A_150 = vector.shape_cast %reduce_sum3A_149 : vector<8xf32> to vector<1x8xf32>
    %convert_element_type3A_151 = arith.fptosi %broadcast_in_dim3A_150 : vector<1x8xf32> to vector<1x8xi32>
    %add3A_152 = arith.addi %add3A_141, %convert_element_type3A_151 : vector<1x8xi32>
    %slice3A_153 = vector.extract_strided_slice %add3A_38 {offsets = [1280, 0], sizes = [128, 8], strides = [1, 1]} : vector<2048x8xf32> to vector<128x8xf32>
    %dot_general3A_154 = arith.constant dense<0.000000e+00> : vector<128x8xf32>
    %dot_general3A_155 = tpu.matmul %convert_element_type3A_42, %slice3A_153, %dot_general3A_154 {dimension_numbers = #tpu.dot_dimension_numbers<[1], [0], [0], [1], [0, 0, 1, 1], [], []>, transpose_lhs_hint = false} : vector<128x128xf32>, vector<128x8xf32>, vector<128x8xf32> -> vector<128x8xf32>
    %convert_element_type3A_156 = arith.fptosi %dot_general3A_155 : vector<128x8xf32> to vector<128x8xi32>
    %add3A_157 = vector.broadcast %add3A_152 : vector<1x8xi32> to vector<128x8xi32>
    %add3A_158 = arith.addi %convert_element_type3A_156, %add3A_157 : vector<128x8xi32>
    %reduce_sum3A_159 = arith.constant dense<0.000000e+00> : vector<8xf32>
    %reduce_sum3A_160 = vector.multi_reduction <add>, %slice3A_153, %reduce_sum3A_159 [0] : vector<128x8xf32> to vector<8xf32>
    %broadcast_in_dim3A_161 = vector.shape_cast %reduce_sum3A_160 : vector<8xf32> to vector<1x8xf32>
    %convert_element_type3A_162 = arith.fptosi %broadcast_in_dim3A_161 : vector<1x8xf32> to vector<1x8xi32>
    %add3A_163 = arith.addi %add3A_152, %convert_element_type3A_162 : vector<1x8xi32>
    %slice3A_164 = vector.extract_strided_slice %add3A_38 {offsets = [1408, 0], sizes = [128, 8], strides = [1, 1]} : vector<2048x8xf32> to vector<128x8xf32>
    %dot_general3A_165 = arith.constant dense<0.000000e+00> : vector<128x8xf32>
    %dot_general3A_166 = tpu.matmul %convert_element_type3A_42, %slice3A_164, %dot_general3A_165 {dimension_numbers = #tpu.dot_dimension_numbers<[1], [0], [0], [1], [0, 0, 1, 1], [], []>, transpose_lhs_hint = false} : vector<128x128xf32>, vector<128x8xf32>, vector<128x8xf32> -> vector<128x8xf32>
    %convert_element_type3A_167 = arith.fptosi %dot_general3A_166 : vector<128x8xf32> to vector<128x8xi32>
    %add3A_168 = vector.broadcast %add3A_163 : vector<1x8xi32> to vector<128x8xi32>
    %add3A_169 = arith.addi %convert_element_type3A_167, %add3A_168 : vector<128x8xi32>
    %reduce_sum3A_170 = arith.constant dense<0.000000e+00> : vector<8xf32>
    %reduce_sum3A_171 = vector.multi_reduction <add>, %slice3A_164, %reduce_sum3A_170 [0] : vector<128x8xf32> to vector<8xf32>
    %broadcast_in_dim3A_172 = vector.shape_cast %reduce_sum3A_171 : vector<8xf32> to vector<1x8xf32>
    %convert_element_type3A_173 = arith.fptosi %broadcast_in_dim3A_172 : vector<1x8xf32> to vector<1x8xi32>
    %add3A_174 = arith.addi %add3A_163, %convert_element_type3A_173 : vector<1x8xi32>
    %slice3A_175 = vector.extract_strided_slice %add3A_38 {offsets = [1536, 0], sizes = [128, 8], strides = [1, 1]} : vector<2048x8xf32> to vector<128x8xf32>
    %dot_general3A_176 = arith.constant dense<0.000000e+00> : vector<128x8xf32>
    %dot_general3A_177 = tpu.matmul %convert_element_type3A_42, %slice3A_175, %dot_general3A_176 {dimension_numbers = #tpu.dot_dimension_numbers<[1], [0], [0], [1], [0, 0, 1, 1], [], []>, transpose_lhs_hint = false} : vector<128x128xf32>, vector<128x8xf32>, vector<128x8xf32> -> vector<128x8xf32>
    %convert_element_type3A_178 = arith.fptosi %dot_general3A_177 : vector<128x8xf32> to vector<128x8xi32>
    %add3A_179 = vector.broadcast %add3A_174 : vector<1x8xi32> to vector<128x8xi32>
    %add3A_180 = arith.addi %convert_element_type3A_178, %add3A_179 : vector<128x8xi32>
    %reduce_sum3A_181 = arith.constant dense<0.000000e+00> : vector<8xf32>
    %reduce_sum3A_182 = vector.multi_reduction <add>, %slice3A_175, %reduce_sum3A_181 [0] : vector<128x8xf32> to vector<8xf32>
    %broadcast_in_dim3A_183 = vector.shape_cast %reduce_sum3A_182 : vector<8xf32> to vector<1x8xf32>
    %convert_element_type3A_184 = arith.fptosi %broadcast_in_dim3A_183 : vector<1x8xf32> to vector<1x8xi32>
    %add3A_185 = arith.addi %add3A_174, %convert_element_type3A_184 : vector<1x8xi32>
    %slice3A_186 = vector.extract_strided_slice %add3A_38 {offsets = [1664, 0], sizes = [128, 8], strides = [1, 1]} : vector<2048x8xf32> to vector<128x8xf32>
    %dot_general3A_187 = arith.constant dense<0.000000e+00> : vector<128x8xf32>
    %dot_general3A_188 = tpu.matmul %convert_element_type3A_42, %slice3A_186, %dot_general3A_187 {dimension_numbers = #tpu.dot_dimension_numbers<[1], [0], [0], [1], [0, 0, 1, 1], [], []>, transpose_lhs_hint = false} : vector<128x128xf32>, vector<128x8xf32>, vector<128x8xf32> -> vector<128x8xf32>
    %convert_element_type3A_189 = arith.fptosi %dot_general3A_188 : vector<128x8xf32> to vector<128x8xi32>
    %add3A_190 = vector.broadcast %add3A_185 : vector<1x8xi32> to vector<128x8xi32>
    %add3A_191 = arith.addi %convert_element_type3A_189, %add3A_190 : vector<128x8xi32>
    %reduce_sum3A_192 = arith.constant dense<0.000000e+00> : vector<8xf32>
    %reduce_sum3A_193 = vector.multi_reduction <add>, %slice3A_186, %reduce_sum3A_192 [0] : vector<128x8xf32> to vector<8xf32>
    %broadcast_in_dim3A_194 = vector.shape_cast %reduce_sum3A_193 : vector<8xf32> to vector<1x8xf32>
    %convert_element_type3A_195 = arith.fptosi %broadcast_in_dim3A_194 : vector<1x8xf32> to vector<1x8xi32>
    %add3A_196 = arith.addi %add3A_185, %convert_element_type3A_195 : vector<1x8xi32>
    %slice3A_197 = vector.extract_strided_slice %add3A_38 {offsets = [1792, 0], sizes = [128, 8], strides = [1, 1]} : vector<2048x8xf32> to vector<128x8xf32>
    %dot_general3A_198 = arith.constant dense<0.000000e+00> : vector<128x8xf32>
    %dot_general3A_199 = tpu.matmul %convert_element_type3A_42, %slice3A_197, %dot_general3A_198 {dimension_numbers = #tpu.dot_dimension_numbers<[1], [0], [0], [1], [0, 0, 1, 1], [], []>, transpose_lhs_hint = false} : vector<128x128xf32>, vector<128x8xf32>, vector<128x8xf32> -> vector<128x8xf32>
    %convert_element_type3A_200 = arith.fptosi %dot_general3A_199 : vector<128x8xf32> to vector<128x8xi32>
    %add3A_201 = vector.broadcast %add3A_196 : vector<1x8xi32> to vector<128x8xi32>
    %add3A_202 = arith.addi %convert_element_type3A_200, %add3A_201 : vector<128x8xi32>
    %reduce_sum3A_203 = arith.constant dense<0.000000e+00> : vector<8xf32>
    %reduce_sum3A_204 = vector.multi_reduction <add>, %slice3A_197, %reduce_sum3A_203 [0] : vector<128x8xf32> to vector<8xf32>
    %broadcast_in_dim3A_205 = vector.shape_cast %reduce_sum3A_204 : vector<8xf32> to vector<1x8xf32>
    %convert_element_type3A_206 = arith.fptosi %broadcast_in_dim3A_205 : vector<1x8xf32> to vector<1x8xi32>
    %add3A_207 = arith.addi %add3A_196, %convert_element_type3A_206 : vector<1x8xi32>
    %slice3A_208 = vector.extract_strided_slice %add3A_38 {offsets = [1920, 0], sizes = [128, 8], strides = [1, 1]} : vector<2048x8xf32> to vector<128x8xf32>
    %dot_general3A_209 = arith.constant dense<0.000000e+00> : vector<128x8xf32>
    %dot_general3A_210 = tpu.matmul %convert_element_type3A_42, %slice3A_208, %dot_general3A_209 {dimension_numbers = #tpu.dot_dimension_numbers<[1], [0], [0], [1], [0, 0, 1, 1], [], []>, transpose_lhs_hint = false} : vector<128x128xf32>, vector<128x8xf32>, vector<128x8xf32> -> vector<128x8xf32>
    %convert_element_type3A_211 = arith.fptosi %dot_general3A_210 : vector<128x8xf32> to vector<128x8xi32>
    %add3A_212 = vector.broadcast %add3A_207 : vector<1x8xi32> to vector<128x8xi32>
    %add3A_213 = arith.addi %convert_element_type3A_211, %add3A_212 : vector<128x8xi32>
    %concatenate3A = tpu.concatenate %add3A_49, %add3A_59, %add3A_70, %add3A_81, %add3A_92, %add3A_103, %add3A_114, %add3A_125, %add3A_136, %add3A_147, %add3A_158, %add3A_169, %add3A_180, %add3A_191, %add3A_202, %add3A_213 in 0 : vector<128x8xi32>, vector<128x8xi32>, vector<128x8xi32>, vector<128x8xi32>, vector<128x8xi32>, vector<128x8xi32>, vector<128x8xi32>, vector<128x8xi32>, vector<128x8xi32>, vector<128x8xi32>, vector<128x8xi32>, vector<128x8xi32>, vector<128x8xi32>, vector<128x8xi32>, vector<128x8xi32>, vector<128x8xi32> -> vector<2048x8xi32>
    %slice3A_214 = vector.extract_strided_slice %add3A_38 {offsets = [0, 0], sizes = [2048, 1], strides = [1, 1]} : vector<2048x8xf32> to vector<2048x1xf32>
    %reduce_sum3A_215 = vector.shape_cast %slice3A_214 : vector<2048x1xf32> to vector<1x2048x1xf32>
    %reduce_sum3A_216 = arith.constant dense<0.000000e+00> : vector<1xf32>
    %reduce_sum3A_217 = vector.multi_reduction <add>, %reduce_sum3A_215, %reduce_sum3A_216 [1, 2] : vector<1x2048x1xf32> to vector<1xf32>
    %reduce_sum3A_218 = vector.shape_cast %reduce_sum3A_217 : vector<1xf32> to vector<1x1x1xf32>
    %reduce_sum3A_219 = vector.extract %reduce_sum3A_218[0, 0, 0] : f32 from vector<1x1x1xf32>
    %convert_element_type3A_220 = arith.fptosi %reduce_sum3A_219 : f32 to i32
    %slice3A_221 = vector.extract_strided_slice %add3A_38 {offsets = [0, 1], sizes = [2048, 1], strides = [1, 1]} : vector<2048x8xf32> to vector<2048x1xf32>
    %reduce_sum3A_222 = vector.shape_cast %slice3A_221 : vector<2048x1xf32> to vector<1x2048x1xf32>
    %reduce_sum3A_223 = arith.constant dense<0.000000e+00> : vector<1xf32>
    %reduce_sum3A_224 = vector.multi_reduction <add>, %reduce_sum3A_222, %reduce_sum3A_223 [1, 2] : vector<1x2048x1xf32> to vector<1xf32>
    %reduce_sum3A_225 = vector.shape_cast %reduce_sum3A_224 : vector<1xf32> to vector<1x1x1xf32>
    %reduce_sum3A_226 = vector.extract %reduce_sum3A_225[0, 0, 0] : f32 from vector<1x1x1xf32>
    %convert_element_type3A_227 = arith.fptosi %reduce_sum3A_226 : f32 to i32
    %slice3A_228 = vector.extract_strided_slice %add3A_38 {offsets = [0, 2], sizes = [2048, 1], strides = [1, 1]} : vector<2048x8xf32> to vector<2048x1xf32>
    %reduce_sum3A_229 = vector.shape_cast %slice3A_228 : vector<2048x1xf32> to vector<1x2048x1xf32>
    %reduce_sum3A_230 = arith.constant dense<0.000000e+00> : vector<1xf32>
    %reduce_sum3A_231 = vector.multi_reduction <add>, %reduce_sum3A_229, %reduce_sum3A_230 [1, 2] : vector<1x2048x1xf32> to vector<1xf32>
    %reduce_sum3A_232 = vector.shape_cast %reduce_sum3A_231 : vector<1xf32> to vector<1x1x1xf32>
    %reduce_sum3A_233 = vector.extract %reduce_sum3A_232[0, 0, 0] : f32 from vector<1x1x1xf32>
    %convert_element_type3A_234 = arith.fptosi %reduce_sum3A_233 : f32 to i32
    %slice3A_235 = vector.extract_strided_slice %add3A_38 {offsets = [0, 3], sizes = [2048, 1], strides = [1, 1]} : vector<2048x8xf32> to vector<2048x1xf32>
    %reduce_sum3A_236 = vector.shape_cast %slice3A_235 : vector<2048x1xf32> to vector<1x2048x1xf32>
    %reduce_sum3A_237 = arith.constant dense<0.000000e+00> : vector<1xf32>
    %reduce_sum3A_238 = vector.multi_reduction <add>, %reduce_sum3A_236, %reduce_sum3A_237 [1, 2] : vector<1x2048x1xf32> to vector<1xf32>
    %reduce_sum3A_239 = vector.shape_cast %reduce_sum3A_238 : vector<1xf32> to vector<1x1x1xf32>
    %reduce_sum3A_240 = vector.extract %reduce_sum3A_239[0, 0, 0] : f32 from vector<1x1x1xf32>
    %convert_element_type3A_241 = arith.fptosi %reduce_sum3A_240 : f32 to i32
    %slice3A_242 = vector.extract_strided_slice %add3A_38 {offsets = [0, 4], sizes = [2048, 1], strides = [1, 1]} : vector<2048x8xf32> to vector<2048x1xf32>
    %reduce_sum3A_243 = vector.shape_cast %slice3A_242 : vector<2048x1xf32> to vector<1x2048x1xf32>
    %reduce_sum3A_244 = arith.constant dense<0.000000e+00> : vector<1xf32>
    %reduce_sum3A_245 = vector.multi_reduction <add>, %reduce_sum3A_243, %reduce_sum3A_244 [1, 2] : vector<1x2048x1xf32> to vector<1xf32>
    %reduce_sum3A_246 = vector.shape_cast %reduce_sum3A_245 : vector<1xf32> to vector<1x1x1xf32>
    %reduce_sum3A_247 = vector.extract %reduce_sum3A_246[0, 0, 0] : f32 from vector<1x1x1xf32>
    %convert_element_type3A_248 = arith.fptosi %reduce_sum3A_247 : f32 to i32
    %slice3A_249 = vector.extract_strided_slice %add3A_38 {offsets = [0, 5], sizes = [2048, 1], strides = [1, 1]} : vector<2048x8xf32> to vector<2048x1xf32>
    %reduce_sum3A_250 = vector.shape_cast %slice3A_249 : vector<2048x1xf32> to vector<1x2048x1xf32>
    %reduce_sum3A_251 = arith.constant dense<0.000000e+00> : vector<1xf32>
    %reduce_sum3A_252 = vector.multi_reduction <add>, %reduce_sum3A_250, %reduce_sum3A_251 [1, 2] : vector<1x2048x1xf32> to vector<1xf32>
    %reduce_sum3A_253 = vector.shape_cast %reduce_sum3A_252 : vector<1xf32> to vector<1x1x1xf32>
    %reduce_sum3A_254 = vector.extract %reduce_sum3A_253[0, 0, 0] : f32 from vector<1x1x1xf32>
    %convert_element_type3A_255 = arith.fptosi %reduce_sum3A_254 : f32 to i32
    %slice3A_256 = vector.extract_strided_slice %add3A_38 {offsets = [0, 6], sizes = [2048, 1], strides = [1, 1]} : vector<2048x8xf32> to vector<2048x1xf32>
    %reduce_sum3A_257 = vector.shape_cast %slice3A_256 : vector<2048x1xf32> to vector<1x2048x1xf32>
    %reduce_sum3A_258 = arith.constant dense<0.000000e+00> : vector<1xf32>
    %reduce_sum3A_259 = vector.multi_reduction <add>, %reduce_sum3A_257, %reduce_sum3A_258 [1, 2] : vector<1x2048x1xf32> to vector<1xf32>
    %reduce_sum3A_260 = vector.shape_cast %reduce_sum3A_259 : vector<1xf32> to vector<1x1x1xf32>
    %reduce_sum3A_261 = vector.extract %reduce_sum3A_260[0, 0, 0] : f32 from vector<1x1x1xf32>
    %convert_element_type3A_262 = arith.fptosi %reduce_sum3A_261 : f32 to i32
    %slice3A_263 = vector.extract_strided_slice %add3A_38 {offsets = [0, 7], sizes = [2048, 1], strides = [1, 1]} : vector<2048x8xf32> to vector<2048x1xf32>
    %reduce_sum3A_264 = vector.shape_cast %slice3A_263 : vector<2048x1xf32> to vector<1x2048x1xf32>
    %reduce_sum3A_265 = arith.constant dense<0.000000e+00> : vector<1xf32>
    %reduce_sum3A_266 = vector.multi_reduction <add>, %reduce_sum3A_264, %reduce_sum3A_265 [1, 2] : vector<1x2048x1xf32> to vector<1xf32>
    %reduce_sum3A_267 = vector.shape_cast %reduce_sum3A_266 : vector<1xf32> to vector<1x1x1xf32>
    %reduce_sum3A_268 = vector.extract %reduce_sum3A_267[0, 0, 0] : f32 from vector<1x1x1xf32>
    %convert_element_type3A_269 = arith.fptosi %reduce_sum3A_268 : f32 to i32
    %add3A_270 = arith.constant 511 : i32
    %add3A_271 = arith.addi %convert_element_type3A_220, %add3A_270 : i32
    %jit3A_272 = arith.constant 512 : i32
    %div3A_273 = arith.divsi %add3A_271, %jit3A_272 : i32
    %sign3A = arith.constant 0 : i32
    %sign3A_274 = arith.cmpi sgt, %add3A_271, %sign3A : i32
    %sign3A_275 = arith.extui %sign3A_274 : i1 to i32
    %sign3A_276 = arith.constant 0 : i32
    %sign3A_277 = arith.cmpi slt, %add3A_271, %sign3A_276 : i32
    %sign3A_278 = arith.extui %sign3A_277 : i1 to i32
    %sign3A_279 = arith.subi %sign3A_275, %sign3A_278 : i32
    %sign3A_280 = arith.constant 0 : i32
    %sign3A_281 = arith.cmpi sgt, %jit3A_272, %sign3A_280 : i32
    %sign3A_282 = arith.extui %sign3A_281 : i1 to i32
    %sign3A_283 = arith.constant 0 : i32
    %sign3A_284 = arith.cmpi slt, %jit3A_272, %sign3A_283 : i32
    %sign3A_285 = arith.extui %sign3A_284 : i1 to i32
    %sign3A_286 = arith.subi %sign3A_282, %sign3A_285 : i32
    %ne3A = arith.cmpi ne, %sign3A_279, %sign3A_286 : i32
    %rem3A = arith.remsi %add3A_271, %jit3A_272 : i32
    %ne3A_287 = arith.constant 0 : i32
    %ne3A_288 = arith.cmpi ne, %rem3A, %ne3A_287 : i32
    %and3A = arith.andi %ne3A, %ne3A_288 : i1
    %sub3A_289 = arith.constant 1 : i32
    %sub3A_290 = arith.subi %div3A_273, %sub3A_289 : i32
    %select_n3A_291 = arith.select %and3A, %sub3A_290, %div3A_273 : i32
    %mul3A = arith.constant 512 : i32
    %mul3A_292 = arith.muli %select_n3A_291, %mul3A : i32
    %add3A_293 = arith.constant 0 : i32
    %add3A_294 = arith.addi %add3A_293, %mul3A_292 : i32
    %add3A_295 = arith.constant 0 : i32
    %add3A_296 = arith.addi %add3A_295, %select_n3A_291 : i32
    %add3A_297 = arith.constant 511 : i32
    %add3A_298 = arith.addi %convert_element_type3A_227, %add3A_297 : i32
    %jit3A_299 = arith.constant 512 : i32
    %div3A_300 = arith.divsi %add3A_298, %jit3A_299 : i32
    %sign3A_301 = arith.constant 0 : i32
    %sign3A_302 = arith.cmpi sgt, %add3A_298, %sign3A_301 : i32
    %sign3A_303 = arith.extui %sign3A_302 : i1 to i32
    %sign3A_304 = arith.constant 0 : i32
    %sign3A_305 = arith.cmpi slt, %add3A_298, %sign3A_304 : i32
    %sign3A_306 = arith.extui %sign3A_305 : i1 to i32
    %sign3A_307 = arith.subi %sign3A_303, %sign3A_306 : i32
    %sign3A_308 = arith.constant 0 : i32
    %sign3A_309 = arith.cmpi sgt, %jit3A_299, %sign3A_308 : i32
    %sign3A_310 = arith.extui %sign3A_309 : i1 to i32
    %sign3A_311 = arith.constant 0 : i32
    %sign3A_312 = arith.cmpi slt, %jit3A_299, %sign3A_311 : i32
    %sign3A_313 = arith.extui %sign3A_312 : i1 to i32
    %sign3A_314 = arith.subi %sign3A_310, %sign3A_313 : i32
    %ne3A_315 = arith.cmpi ne, %sign3A_307, %sign3A_314 : i32
    %rem3A_316 = arith.remsi %add3A_298, %jit3A_299 : i32
    %ne3A_317 = arith.constant 0 : i32
    %ne3A_318 = arith.cmpi ne, %rem3A_316, %ne3A_317 : i32
    %and3A_319 = arith.andi %ne3A_315, %ne3A_318 : i1
    %sub3A_320 = arith.constant 1 : i32
    %sub3A_321 = arith.subi %div3A_300, %sub3A_320 : i32
    %select_n3A_322 = arith.select %and3A_319, %sub3A_321, %div3A_300 : i32
    %mul3A_323 = arith.constant 512 : i32
    %mul3A_324 = arith.muli %select_n3A_322, %mul3A_323 : i32
    %add3A_325 = arith.addi %add3A_294, %mul3A_324 : i32
    %add3A_326 = arith.addi %add3A_296, %select_n3A_322 : i32
    %add3A_327 = arith.constant 511 : i32
    %add3A_328 = arith.addi %convert_element_type3A_234, %add3A_327 : i32
    %jit3A_329 = arith.constant 512 : i32
    %div3A_330 = arith.divsi %add3A_328, %jit3A_329 : i32
    %sign3A_331 = arith.constant 0 : i32
    %sign3A_332 = arith.cmpi sgt, %add3A_328, %sign3A_331 : i32
    %sign3A_333 = arith.extui %sign3A_332 : i1 to i32
    %sign3A_334 = arith.constant 0 : i32
    %sign3A_335 = arith.cmpi slt, %add3A_328, %sign3A_334 : i32
    %sign3A_336 = arith.extui %sign3A_335 : i1 to i32
    %sign3A_337 = arith.subi %sign3A_333, %sign3A_336 : i32
    %sign3A_338 = arith.constant 0 : i32
    %sign3A_339 = arith.cmpi sgt, %jit3A_329, %sign3A_338 : i32
    %sign3A_340 = arith.extui %sign3A_339 : i1 to i32
    %sign3A_341 = arith.constant 0 : i32
    %sign3A_342 = arith.cmpi slt, %jit3A_329, %sign3A_341 : i32
    %sign3A_343 = arith.extui %sign3A_342 : i1 to i32
    %sign3A_344 = arith.subi %sign3A_340, %sign3A_343 : i32
    %ne3A_345 = arith.cmpi ne, %sign3A_337, %sign3A_344 : i32
    %rem3A_346 = arith.remsi %add3A_328, %jit3A_329 : i32
    %ne3A_347 = arith.constant 0 : i32
    %ne3A_348 = arith.cmpi ne, %rem3A_346, %ne3A_347 : i32
    %and3A_349 = arith.andi %ne3A_345, %ne3A_348 : i1
    %sub3A_350 = arith.constant 1 : i32
    %sub3A_351 = arith.subi %div3A_330, %sub3A_350 : i32
    %select_n3A_352 = arith.select %and3A_349, %sub3A_351, %div3A_330 : i32
    %mul3A_353 = arith.constant 512 : i32
    %mul3A_354 = arith.muli %select_n3A_352, %mul3A_353 : i32
    %add3A_355 = arith.addi %add3A_325, %mul3A_354 : i32
    %add3A_356 = arith.addi %add3A_326, %select_n3A_352 : i32
    %add3A_357 = arith.constant 511 : i32
    %add3A_358 = arith.addi %convert_element_type3A_241, %add3A_357 : i32
    %jit3A_359 = arith.constant 512 : i32
    %div3A_360 = arith.divsi %add3A_358, %jit3A_359 : i32
    %sign3A_361 = arith.constant 0 : i32
    %sign3A_362 = arith.cmpi sgt, %add3A_358, %sign3A_361 : i32
    %sign3A_363 = arith.extui %sign3A_362 : i1 to i32
    %sign3A_364 = arith.constant 0 : i32
    %sign3A_365 = arith.cmpi slt, %add3A_358, %sign3A_364 : i32
    %sign3A_366 = arith.extui %sign3A_365 : i1 to i32
    %sign3A_367 = arith.subi %sign3A_363, %sign3A_366 : i32
    %sign3A_368 = arith.constant 0 : i32
    %sign3A_369 = arith.cmpi sgt, %jit3A_359, %sign3A_368 : i32
    %sign3A_370 = arith.extui %sign3A_369 : i1 to i32
    %sign3A_371 = arith.constant 0 : i32
    %sign3A_372 = arith.cmpi slt, %jit3A_359, %sign3A_371 : i32
    %sign3A_373 = arith.extui %sign3A_372 : i1 to i32
    %sign3A_374 = arith.subi %sign3A_370, %sign3A_373 : i32
    %ne3A_375 = arith.cmpi ne, %sign3A_367, %sign3A_374 : i32
    %rem3A_376 = arith.remsi %add3A_358, %jit3A_359 : i32
    %ne3A_377 = arith.constant 0 : i32
    %ne3A_378 = arith.cmpi ne, %rem3A_376, %ne3A_377 : i32
    %and3A_379 = arith.andi %ne3A_375, %ne3A_378 : i1
    %sub3A_380 = arith.constant 1 : i32
    %sub3A_381 = arith.subi %div3A_360, %sub3A_380 : i32
    %select_n3A_382 = arith.select %and3A_379, %sub3A_381, %div3A_360 : i32
    %mul3A_383 = arith.constant 512 : i32
    %mul3A_384 = arith.muli %select_n3A_382, %mul3A_383 : i32
    %add3A_385 = arith.addi %add3A_355, %mul3A_384 : i32
    %add3A_386 = arith.addi %add3A_356, %select_n3A_382 : i32
    %add3A_387 = arith.constant 511 : i32
    %add3A_388 = arith.addi %convert_element_type3A_248, %add3A_387 : i32
    %jit3A_389 = arith.constant 512 : i32
    %div3A_390 = arith.divsi %add3A_388, %jit3A_389 : i32
    %sign3A_391 = arith.constant 0 : i32
    %sign3A_392 = arith.cmpi sgt, %add3A_388, %sign3A_391 : i32
    %sign3A_393 = arith.extui %sign3A_392 : i1 to i32
    %sign3A_394 = arith.constant 0 : i32
    %sign3A_395 = arith.cmpi slt, %add3A_388, %sign3A_394 : i32
    %sign3A_396 = arith.extui %sign3A_395 : i1 to i32
    %sign3A_397 = arith.subi %sign3A_393, %sign3A_396 : i32
    %sign3A_398 = arith.constant 0 : i32
    %sign3A_399 = arith.cmpi sgt, %jit3A_389, %sign3A_398 : i32
    %sign3A_400 = arith.extui %sign3A_399 : i1 to i32
    %sign3A_401 = arith.constant 0 : i32
    %sign3A_402 = arith.cmpi slt, %jit3A_389, %sign3A_401 : i32
    %sign3A_403 = arith.extui %sign3A_402 : i1 to i32
    %sign3A_404 = arith.subi %sign3A_400, %sign3A_403 : i32
    %ne3A_405 = arith.cmpi ne, %sign3A_397, %sign3A_404 : i32
    %rem3A_406 = arith.remsi %add3A_388, %jit3A_389 : i32
    %ne3A_407 = arith.constant 0 : i32
    %ne3A_408 = arith.cmpi ne, %rem3A_406, %ne3A_407 : i32
    %and3A_409 = arith.andi %ne3A_405, %ne3A_408 : i1
    %sub3A_410 = arith.constant 1 : i32
    %sub3A_411 = arith.subi %div3A_390, %sub3A_410 : i32
    %select_n3A_412 = arith.select %and3A_409, %sub3A_411, %div3A_390 : i32
    %mul3A_413 = arith.constant 512 : i32
    %mul3A_414 = arith.muli %select_n3A_412, %mul3A_413 : i32
    %add3A_415 = arith.addi %add3A_385, %mul3A_414 : i32
    %add3A_416 = arith.addi %add3A_386, %select_n3A_412 : i32
    %add3A_417 = arith.constant 511 : i32
    %add3A_418 = arith.addi %convert_element_type3A_255, %add3A_417 : i32
    %jit3A_419 = arith.constant 512 : i32
    %div3A_420 = arith.divsi %add3A_418, %jit3A_419 : i32
    %sign3A_421 = arith.constant 0 : i32
    %sign3A_422 = arith.cmpi sgt, %add3A_418, %sign3A_421 : i32
    %sign3A_423 = arith.extui %sign3A_422 : i1 to i32
    %sign3A_424 = arith.constant 0 : i32
    %sign3A_425 = arith.cmpi slt, %add3A_418, %sign3A_424 : i32
    %sign3A_426 = arith.extui %sign3A_425 : i1 to i32
    %sign3A_427 = arith.subi %sign3A_423, %sign3A_426 : i32
    %sign3A_428 = arith.constant 0 : i32
    %sign3A_429 = arith.cmpi sgt, %jit3A_419, %sign3A_428 : i32
    %sign3A_430 = arith.extui %sign3A_429 : i1 to i32
    %sign3A_431 = arith.constant 0 : i32
    %sign3A_432 = arith.cmpi slt, %jit3A_419, %sign3A_431 : i32
    %sign3A_433 = arith.extui %sign3A_432 : i1 to i32
    %sign3A_434 = arith.subi %sign3A_430, %sign3A_433 : i32
    %ne3A_435 = arith.cmpi ne, %sign3A_427, %sign3A_434 : i32
    %rem3A_436 = arith.remsi %add3A_418, %jit3A_419 : i32
    %ne3A_437 = arith.constant 0 : i32
    %ne3A_438 = arith.cmpi ne, %rem3A_436, %ne3A_437 : i32
    %and3A_439 = arith.andi %ne3A_435, %ne3A_438 : i1
    %sub3A_440 = arith.constant 1 : i32
    %sub3A_441 = arith.subi %div3A_420, %sub3A_440 : i32
    %select_n3A_442 = arith.select %and3A_439, %sub3A_441, %div3A_420 : i32
    %mul3A_443 = arith.constant 512 : i32
    %mul3A_444 = arith.muli %select_n3A_442, %mul3A_443 : i32
    %add3A_445 = arith.addi %add3A_415, %mul3A_444 : i32
    %add3A_446 = arith.addi %add3A_416, %select_n3A_442 : i32
    %add3A_447 = arith.constant 511 : i32
    %add3A_448 = arith.addi %convert_element_type3A_262, %add3A_447 : i32
    %jit3A_449 = arith.constant 512 : i32
    %div3A_450 = arith.divsi %add3A_448, %jit3A_449 : i32
    %sign3A_451 = arith.constant 0 : i32
    %sign3A_452 = arith.cmpi sgt, %add3A_448, %sign3A_451 : i32
    %sign3A_453 = arith.extui %sign3A_452 : i1 to i32
    %sign3A_454 = arith.constant 0 : i32
    %sign3A_455 = arith.cmpi slt, %add3A_448, %sign3A_454 : i32
    %sign3A_456 = arith.extui %sign3A_455 : i1 to i32
    %sign3A_457 = arith.subi %sign3A_453, %sign3A_456 : i32
    %sign3A_458 = arith.constant 0 : i32
    %sign3A_459 = arith.cmpi sgt, %jit3A_449, %sign3A_458 : i32
    %sign3A_460 = arith.extui %sign3A_459 : i1 to i32
    %sign3A_461 = arith.constant 0 : i32
    %sign3A_462 = arith.cmpi slt, %jit3A_449, %sign3A_461 : i32
    %sign3A_463 = arith.extui %sign3A_462 : i1 to i32
    %sign3A_464 = arith.subi %sign3A_460, %sign3A_463 : i32
    %ne3A_465 = arith.cmpi ne, %sign3A_457, %sign3A_464 : i32
    %rem3A_466 = arith.remsi %add3A_448, %jit3A_449 : i32
    %ne3A_467 = arith.constant 0 : i32
    %ne3A_468 = arith.cmpi ne, %rem3A_466, %ne3A_467 : i32
    %and3A_469 = arith.andi %ne3A_465, %ne3A_468 : i1
    %sub3A_470 = arith.constant 1 : i32
    %sub3A_471 = arith.subi %div3A_450, %sub3A_470 : i32
    %select_n3A_472 = arith.select %and3A_469, %sub3A_471, %div3A_450 : i32
    %mul3A_473 = arith.constant 512 : i32
    %mul3A_474 = arith.muli %select_n3A_472, %mul3A_473 : i32
    %add3A_475 = arith.addi %add3A_445, %mul3A_474 : i32
    %add3A_476 = arith.addi %add3A_446, %select_n3A_472 : i32
    %add3A_477 = arith.constant 511 : i32
    %add3A_478 = arith.addi %convert_element_type3A_269, %add3A_477 : i32
    %jit3A_479 = arith.constant 512 : i32
    %div3A_480 = arith.divsi %add3A_478, %jit3A_479 : i32
    %sign3A_481 = arith.constant 0 : i32
    %sign3A_482 = arith.cmpi sgt, %add3A_478, %sign3A_481 : i32
    %sign3A_483 = arith.extui %sign3A_482 : i1 to i32
    %sign3A_484 = arith.constant 0 : i32
    %sign3A_485 = arith.cmpi slt, %add3A_478, %sign3A_484 : i32
    %sign3A_486 = arith.extui %sign3A_485 : i1 to i32
    %sign3A_487 = arith.subi %sign3A_483, %sign3A_486 : i32
    %sign3A_488 = arith.constant 0 : i32
    %sign3A_489 = arith.cmpi sgt, %jit3A_479, %sign3A_488 : i32
    %sign3A_490 = arith.extui %sign3A_489 : i1 to i32
    %sign3A_491 = arith.constant 0 : i32
    %sign3A_492 = arith.cmpi slt, %jit3A_479, %sign3A_491 : i32
    %sign3A_493 = arith.extui %sign3A_492 : i1 to i32
    %sign3A_494 = arith.subi %sign3A_490, %sign3A_493 : i32
    %ne3A_495 = arith.cmpi ne, %sign3A_487, %sign3A_494 : i32
    %rem3A_496 = arith.remsi %add3A_478, %jit3A_479 : i32
    %ne3A_497 = arith.constant 0 : i32
    %ne3A_498 = arith.cmpi ne, %rem3A_496, %ne3A_497 : i32
    %and3A_499 = arith.andi %ne3A_495, %ne3A_498 : i1
    %sub3A_500 = arith.constant 1 : i32
    %sub3A_501 = arith.subi %div3A_480, %sub3A_500 : i32
    %select_n3A_502 = arith.select %and3A_499, %sub3A_501, %div3A_480 : i32
    %add3A_503 = arith.addi %add3A_476, %select_n3A_502 : i32
    %broadcast_in_dim3A_504 = arith.constant 0 : i32
    %broadcast_in_dim3A_505 = vector.broadcast %broadcast_in_dim3A_504 : i32 to vector<1x1xi32>
    %add3A_506 = arith.constant 0 : i32
    %add3A_507 = vector.broadcast %add3A_506 : i32 to vector<1x1xi32>
    %add3A_508 = arith.addi %broadcast_in_dim3A_505, %add3A_507 : vector<1x1xi32>
    %broadcast_in_dim3A_509 = arith.constant 0 : i32
    %broadcast_in_dim3A_510 = vector.broadcast %broadcast_in_dim3A_509 : i32 to vector<1x1xi32>
    %add3A_511 = vector.broadcast %add3A_294 : i32 to vector<1x1xi32>
    %add3A_512 = arith.addi %broadcast_in_dim3A_510, %add3A_511 : vector<1x1xi32>
    %broadcast_in_dim3A_513 = arith.constant 0 : i32
    %broadcast_in_dim3A_514 = vector.broadcast %broadcast_in_dim3A_513 : i32 to vector<1x1xi32>
    %add3A_515 = vector.broadcast %add3A_325 : i32 to vector<1x1xi32>
    %add3A_516 = arith.addi %broadcast_in_dim3A_514, %add3A_515 : vector<1x1xi32>
    %broadcast_in_dim3A_517 = arith.constant 0 : i32
    %broadcast_in_dim3A_518 = vector.broadcast %broadcast_in_dim3A_517 : i32 to vector<1x1xi32>
    %add3A_519 = vector.broadcast %add3A_355 : i32 to vector<1x1xi32>
    %add3A_520 = arith.addi %broadcast_in_dim3A_518, %add3A_519 : vector<1x1xi32>
    %broadcast_in_dim3A_521 = arith.constant 0 : i32
    %broadcast_in_dim3A_522 = vector.broadcast %broadcast_in_dim3A_521 : i32 to vector<1x1xi32>
    %add3A_523 = vector.broadcast %add3A_385 : i32 to vector<1x1xi32>
    %add3A_524 = arith.addi %broadcast_in_dim3A_522, %add3A_523 : vector<1x1xi32>
    %broadcast_in_dim3A_525 = arith.constant 0 : i32
    %broadcast_in_dim3A_526 = vector.broadcast %broadcast_in_dim3A_525 : i32 to vector<1x1xi32>
    %add3A_527 = vector.broadcast %add3A_415 : i32 to vector<1x1xi32>
    %add3A_528 = arith.addi %broadcast_in_dim3A_526, %add3A_527 : vector<1x1xi32>
    %broadcast_in_dim3A_529 = arith.constant 0 : i32
    %broadcast_in_dim3A_530 = vector.broadcast %broadcast_in_dim3A_529 : i32 to vector<1x1xi32>
    %add3A_531 = vector.broadcast %add3A_445 : i32 to vector<1x1xi32>
    %add3A_532 = arith.addi %broadcast_in_dim3A_530, %add3A_531 : vector<1x1xi32>
    %broadcast_in_dim3A_533 = arith.constant 0 : i32
    %broadcast_in_dim3A_534 = vector.broadcast %broadcast_in_dim3A_533 : i32 to vector<1x1xi32>
    %add3A_535 = vector.broadcast %add3A_475 : i32 to vector<1x1xi32>
    %add3A_536 = arith.addi %broadcast_in_dim3A_534, %add3A_535 : vector<1x1xi32>
    %concatenate3A_537 = tpu.concatenate %add3A_508, %add3A_512, %add3A_516, %add3A_520, %add3A_524, %add3A_528, %add3A_532, %add3A_536 in 1 : vector<1x1xi32>, vector<1x1xi32>, vector<1x1xi32>, vector<1x1xi32>, vector<1x1xi32>, vector<1x1xi32>, vector<1x1xi32>, vector<1x1xi32> -> vector<1x8xi32>
    %add3A_538 = vector.broadcast %concatenate3A_537 : vector<1x8xi32> to vector<2048x8xi32>
    %add3A_539 = arith.addi %concatenate3A, %add3A_538 : vector<2048x8xi32>
    %convert_element_type3A_540 = arith.fptosi %convert_element_type3A_33 : vector<2048x8xf32> to vector<2048x8xi32>
    %convert_element_type3A_541 = arith.fptosi %convert_element_type3A_37 : vector<2048x8xf32> to vector<2048x8xi32>
    %mul3A_542 = arith.muli %convert_element_type3A_540, %add3A_539 : vector<2048x8xi32>
    %reduce_sum3A_543 = arith.constant dense<0> : vector<2048xi32>
    %reduce_sum3A_544 = vector.multi_reduction <add>, %mul3A_542, %reduce_sum3A_543 [1] : vector<2048x8xi32> to vector<2048xi32>
    %broadcast_in_dim3A_545 = vector.shape_cast %reduce_sum3A_544 : vector<2048xi32> to vector<2048x1xi32>
    %mul3A_546 = arith.muli %convert_element_type3A_541, %add3A_539 : vector<2048x8xi32>
    %reduce_sum3A_547 = arith.constant dense<0> : vector<2048xi32>
    %reduce_sum3A_548 = vector.multi_reduction <add>, %mul3A_546, %reduce_sum3A_547 [1] : vector<2048x8xi32> to vector<2048xi32>
    %broadcast_in_dim3A_549 = vector.shape_cast %reduce_sum3A_548 : vector<2048xi32> to vector<2048x1xi32>
    %eq3A_550 = arith.constant 0 : i32
    %eq3A_551 = vector.broadcast %eq3A_550 : i32 to vector<2048x8xi32>
    %eq3A_552 = arith.cmpi eq, %iota3A, %eq3A_551 : vector<2048x8xi32>
    %eq3A_553 = arith.constant 1 : i32
    %eq3A_554 = vector.broadcast %eq3A_553 : i32 to vector<2048x8xi32>
    %eq3A_555 = arith.cmpi eq, %iota3A, %eq3A_554 : vector<2048x8xi32>
    %jit3A_556 = arith.constant 0 : i32
    %broadcast_in_dim3A_557 = vector.shape_cast %broadcast_in_dim3A_549 : vector<2048x1xi32> to vector<2048x1xi32>
    %broadcast_in_dim3A_558 = vector.broadcast %broadcast_in_dim3A_557 : vector<2048x1xi32> to vector<2048x8xi32>
    %broadcast_in_dim3A_559 = vector.broadcast %jit3A_556 : i32 to vector<2048x8xi32>
    %select_n3A_560 = arith.select %eq3A_555, %broadcast_in_dim3A_558, %broadcast_in_dim3A_559 : vector<2048x8xi1>, vector<2048x8xi32>
    %broadcast_in_dim3A_561 = vector.shape_cast %broadcast_in_dim3A_545 : vector<2048x1xi32> to vector<2048x1xi32>
    %broadcast_in_dim3A_562 = vector.broadcast %broadcast_in_dim3A_561 : vector<2048x1xi32> to vector<2048x8xi32>
    %select_n3A_563 = arith.select %eq3A_552, %broadcast_in_dim3A_562, %select_n3A_560 : vector<2048x8xi1>, vector<2048x8xi32>
    %swap3A = arith.constant 0 : index
    %swap3A_564 = arith.constant 0 : index
    %swap3A_565 = vector.load %arg2[%swap3A, %swap3A_564] : memref<2048x8xi32, #tpu.memory_space<vmem>>, vector<2048x8xi32>
    tpu.vector_store %arg2[%swap3A, %swap3A_564], %select_n3A_563 {strides = array<i32>} : memref<2048x8xi32, #tpu.memory_space<vmem>>, vector<2048x8xi32>,
    %iota3A_566 = tpu.iota {dimensions = array<i32: 1>} : vector<2048x32xi32>
    %lt3A_567 = arith.constant 16 : i32
    %lt3A_568 = vector.broadcast %lt3A_567 : i32 to vector<2048x32xi32>
    %lt3A_569 = arith.cmpi slt, %iota3A_566, %lt3A_568 : vector<2048x32xi32>
    %sub3A_570 = arith.constant 1.000000e+00 : f32
    %sub3A_571 = vector.broadcast %sub3A_570 : f32 to vector<2048x1xf32>
    %sub3A_572 = arith.subf %sub3A_571, %div3A_30 : vector<2048x1xf32>
    %broadcast_in_dim3A_573 = vector.shape_cast %div3A_30 : vector<2048x1xf32> to vector<2048x1xf32>
    %broadcast_in_dim3A_574 = vector.broadcast %broadcast_in_dim3A_573 : vector<2048x1xf32> to vector<2048x32xf32>
    %broadcast_in_dim3A_575 = vector.shape_cast %sub3A_572 : vector<2048x1xf32> to vector<2048x1xf32>
    %broadcast_in_dim3A_576 = vector.broadcast %broadcast_in_dim3A_575 : vector<2048x1xf32> to vector<2048x32xf32>
    %select_n3A_577 = arith.select %lt3A_569, %broadcast_in_dim3A_574, %broadcast_in_dim3A_576 : vector<2048x32xi1>, vector<2048x32xf32>
    %swap3A_578 = arith.constant 0 : index
    %swap3A_579 = arith.constant 0 : index
    %swap3A_580 = vector.load %arg3[%swap3A_578, %swap3A_579] : memref<2048x32xf32, #tpu.memory_space<vmem>>, vector<2048x32xf32>
    tpu.vector_store %arg3[%swap3A_578, %swap3A_579], %select_n3A_577 {strides = array<i32>} : memref<2048x32xf32, #tpu.memory_space<vmem>>, vector<2048x32xf32>,
    %sub3A_581 = arith.constant 1 : i32
    %sub3A_582 = arith.subi %add3A_503, %sub3A_581 : i32
    %max3A = arith.constant 0 : i32
    %max3A_583 = arith.maxsi %sub3A_582, %max3A : i32
    %min3A = arith.constant 0 : i32
    %min3A_584 = arith.minsi %min3A, %max3A_583 : i32
    %le3A = arith.cmpi sle, %add3A_296, %min3A_584 : i32
    %convert_element_type3A_585 = arith.extui %le3A : i1 to i32
    %add3A_586 = arith.constant 0 : i32
    %add3A_587 = arith.addi %add3A_586, %convert_element_type3A_585 : i32
    %le3A_588 = arith.cmpi sle, %add3A_326, %min3A_584 : i32
    %convert_element_type3A_589 = arith.extui %le3A_588 : i1 to i32
    %add3A_590 = arith.addi %add3A_587, %convert_element_type3A_589 : i32
    %le3A_591 = arith.cmpi sle, %add3A_356, %min3A_584 : i32
    %convert_element_type3A_592 = arith.extui %le3A_591 : i1 to i32
    %add3A_593 = arith.addi %add3A_590, %convert_element_type3A_592 : i32
    %le3A_594 = arith.cmpi sle, %add3A_386, %min3A_584 : i32
    %convert_element_type3A_595 = arith.extui %le3A_594 : i1 to i32
    %add3A_596 = arith.addi %add3A_593, %convert_element_type3A_595 : i32
    %le3A_597 = arith.cmpi sle, %add3A_416, %min3A_584 : i32
    %convert_element_type3A_598 = arith.extui %le3A_597 : i1 to i32
    %add3A_599 = arith.addi %add3A_596, %convert_element_type3A_598 : i32
    %le3A_600 = arith.cmpi sle, %add3A_446, %min3A_584 : i32
    %convert_element_type3A_601 = arith.extui %le3A_600 : i1 to i32
    %add3A_602 = arith.addi %add3A_599, %convert_element_type3A_601 : i32
    %le3A_603 = arith.cmpi sle, %add3A_476, %min3A_584 : i32
    %convert_element_type3A_604 = arith.extui %le3A_603 : i1 to i32
    %add3A_605 = arith.addi %add3A_602, %convert_element_type3A_604 : i32
    %swap3A_606 = arith.constant 0 : index
    %swap3A_607 = memref.load %arg4[%swap3A_606] : memref<15xi32, #tpu.memory_space<smem>>
    memref.store %add3A_605, %arg4[%swap3A_606] : memref<15xi32, #tpu.memory_space<smem>>
    %swap3A_608 = arith.constant 0 : index
    %swap3A_609 = memref.load %arg5[%swap3A_608] : memref<15xi32, #tpu.memory_space<smem>>
    memref.store %min3A_584, %arg5[%swap3A_608] : memref<15xi32, #tpu.memory_space<smem>>
    %lt3A_610 = arith.constant 0 : i32
    %lt3A_611 = arith.cmpi slt, %lt3A_610, %add3A_503 : i32
    %convert_element_type3A_612 = arith.extui %lt3A_611 : i1 to i32
    %swap3A_613 = arith.constant 0 : index
    %swap3A_614 = memref.load %arg6[%swap3A_613] : memref<15xi32, #tpu.memory_space<smem>>
    memref.store %convert_element_type3A_612, %arg6[%swap3A_613] : memref<15xi32, #tpu.memory_space<smem>>
    %min3A_615 = arith.constant 1 : i32
    %min3A_616 = arith.minsi %min3A_615, %max3A_583 : i32
    %le3A_617 = arith.cmpi sle, %add3A_296, %min3A_616 : i32
    %convert_element_type3A_618 = arith.extui %le3A_617 : i1 to i32
    %add3A_619 = arith.constant 0 : i32
    %add3A_620 = arith.addi %add3A_619, %convert_element_type3A_618 : i32
    %le3A_621 = arith.cmpi sle, %add3A_326, %min3A_616 : i32
    %convert_element_type3A_622 = arith.extui %le3A_621 : i1 to i32
    %add3A_623 = arith.addi %add3A_620, %convert_element_type3A_622 : i32
    %le3A_624 = arith.cmpi sle, %add3A_356, %min3A_616 : i32
    %convert_element_type3A_625 = arith.extui %le3A_624 : i1 to i32
    %add3A_626 = arith.addi %add3A_623, %convert_element_type3A_625 : i32
    %le3A_627 = arith.cmpi sle, %add3A_386, %min3A_616 : i32
    %convert_element_type3A_628 = arith.extui %le3A_627 : i1 to i32
    %add3A_629 = arith.addi %add3A_626, %convert_element_type3A_628 : i32
    %le3A_630 = arith.cmpi sle, %add3A_416, %min3A_616 : i32
    %convert_element_type3A_631 = arith.extui %le3A_630 : i1 to i32
    %add3A_632 = arith.addi %add3A_629, %convert_element_type3A_631 : i32
    %le3A_633 = arith.cmpi sle, %add3A_446, %min3A_616 : i32
    %convert_element_type3A_634 = arith.extui %le3A_633 : i1 to i32
    %add3A_635 = arith.addi %add3A_632, %convert_element_type3A_634 : i32
    %le3A_636 = arith.cmpi sle, %add3A_476, %min3A_616 : i32
    %convert_element_type3A_637 = arith.extui %le3A_636 : i1 to i32
    %add3A_638 = arith.addi %add3A_635, %convert_element_type3A_637 : i32
    %swap3A_639 = arith.constant 1 : index
    %swap3A_640 = memref.load %arg4[%swap3A_639] : memref<15xi32, #tpu.memory_space<smem>>
    memref.store %add3A_638, %arg4[%swap3A_639] : memref<15xi32, #tpu.memory_space<smem>>
    %swap3A_641 = arith.constant 1 : index
    %swap3A_642 = memref.load %arg5[%swap3A_641] : memref<15xi32, #tpu.memory_space<smem>>
    memref.store %min3A_616, %arg5[%swap3A_641] : memref<15xi32, #tpu.memory_space<smem>>
    %lt3A_643 = arith.constant 1 : i32
    %lt3A_644 = arith.cmpi slt, %lt3A_643, %add3A_503 : i32
    %convert_element_type3A_645 = arith.extui %lt3A_644 : i1 to i32
    %swap3A_646 = arith.constant 1 : index
    %swap3A_647 = memref.load %arg6[%swap3A_646] : memref<15xi32, #tpu.memory_space<smem>>
    memref.store %convert_element_type3A_645, %arg6[%swap3A_646] : memref<15xi32, #tpu.memory_space<smem>>
    %min3A_648 = arith.constant 2 : i32
    %min3A_649 = arith.minsi %min3A_648, %max3A_583 : i32
    %le3A_650 = arith.cmpi sle, %add3A_296, %min3A_649 : i32
    %convert_element_type3A_651 = arith.extui %le3A_650 : i1 to i32
    %add3A_652 = arith.constant 0 : i32
    %add3A_653 = arith.addi %add3A_652, %convert_element_type3A_651 : i32
    %le3A_654 = arith.cmpi sle, %add3A_326, %min3A_649 : i32
    %convert_element_type3A_655 = arith.extui %le3A_654 : i1 to i32
    %add3A_656 = arith.addi %add3A_653, %convert_element_type3A_655 : i32
    %le3A_657 = arith.cmpi sle, %add3A_356, %min3A_649 : i32
    %convert_element_type3A_658 = arith.extui %le3A_657 : i1 to i32
    %add3A_659 = arith.addi %add3A_656, %convert_element_type3A_658 : i32
    %le3A_660 = arith.cmpi sle, %add3A_386, %min3A_649 : i32
    %convert_element_type3A_661 = arith.extui %le3A_660 : i1 to i32
    %add3A_662 = arith.addi %add3A_659, %convert_element_type3A_661 : i32
    %le3A_663 = arith.cmpi sle, %add3A_416, %min3A_649 : i32
    %convert_element_type3A_664 = arith.extui %le3A_663 : i1 to i32
    %add3A_665 = arith.addi %add3A_662, %convert_element_type3A_664 : i32
    %le3A_666 = arith.cmpi sle, %add3A_446, %min3A_649 : i32
    %convert_element_type3A_667 = arith.extui %le3A_666 : i1 to i32
    %add3A_668 = arith.addi %add3A_665, %convert_element_type3A_667 : i32
    %le3A_669 = arith.cmpi sle, %add3A_476, %min3A_649 : i32
    %convert_element_type3A_670 = arith.extui %le3A_669 : i1 to i32
    %add3A_671 = arith.addi %add3A_668, %convert_element_type3A_670 : i32
    %swap3A_672 = arith.constant 2 : index
    %swap3A_673 = memref.load %arg4[%swap3A_672] : memref<15xi32, #tpu.memory_space<smem>>
    memref.store %add3A_671, %arg4[%swap3A_672] : memref<15xi32, #tpu.memory_space<smem>>
    %swap3A_674 = arith.constant 2 : index
    %swap3A_675 = memref.load %arg5[%swap3A_674] : memref<15xi32, #tpu.memory_space<smem>>
    memref.store %min3A_649, %arg5[%swap3A_674] : memref<15xi32, #tpu.memory_space<smem>>
    %lt3A_676 = arith.constant 2 : i32
    %lt3A_677 = arith.cmpi slt, %lt3A_676, %add3A_503 : i32
    %convert_element_type3A_678 = arith.extui %lt3A_677 : i1 to i32
    %swap3A_679 = arith.constant 2 : index
    %swap3A_680 = memref.load %arg6[%swap3A_679] : memref<15xi32, #tpu.memory_space<smem>>
    memref.store %convert_element_type3A_678, %arg6[%swap3A_679] : memref<15xi32, #tpu.memory_space<smem>>
    %min3A_681 = arith.constant 3 : i32
    %min3A_682 = arith.minsi %min3A_681, %max3A_583 : i32
    %le3A_683 = arith.cmpi sle, %add3A_296, %min3A_682 : i32
    %convert_element_type3A_684 = arith.extui %le3A_683 : i1 to i32
    %add3A_685 = arith.constant 0 : i32
    %add3A_686 = arith.addi %add3A_685, %convert_element_type3A_684 : i32
    %le3A_687 = arith.cmpi sle, %add3A_326, %min3A_682 : i32
    %convert_element_type3A_688 = arith.extui %le3A_687 : i1 to i32
    %add3A_689 = arith.addi %add3A_686, %convert_element_type3A_688 : i32
    %le3A_690 = arith.cmpi sle, %add3A_356, %min3A_682 : i32
    %convert_element_type3A_691 = arith.extui %le3A_690 : i1 to i32
    %add3A_692 = arith.addi %add3A_689, %convert_element_type3A_691 : i32
    %le3A_693 = arith.cmpi sle, %add3A_386, %min3A_682 : i32
    %convert_element_type3A_694 = arith.extui %le3A_693 : i1 to i32
    %add3A_695 = arith.addi %add3A_692, %convert_element_type3A_694 : i32
    %le3A_696 = arith.cmpi sle, %add3A_416, %min3A_682 : i32
    %convert_element_type3A_697 = arith.extui %le3A_696 : i1 to i32
    %add3A_698 = arith.addi %add3A_695, %convert_element_type3A_697 : i32
    %le3A_699 = arith.cmpi sle, %add3A_446, %min3A_682 : i32
    %convert_element_type3A_700 = arith.extui %le3A_699 : i1 to i32
    %add3A_701 = arith.addi %add3A_698, %convert_element_type3A_700 : i32
    %le3A_702 = arith.cmpi sle, %add3A_476, %min3A_682 : i32
    %convert_element_type3A_703 = arith.extui %le3A_702 : i1 to i32
    %add3A_704 = arith.addi %add3A_701, %convert_element_type3A_703 : i32
    %swap3A_705 = arith.constant 3 : index
    %swap3A_706 = memref.load %arg4[%swap3A_705] : memref<15xi32, #tpu.memory_space<smem>>
    memref.store %add3A_704, %arg4[%swap3A_705] : memref<15xi32, #tpu.memory_space<smem>>
    %swap3A_707 = arith.constant 3 : index
    %swap3A_708 = memref.load %arg5[%swap3A_707] : memref<15xi32, #tpu.memory_space<smem>>
    memref.store %min3A_682, %arg5[%swap3A_707] : memref<15xi32, #tpu.memory_space<smem>>
    %lt3A_709 = arith.constant 3 : i32
    %lt3A_710 = arith.cmpi slt, %lt3A_709, %add3A_503 : i32
    %convert_element_type3A_711 = arith.extui %lt3A_710 : i1 to i32
    %swap3A_712 = arith.constant 3 : index
    %swap3A_713 = memref.load %arg6[%swap3A_712] : memref<15xi32, #tpu.memory_space<smem>>
    memref.store %convert_element_type3A_711, %arg6[%swap3A_712] : memref<15xi32, #tpu.memory_space<smem>>
    %min3A_714 = arith.constant 4 : i32
    %min3A_715 = arith.minsi %min3A_714, %max3A_583 : i32
    %le3A_716 = arith.cmpi sle, %add3A_296, %min3A_715 : i32
    %convert_element_type3A_717 = arith.extui %le3A_716 : i1 to i32
    %add3A_718 = arith.constant 0 : i32
    %add3A_719 = arith.addi %add3A_718, %convert_element_type3A_717 : i32
    %le3A_720 = arith.cmpi sle, %add3A_326, %min3A_715 : i32
    %convert_element_type3A_721 = arith.extui %le3A_720 : i1 to i32
    %add3A_722 = arith.addi %add3A_719, %convert_element_type3A_721 : i32
    %le3A_723 = arith.cmpi sle, %add3A_356, %min3A_715 : i32
    %convert_element_type3A_724 = arith.extui %le3A_723 : i1 to i32
    %add3A_725 = arith.addi %add3A_722, %convert_element_type3A_724 : i32
    %le3A_726 = arith.cmpi sle, %add3A_386, %min3A_715 : i32
    %convert_element_type3A_727 = arith.extui %le3A_726 : i1 to i32
    %add3A_728 = arith.addi %add3A_725, %convert_element_type3A_727 : i32
    %le3A_729 = arith.cmpi sle, %add3A_416, %min3A_715 : i32
    %convert_element_type3A_730 = arith.extui %le3A_729 : i1 to i32
    %add3A_731 = arith.addi %add3A_728, %convert_element_type3A_730 : i32
    %le3A_732 = arith.cmpi sle, %add3A_446, %min3A_715 : i32
    %convert_element_type3A_733 = arith.extui %le3A_732 : i1 to i32
    %add3A_734 = arith.addi %add3A_731, %convert_element_type3A_733 : i32
    %le3A_735 = arith.cmpi sle, %add3A_476, %min3A_715 : i32
    %convert_element_type3A_736 = arith.extui %le3A_735 : i1 to i32
    %add3A_737 = arith.addi %add3A_734, %convert_element_type3A_736 : i32
    %swap3A_738 = arith.constant 4 : index
    %swap3A_739 = memref.load %arg4[%swap3A_738] : memref<15xi32, #tpu.memory_space<smem>>
    memref.store %add3A_737, %arg4[%swap3A_738] : memref<15xi32, #tpu.memory_space<smem>>
    %swap3A_740 = arith.constant 4 : index
    %swap3A_741 = memref.load %arg5[%swap3A_740] : memref<15xi32, #tpu.memory_space<smem>>
    memref.store %min3A_715, %arg5[%swap3A_740] : memref<15xi32, #tpu.memory_space<smem>>
    %lt3A_742 = arith.constant 4 : i32
    %lt3A_743 = arith.cmpi slt, %lt3A_742, %add3A_503 : i32
    %convert_element_type3A_744 = arith.extui %lt3A_743 : i1 to i32
    %swap3A_745 = arith.constant 4 : index
    %swap3A_746 = memref.load %arg6[%swap3A_745] : memref<15xi32, #tpu.memory_space<smem>>
    memref.store %convert_element_type3A_744, %arg6[%swap3A_745] : memref<15xi32, #tpu.memory_space<smem>>
    %min3A_747 = arith.constant 5 : i32
    %min3A_748 = arith.minsi %min3A_747, %max3A_583 : i32
    %le3A_749 = arith.cmpi sle, %add3A_296, %min3A_748 : i32
    %convert_element_type3A_750 = arith.extui %le3A_749 : i1 to i32
    %add3A_751 = arith.constant 0 : i32
    %add3A_752 = arith.addi %add3A_751, %convert_element_type3A_750 : i32
    %le3A_753 = arith.cmpi sle, %add3A_326, %min3A_748 : i32
    %convert_element_type3A_754 = arith.extui %le3A_753 : i1 to i32
    %add3A_755 = arith.addi %add3A_752, %convert_element_type3A_754 : i32
    %le3A_756 = arith.cmpi sle, %add3A_356, %min3A_748 : i32
    %convert_element_type3A_757 = arith.extui %le3A_756 : i1 to i32
    %add3A_758 = arith.addi %add3A_755, %convert_element_type3A_757 : i32
    %le3A_759 = arith.cmpi sle, %add3A_386, %min3A_748 : i32
    %convert_element_type3A_760 = arith.extui %le3A_759 : i1 to i32
    %add3A_761 = arith.addi %add3A_758, %convert_element_type3A_760 : i32
    %le3A_762 = arith.cmpi sle, %add3A_416, %min3A_748 : i32
    %convert_element_type3A_763 = arith.extui %le3A_762 : i1 to i32
    %add3A_764 = arith.addi %add3A_761, %convert_element_type3A_763 : i32
    %le3A_765 = arith.cmpi sle, %add3A_446, %min3A_748 : i32
    %convert_element_type3A_766 = arith.extui %le3A_765 : i1 to i32
    %add3A_767 = arith.addi %add3A_764, %convert_element_type3A_766 : i32
    %le3A_768 = arith.cmpi sle, %add3A_476, %min3A_748 : i32
    %convert_element_type3A_769 = arith.extui %le3A_768 : i1 to i32
    %add3A_770 = arith.addi %add3A_767, %convert_element_type3A_769 : i32
    %swap3A_771 = arith.constant 5 : index
    %swap3A_772 = memref.load %arg4[%swap3A_771] : memref<15xi32, #tpu.memory_space<smem>>
    memref.store %add3A_770, %arg4[%swap3A_771] : memref<15xi32, #tpu.memory_space<smem>>
    %swap3A_773 = arith.constant 5 : index
    %swap3A_774 = memref.load %arg5[%swap3A_773] : memref<15xi32, #tpu.memory_space<smem>>
    memref.store %min3A_748, %arg5[%swap3A_773] : memref<15xi32, #tpu.memory_space<smem>>
    %lt3A_775 = arith.constant 5 : i32
    %lt3A_776 = arith.cmpi slt, %lt3A_775, %add3A_503 : i32
    %convert_element_type3A_777 = arith.extui %lt3A_776 : i1 to i32
    %swap3A_778 = arith.constant 5 : index
    %swap3A_779 = memref.load %arg6[%swap3A_778] : memref<15xi32, #tpu.memory_space<smem>>
    memref.store %convert_element_type3A_777, %arg6[%swap3A_778] : memref<15xi32, #tpu.memory_space<smem>>
    %min3A_780 = arith.constant 6 : i32
    %min3A_781 = arith.minsi %min3A_780, %max3A_583 : i32
    %le3A_782 = arith.cmpi sle, %add3A_296, %min3A_781 : i32
    %convert_element_type3A_783 = arith.extui %le3A_782 : i1 to i32
    %add3A_784 = arith.constant 0 : i32
    %add3A_785 = arith.addi %add3A_784, %convert_element_type3A_783 : i32
    %le3A_786 = arith.cmpi sle, %add3A_326, %min3A_781 : i32
    %convert_element_type3A_787 = arith.extui %le3A_786 : i1 to i32
    %add3A_788 = arith.addi %add3A_785, %convert_element_type3A_787 : i32
    %le3A_789 = arith.cmpi sle, %add3A_356, %min3A_781 : i32
    %convert_element_type3A_790 = arith.extui %le3A_789 : i1 to i32
    %add3A_791 = arith.addi %add3A_788, %convert_element_type3A_790 : i32
    %le3A_792 = arith.cmpi sle, %add3A_386, %min3A_781 : i32
    %convert_element_type3A_793 = arith.extui %le3A_792 : i1 to i32
    %add3A_794 = arith.addi %add3A_791, %convert_element_type3A_793 : i32
    %le3A_795 = arith.cmpi sle, %add3A_416, %min3A_781 : i32
    %convert_element_type3A_796 = arith.extui %le3A_795 : i1 to i32
    %add3A_797 = arith.addi %add3A_794, %convert_element_type3A_796 : i32
    %le3A_798 = arith.cmpi sle, %add3A_446, %min3A_781 : i32
    %convert_element_type3A_799 = arith.extui %le3A_798 : i1 to i32
    %add3A_800 = arith.addi %add3A_797, %convert_element_type3A_799 : i32
    %le3A_801 = arith.cmpi sle, %add3A_476, %min3A_781 : i32
    %convert_element_type3A_802 = arith.extui %le3A_801 : i1 to i32
    %add3A_803 = arith.addi %add3A_800, %convert_element_type3A_802 : i32
    %swap3A_804 = arith.constant 6 : index
    %swap3A_805 = memref.load %arg4[%swap3A_804] : memref<15xi32, #tpu.memory_space<smem>>
    memref.store %add3A_803, %arg4[%swap3A_804] : memref<15xi32, #tpu.memory_space<smem>>
    %swap3A_806 = arith.constant 6 : index
    %swap3A_807 = memref.load %arg5[%swap3A_806] : memref<15xi32, #tpu.memory_space<smem>>
    memref.store %min3A_781, %arg5[%swap3A_806] : memref<15xi32, #tpu.memory_space<smem>>
    %lt3A_808 = arith.constant 6 : i32
    %lt3A_809 = arith.cmpi slt, %lt3A_808, %add3A_503 : i32
    %convert_element_type3A_810 = arith.extui %lt3A_809 : i1 to i32
    %swap3A_811 = arith.constant 6 : index
    %swap3A_812 = memref.load %arg6[%swap3A_811] : memref<15xi32, #tpu.memory_space<smem>>
    memref.store %convert_element_type3A_810, %arg6[%swap3A_811] : memref<15xi32, #tpu.memory_space<smem>>
    %min3A_813 = arith.constant 7 : i32
    %min3A_814 = arith.minsi %min3A_813, %max3A_583 : i32
    %le3A_815 = arith.cmpi sle, %add3A_296, %min3A_814 : i32
    %convert_element_type3A_816 = arith.extui %le3A_815 : i1 to i32
    %add3A_817 = arith.constant 0 : i32
    %add3A_818 = arith.addi %add3A_817, %convert_element_type3A_816 : i32
    %le3A_819 = arith.cmpi sle, %add3A_326, %min3A_814 : i32
    %convert_element_type3A_820 = arith.extui %le3A_819 : i1 to i32
    %add3A_821 = arith.addi %add3A_818, %convert_element_type3A_820 : i32
    %le3A_822 = arith.cmpi sle, %add3A_356, %min3A_814 : i32
    %convert_element_type3A_823 = arith.extui %le3A_822 : i1 to i32
    %add3A_824 = arith.addi %add3A_821, %convert_element_type3A_823 : i32
    %le3A_825 = arith.cmpi sle, %add3A_386, %min3A_814 : i32
    %convert_element_type3A_826 = arith.extui %le3A_825 : i1 to i32
    %add3A_827 = arith.addi %add3A_824, %convert_element_type3A_826 : i32
    %le3A_828 = arith.cmpi sle, %add3A_416, %min3A_814 : i32
    %convert_element_type3A_829 = arith.extui %le3A_828 : i1 to i32
    %add3A_830 = arith.addi %add3A_827, %convert_element_type3A_829 : i32
    %le3A_831 = arith.cmpi sle, %add3A_446, %min3A_814 : i32
    %convert_element_type3A_832 = arith.extui %le3A_831 : i1 to i32
    %add3A_833 = arith.addi %add3A_830, %convert_element_type3A_832 : i32
    %le3A_834 = arith.cmpi sle, %add3A_476, %min3A_814 : i32
    %convert_element_type3A_835 = arith.extui %le3A_834 : i1 to i32
    %add3A_836 = arith.addi %add3A_833, %convert_element_type3A_835 : i32
    %swap3A_837 = arith.constant 7 : index
    %swap3A_838 = memref.load %arg4[%swap3A_837] : memref<15xi32, #tpu.memory_space<smem>>
    memref.store %add3A_836, %arg4[%swap3A_837] : memref<15xi32, #tpu.memory_space<smem>>
    %swap3A_839 = arith.constant 7 : index
    %swap3A_840 = memref.load %arg5[%swap3A_839] : memref<15xi32, #tpu.memory_space<smem>>
    memref.store %min3A_814, %arg5[%swap3A_839] : memref<15xi32, #tpu.memory_space<smem>>
    %lt3A_841 = arith.constant 7 : i32
    %lt3A_842 = arith.cmpi slt, %lt3A_841, %add3A_503 : i32
    %convert_element_type3A_843 = arith.extui %lt3A_842 : i1 to i32
    %swap3A_844 = arith.constant 7 : index
    %swap3A_845 = memref.load %arg6[%swap3A_844] : memref<15xi32, #tpu.memory_space<smem>>
    memref.store %convert_element_type3A_843, %arg6[%swap3A_844] : memref<15xi32, #tpu.memory_space<smem>>
    %min3A_846 = arith.constant 8 : i32
    %min3A_847 = arith.minsi %min3A_846, %max3A_583 : i32
    %le3A_848 = arith.cmpi sle, %add3A_296, %min3A_847 : i32
    %convert_element_type3A_849 = arith.extui %le3A_848 : i1 to i32
    %add3A_850 = arith.constant 0 : i32
    %add3A_851 = arith.addi %add3A_850, %convert_element_type3A_849 : i32
    %le3A_852 = arith.cmpi sle, %add3A_326, %min3A_847 : i32
    %convert_element_type3A_853 = arith.extui %le3A_852 : i1 to i32
    %add3A_854 = arith.addi %add3A_851, %convert_element_type3A_853 : i32
    %le3A_855 = arith.cmpi sle, %add3A_356, %min3A_847 : i32
    %convert_element_type3A_856 = arith.extui %le3A_855 : i1 to i32
    %add3A_857 = arith.addi %add3A_854, %convert_element_type3A_856 : i32
    %le3A_858 = arith.cmpi sle, %add3A_386, %min3A_847 : i32
    %convert_element_type3A_859 = arith.extui %le3A_858 : i1 to i32
    %add3A_860 = arith.addi %add3A_857, %convert_element_type3A_859 : i32
    %le3A_861 = arith.cmpi sle, %add3A_416, %min3A_847 : i32
    %convert_element_type3A_862 = arith.extui %le3A_861 : i1 to i32
    %add3A_863 = arith.addi %add3A_860, %convert_element_type3A_862 : i32
    %le3A_864 = arith.cmpi sle, %add3A_446, %min3A_847 : i32
    %convert_element_type3A_865 = arith.extui %le3A_864 : i1 to i32
    %add3A_866 = arith.addi %add3A_863, %convert_element_type3A_865 : i32
    %le3A_867 = arith.cmpi sle, %add3A_476, %min3A_847 : i32
    %convert_element_type3A_868 = arith.extui %le3A_867 : i1 to i32
    %add3A_869 = arith.addi %add3A_866, %convert_element_type3A_868 : i32
    %swap3A_870 = arith.constant 8 : index
    %swap3A_871 = memref.load %arg4[%swap3A_870] : memref<15xi32, #tpu.memory_space<smem>>
    memref.store %add3A_869, %arg4[%swap3A_870] : memref<15xi32, #tpu.memory_space<smem>>
    %swap3A_872 = arith.constant 8 : index
    %swap3A_873 = memref.load %arg5[%swap3A_872] : memref<15xi32, #tpu.memory_space<smem>>
    memref.store %min3A_847, %arg5[%swap3A_872] : memref<15xi32, #tpu.memory_space<smem>>
    %lt3A_874 = arith.constant 8 : i32
    %lt3A_875 = arith.cmpi slt, %lt3A_874, %add3A_503 : i32
    %convert_element_type3A_876 = arith.extui %lt3A_875 : i1 to i32
    %swap3A_877 = arith.constant 8 : index
    %swap3A_878 = memref.load %arg6[%swap3A_877] : memref<15xi32, #tpu.memory_space<smem>>
    memref.store %convert_element_type3A_876, %arg6[%swap3A_877] : memref<15xi32, #tpu.memory_space<smem>>
    %min3A_879 = arith.constant 9 : i32
    %min3A_880 = arith.minsi %min3A_879, %max3A_583 : i32
    %le3A_881 = arith.cmpi sle, %add3A_296, %min3A_880 : i32
    %convert_element_type3A_882 = arith.extui %le3A_881 : i1 to i32
    %add3A_883 = arith.constant 0 : i32
    %add3A_884 = arith.addi %add3A_883, %convert_element_type3A_882 : i32
    %le3A_885 = arith.cmpi sle, %add3A_326, %min3A_880 : i32
    %convert_element_type3A_886 = arith.extui %le3A_885 : i1 to i32
    %add3A_887 = arith.addi %add3A_884, %convert_element_type3A_886 : i32
    %le3A_888 = arith.cmpi sle, %add3A_356, %min3A_880 : i32
    %convert_element_type3A_889 = arith.extui %le3A_888 : i1 to i32
    %add3A_890 = arith.addi %add3A_887, %convert_element_type3A_889 : i32
    %le3A_891 = arith.cmpi sle, %add3A_386, %min3A_880 : i32
    %convert_element_type3A_892 = arith.extui %le3A_891 : i1 to i32
    %add3A_893 = arith.addi %add3A_890, %convert_element_type3A_892 : i32
    %le3A_894 = arith.cmpi sle, %add3A_416, %min3A_880 : i32
    %convert_element_type3A_895 = arith.extui %le3A_894 : i1 to i32
    %add3A_896 = arith.addi %add3A_893, %convert_element_type3A_895 : i32
    %le3A_897 = arith.cmpi sle, %add3A_446, %min3A_880 : i32
    %convert_element_type3A_898 = arith.extui %le3A_897 : i1 to i32
    %add3A_899 = arith.addi %add3A_896, %convert_element_type3A_898 : i32
    %le3A_900 = arith.cmpi sle, %add3A_476, %min3A_880 : i32
    %convert_element_type3A_901 = arith.extui %le3A_900 : i1 to i32
    %add3A_902 = arith.addi %add3A_899, %convert_element_type3A_901 : i32
    %swap3A_903 = arith.constant 9 : index
    %swap3A_904 = memref.load %arg4[%swap3A_903] : memref<15xi32, #tpu.memory_space<smem>>
    memref.store %add3A_902, %arg4[%swap3A_903] : memref<15xi32, #tpu.memory_space<smem>>
    %swap3A_905 = arith.constant 9 : index
    %swap3A_906 = memref.load %arg5[%swap3A_905] : memref<15xi32, #tpu.memory_space<smem>>
    memref.store %min3A_880, %arg5[%swap3A_905] : memref<15xi32, #tpu.memory_space<smem>>
    %lt3A_907 = arith.constant 9 : i32
    %lt3A_908 = arith.cmpi slt, %lt3A_907, %add3A_503 : i32
    %convert_element_type3A_909 = arith.extui %lt3A_908 : i1 to i32
    %swap3A_910 = arith.constant 9 : index
    %swap3A_911 = memref.load %arg6[%swap3A_910] : memref<15xi32, #tpu.memory_space<smem>>
    memref.store %convert_element_type3A_909, %arg6[%swap3A_910] : memref<15xi32, #tpu.memory_space<smem>>
    %min3A_912 = arith.constant 10 : i32
    %min3A_913 = arith.minsi %min3A_912, %max3A_583 : i32
    %le3A_914 = arith.cmpi sle, %add3A_296, %min3A_913 : i32
    %convert_element_type3A_915 = arith.extui %le3A_914 : i1 to i32
    %add3A_916 = arith.constant 0 : i32
    %add3A_917 = arith.addi %add3A_916, %convert_element_type3A_915 : i32
    %le3A_918 = arith.cmpi sle, %add3A_326, %min3A_913 : i32
    %convert_element_type3A_919 = arith.extui %le3A_918 : i1 to i32
    %add3A_920 = arith.addi %add3A_917, %convert_element_type3A_919 : i32
    %le3A_921 = arith.cmpi sle, %add3A_356, %min3A_913 : i32
    %convert_element_type3A_922 = arith.extui %le3A_921 : i1 to i32
    %add3A_923 = arith.addi %add3A_920, %convert_element_type3A_922 : i32
    %le3A_924 = arith.cmpi sle, %add3A_386, %min3A_913 : i32
    %convert_element_type3A_925 = arith.extui %le3A_924 : i1 to i32
    %add3A_926 = arith.addi %add3A_923, %convert_element_type3A_925 : i32
    %le3A_927 = arith.cmpi sle, %add3A_416, %min3A_913 : i32
    %convert_element_type3A_928 = arith.extui %le3A_927 : i1 to i32
    %add3A_929 = arith.addi %add3A_926, %convert_element_type3A_928 : i32
    %le3A_930 = arith.cmpi sle, %add3A_446, %min3A_913 : i32
    %convert_element_type3A_931 = arith.extui %le3A_930 : i1 to i32
    %add3A_932 = arith.addi %add3A_929, %convert_element_type3A_931 : i32
    %le3A_933 = arith.cmpi sle, %add3A_476, %min3A_913 : i32
    %convert_element_type3A_934 = arith.extui %le3A_933 : i1 to i32
    %add3A_935 = arith.addi %add3A_932, %convert_element_type3A_934 : i32
    %swap3A_936 = arith.constant 10 : index
    %swap3A_937 = memref.load %arg4[%swap3A_936] : memref<15xi32, #tpu.memory_space<smem>>
    memref.store %add3A_935, %arg4[%swap3A_936] : memref<15xi32, #tpu.memory_space<smem>>
    %swap3A_938 = arith.constant 10 : index
    %swap3A_939 = memref.load %arg5[%swap3A_938] : memref<15xi32, #tpu.memory_space<smem>>
    memref.store %min3A_913, %arg5[%swap3A_938] : memref<15xi32, #tpu.memory_space<smem>>
    %lt3A_940 = arith.constant 10 : i32
    %lt3A_941 = arith.cmpi slt, %lt3A_940, %add3A_503 : i32
    %convert_element_type3A_942 = arith.extui %lt3A_941 : i1 to i32
    %swap3A_943 = arith.constant 10 : index
    %swap3A_944 = memref.load %arg6[%swap3A_943] : memref<15xi32, #tpu.memory_space<smem>>
    memref.store %convert_element_type3A_942, %arg6[%swap3A_943] : memref<15xi32, #tpu.memory_space<smem>>
    %min3A_945 = arith.constant 11 : i32
    %min3A_946 = arith.minsi %min3A_945, %max3A_583 : i32
    %le3A_947 = arith.cmpi sle, %add3A_296, %min3A_946 : i32
    %convert_element_type3A_948 = arith.extui %le3A_947 : i1 to i32
    %add3A_949 = arith.constant 0 : i32
    %add3A_950 = arith.addi %add3A_949, %convert_element_type3A_948 : i32
    %le3A_951 = arith.cmpi sle, %add3A_326, %min3A_946 : i32
    %convert_element_type3A_952 = arith.extui %le3A_951 : i1 to i32
    %add3A_953 = arith.addi %add3A_950, %convert_element_type3A_952 : i32
    %le3A_954 = arith.cmpi sle, %add3A_356, %min3A_946 : i32
    %convert_element_type3A_955 = arith.extui %le3A_954 : i1 to i32
    %add3A_956 = arith.addi %add3A_953, %convert_element_type3A_955 : i32
    %le3A_957 = arith.cmpi sle, %add3A_386, %min3A_946 : i32
    %convert_element_type3A_958 = arith.extui %le3A_957 : i1 to i32
    %add3A_959 = arith.addi %add3A_956, %convert_element_type3A_958 : i32
    %le3A_960 = arith.cmpi sle, %add3A_416, %min3A_946 : i32
    %convert_element_type3A_961 = arith.extui %le3A_960 : i1 to i32
    %add3A_962 = arith.addi %add3A_959, %convert_element_type3A_961 : i32
    %le3A_963 = arith.cmpi sle, %add3A_446, %min3A_946 : i32
    %convert_element_type3A_964 = arith.extui %le3A_963 : i1 to i32
    %add3A_965 = arith.addi %add3A_962, %convert_element_type3A_964 : i32
    %le3A_966 = arith.cmpi sle, %add3A_476, %min3A_946 : i32
    %convert_element_type3A_967 = arith.extui %le3A_966 : i1 to i32
    %add3A_968 = arith.addi %add3A_965, %convert_element_type3A_967 : i32
    %swap3A_969 = arith.constant 11 : index
    %swap3A_970 = memref.load %arg4[%swap3A_969] : memref<15xi32, #tpu.memory_space<smem>>
    memref.store %add3A_968, %arg4[%swap3A_969] : memref<15xi32, #tpu.memory_space<smem>>
    %swap3A_971 = arith.constant 11 : index
    %swap3A_972 = memref.load %arg5[%swap3A_971] : memref<15xi32, #tpu.memory_space<smem>>
    memref.store %min3A_946, %arg5[%swap3A_971] : memref<15xi32, #tpu.memory_space<smem>>
    %lt3A_973 = arith.constant 11 : i32
    %lt3A_974 = arith.cmpi slt, %lt3A_973, %add3A_503 : i32
    %convert_element_type3A_975 = arith.extui %lt3A_974 : i1 to i32
    %swap3A_976 = arith.constant 11 : index
    %swap3A_977 = memref.load %arg6[%swap3A_976] : memref<15xi32, #tpu.memory_space<smem>>
    memref.store %convert_element_type3A_975, %arg6[%swap3A_976] : memref<15xi32, #tpu.memory_space<smem>>
    %min3A_978 = arith.constant 12 : i32
    %min3A_979 = arith.minsi %min3A_978, %max3A_583 : i32
    %le3A_980 = arith.cmpi sle, %add3A_296, %min3A_979 : i32
    %convert_element_type3A_981 = arith.extui %le3A_980 : i1 to i32
    %add3A_982 = arith.constant 0 : i32
    %add3A_983 = arith.addi %add3A_982, %convert_element_type3A_981 : i32
    %le3A_984 = arith.cmpi sle, %add3A_326, %min3A_979 : i32
    %convert_element_type3A_985 = arith.extui %le3A_984 : i1 to i32
    %add3A_986 = arith.addi %add3A_983, %convert_element_type3A_985 : i32
    %le3A_987 = arith.cmpi sle, %add3A_356, %min3A_979 : i32
    %convert_element_type3A_988 = arith.extui %le3A_987 : i1 to i32
    %add3A_989 = arith.addi %add3A_986, %convert_element_type3A_988 : i32
    %le3A_990 = arith.cmpi sle, %add3A_386, %min3A_979 : i32
    %convert_element_type3A_991 = arith.extui %le3A_990 : i1 to i32
    %add3A_992 = arith.addi %add3A_989, %convert_element_type3A_991 : i32
    %le3A_993 = arith.cmpi sle, %add3A_416, %min3A_979 : i32
    %convert_element_type3A_994 = arith.extui %le3A_993 : i1 to i32
    %add3A_995 = arith.addi %add3A_992, %convert_element_type3A_994 : i32
    %le3A_996 = arith.cmpi sle, %add3A_446, %min3A_979 : i32
    %convert_element_type3A_997 = arith.extui %le3A_996 : i1 to i32
    %add3A_998 = arith.addi %add3A_995, %convert_element_type3A_997 : i32
    %le3A_999 = arith.cmpi sle, %add3A_476, %min3A_979 : i32
    %convert_element_type3A_1000 = arith.extui %le3A_999 : i1 to i32
    %add3A_1001 = arith.addi %add3A_998, %convert_element_type3A_1000 : i32
    %swap3A_1002 = arith.constant 12 : index
    %swap3A_1003 = memref.load %arg4[%swap3A_1002] : memref<15xi32, #tpu.memory_space<smem>>
    memref.store %add3A_1001, %arg4[%swap3A_1002] : memref<15xi32, #tpu.memory_space<smem>>
    %swap3A_1004 = arith.constant 12 : index
    %swap3A_1005 = memref.load %arg5[%swap3A_1004] : memref<15xi32, #tpu.memory_space<smem>>
    memref.store %min3A_979, %arg5[%swap3A_1004] : memref<15xi32, #tpu.memory_space<smem>>
    %lt3A_1006 = arith.constant 12 : i32
    %lt3A_1007 = arith.cmpi slt, %lt3A_1006, %add3A_503 : i32
    %convert_element_type3A_1008 = arith.extui %lt3A_1007 : i1 to i32
    %swap3A_1009 = arith.constant 12 : index
    %swap3A_1010 = memref.load %arg6[%swap3A_1009] : memref<15xi32, #tpu.memory_space<smem>>
    memref.store %convert_element_type3A_1008, %arg6[%swap3A_1009] : memref<15xi32, #tpu.memory_space<smem>>
    %min3A_1011 = arith.constant 13 : i32
    %min3A_1012 = arith.minsi %min3A_1011, %max3A_583 : i32
    %le3A_1013 = arith.cmpi sle, %add3A_296, %min3A_1012 : i32
    %convert_element_type3A_1014 = arith.extui %le3A_1013 : i1 to i32
    %add3A_1015 = arith.constant 0 : i32
    %add3A_1016 = arith.addi %add3A_1015, %convert_element_type3A_1014 : i32
    %le3A_1017 = arith.cmpi sle, %add3A_326, %min3A_1012 : i32
    %convert_element_type3A_1018 = arith.extui %le3A_1017 : i1 to i32
    %add3A_1019 = arith.addi %add3A_1016, %convert_element_type3A_1018 : i32
    %le3A_1020 = arith.cmpi sle, %add3A_356, %min3A_1012 : i32
    %convert_element_type3A_1021 = arith.extui %le3A_1020 : i1 to i32
    %add3A_1022 = arith.addi %add3A_1019, %convert_element_type3A_1021 : i32
    %le3A_1023 = arith.cmpi sle, %add3A_386, %min3A_1012 : i32
    %convert_element_type3A_1024 = arith.extui %le3A_1023 : i1 to i32
    %add3A_1025 = arith.addi %add3A_1022, %convert_element_type3A_1024 : i32
    %le3A_1026 = arith.cmpi sle, %add3A_416, %min3A_1012 : i32
    %convert_element_type3A_1027 = arith.extui %le3A_1026 : i1 to i32
    %add3A_1028 = arith.addi %add3A_1025, %convert_element_type3A_1027 : i32
    %le3A_1029 = arith.cmpi sle, %add3A_446, %min3A_1012 : i32
    %convert_element_type3A_1030 = arith.extui %le3A_1029 : i1 to i32
    %add3A_1031 = arith.addi %add3A_1028, %convert_element_type3A_1030 : i32
    %le3A_1032 = arith.cmpi sle, %add3A_476, %min3A_1012 : i32
    %convert_element_type3A_1033 = arith.extui %le3A_1032 : i1 to i32
    %add3A_1034 = arith.addi %add3A_1031, %convert_element_type3A_1033 : i32
    %swap3A_1035 = arith.constant 13 : index
    %swap3A_1036 = memref.load %arg4[%swap3A_1035] : memref<15xi32, #tpu.memory_space<smem>>
    memref.store %add3A_1034, %arg4[%swap3A_1035] : memref<15xi32, #tpu.memory_space<smem>>
    %swap3A_1037 = arith.constant 13 : index
    %swap3A_1038 = memref.load %arg5[%swap3A_1037] : memref<15xi32, #tpu.memory_space<smem>>
    memref.store %min3A_1012, %arg5[%swap3A_1037] : memref<15xi32, #tpu.memory_space<smem>>
    %lt3A_1039 = arith.constant 13 : i32
    %lt3A_1040 = arith.cmpi slt, %lt3A_1039, %add3A_503 : i32
    %convert_element_type3A_1041 = arith.extui %lt3A_1040 : i1 to i32
    %swap3A_1042 = arith.constant 13 : index
    %swap3A_1043 = memref.load %arg6[%swap3A_1042] : memref<15xi32, #tpu.memory_space<smem>>
    memref.store %convert_element_type3A_1041, %arg6[%swap3A_1042] : memref<15xi32, #tpu.memory_space<smem>>
    %min3A_1044 = arith.constant 14 : i32
    %min3A_1045 = arith.minsi %min3A_1044, %max3A_583 : i32
    %le3A_1046 = arith.cmpi sle, %add3A_296, %min3A_1045 : i32
    %convert_element_type3A_1047 = arith.extui %le3A_1046 : i1 to i32
    %add3A_1048 = arith.constant 0 : i32
    %add3A_1049 = arith.addi %add3A_1048, %convert_element_type3A_1047 : i32
    %le3A_1050 = arith.cmpi sle, %add3A_326, %min3A_1045 : i32
    %convert_element_type3A_1051 = arith.extui %le3A_1050 : i1 to i32
    %add3A_1052 = arith.addi %add3A_1049, %convert_element_type3A_1051 : i32
    %le3A_1053 = arith.cmpi sle, %add3A_356, %min3A_1045 : i32
    %convert_element_type3A_1054 = arith.extui %le3A_1053 : i1 to i32
    %add3A_1055 = arith.addi %add3A_1052, %convert_element_type3A_1054 : i32
    %le3A_1056 = arith.cmpi sle, %add3A_386, %min3A_1045 : i32
    %convert_element_type3A_1057 = arith.extui %le3A_1056 : i1 to i32
    %add3A_1058 = arith.addi %add3A_1055, %convert_element_type3A_1057 : i32
    %le3A_1059 = arith.cmpi sle, %add3A_416, %min3A_1045 : i32
    %convert_element_type3A_1060 = arith.extui %le3A_1059 : i1 to i32
    %add3A_1061 = arith.addi %add3A_1058, %convert_element_type3A_1060 : i32
    %le3A_1062 = arith.cmpi sle, %add3A_446, %min3A_1045 : i32
    %convert_element_type3A_1063 = arith.extui %le3A_1062 : i1 to i32
    %add3A_1064 = arith.addi %add3A_1061, %convert_element_type3A_1063 : i32
    %le3A_1065 = arith.cmpi sle, %add3A_476, %min3A_1045 : i32
    %convert_element_type3A_1066 = arith.extui %le3A_1065 : i1 to i32
    %add3A_1067 = arith.addi %add3A_1064, %convert_element_type3A_1066 : i32
    %swap3A_1068 = arith.constant 14 : index
    %swap3A_1069 = memref.load %arg4[%swap3A_1068] : memref<15xi32, #tpu.memory_space<smem>>
    memref.store %add3A_1067, %arg4[%swap3A_1068] : memref<15xi32, #tpu.memory_space<smem>>
    %swap3A_1070 = arith.constant 14 : index
    %swap3A_1071 = memref.load %arg5[%swap3A_1070] : memref<15xi32, #tpu.memory_space<smem>>
    memref.store %min3A_1045, %arg5[%swap3A_1070] : memref<15xi32, #tpu.memory_space<smem>>
    %lt3A_1072 = arith.constant 14 : i32
    %lt3A_1073 = arith.cmpi slt, %lt3A_1072, %add3A_503 : i32
    %convert_element_type3A_1074 = arith.extui %lt3A_1073 : i1 to i32
    %swap3A_1075 = arith.constant 14 : index
    %swap3A_1076 = memref.load %arg6[%swap3A_1075] : memref<15xi32, #tpu.memory_space<smem>>
    memref.store %convert_element_type3A_1074, %arg6[%swap3A_1075] : memref<15xi32, #tpu.memory_space<smem>>
    return
  }
}

</mosaic_0001>

<sc_bundles>
// kernel: kernel.6.cloned.1.call-start
scs
__scs_entry_jumppad:
0x0: {  	(pc) =	sbr.rel $0x88, $3  }
0x1: {  	(tag) =	ssettag $0x0;
	lr =	simm.s32 $0x1  }
0x2: {  	[smem:$0x3F9D] =	sst lr;
	_ =	strace $0xD0000000  }
0x3: {  	_ = 	snop  }
0x4: {  	_ = 	snop  }
0x5: {  	_ = 	snop  }
0x6: {  	_ = 	snop  }
0x7: {  	_ = 	snop  }
__scs_overlays_trampoline_lowered:
0x8: {  	[smem:$0x3FAC] =	sst s0  }
0x9: {  	[smem:$0x3FAD] =	sst s1  }
0xa: {  	[smem:$0x3FAE] =	sst s2  }
0xb: {  	[smem:$0x3FAF] =	sst s3  }
0xc: {  	[smem:$0x3FB0] =	sst s4  }
0xd: {  	[smem:$0x3FB1] =	sst s5  }
0xe: {  	[smem:$0x3FB2] =	sst s6  }
0xf: {  	[smem:$0x3FB3] =	sst s7  }
0x10: {  	[smem:$0x3FB4] =	sst s8  }
0x11: {  	[smem:$0x3FB5] =	sst s9;
	s0 =	simm.s32 @!p0 $0x0  }
0x12: {  	s1 =	sld [smem:$0x3F9B];
	s0 =	simm.s32 @p0 $0x1  }
0x13: {  	[smem:$0x3FB6] =	sst s0;
	s0 =	simm.s32 @!p1 $0x0  }
0x14: {  	s2 =	sld [smem:$0x3F9A];
	s0 =	simm.s32 @p1 $0x1  }
0x15: {  	[smem:$0x3FB7] =	sst s0;
	s0 =	simm.s32 @!p2 $0x0  }
0x16: {  	s3 =	sld [smem:$0x3FDB];
	s0 =	simm.s32 @p2 $0x1  }
0x17: {  	s4 =	simm.s32 $0x1BF5;
	[smem:$0x3FB9] =	sst s0  }
0x18: {  	s0 =	sld [smem:$0x3F9C];
	_ =	swait.ge [sflag:s4], $0x0  }
0x19: {  	s7 =	sld [smem:$0x3F9D]  }
0x1a: {  	s8 =	sadd.s32 $0xFFFFE003, lr  }
0x1b: {  	s9 =	sadd.s32 $0xFFFFFEF7, lr;
	s5 =	simm.s32 $0xFFFFFFFF;
	p2 =	slt.u32 s8, $0xFFFFF086  }
0x1c: {  	p1 =	slt.u32 s9, $0xF7A;
	s5 =	simm.s32 @!p2 $0x0  }
0x1d: {  	s5 =	simm.s32 @p1 $0x1;
	p0 =	seq.s32 s7, s2  }
0x1e: {  	s7 =	smul.u32 @!p0 $0xF7A, s2;
	p2 =	seq.s32 @!p0 s5, $0x0  }
0x1f: {  	s9 =	smul.u32 $0xF7A, s1;
	s8 =	simm.s32 @!p0 $0x1BF5;
	p2 =	por !p2, p0  }
0x20: {  	[sflag:s8] =	ssyncset.s32 @!p0 $0xFFFFF086;
	s6 =	sadd.s32 @!p0 s3, s7;
	s7 =	simm.s32 @!p0 $0x108  }
0x21: {  	s3 =	sadd.s32 s3, s9;
	s6 =	sadd.s32 @!p0 $0x88, s6;
	s7 =	simm.s32 @p2 $0x1082  }
0x22: {  	[simem:s7], [sflag:s8] =	dma.local @!p0 [hbm:s6], $0xF7A  }
0x23: {  	s9 =	sor.u32 $0xD0000000, s2;
	s6 =	simm.s32 $0x108;
	_ =	swait.ge @!p0 [sflag:s8], $0x0  }
0x24: {  	s3 =	sadd.s32 $0x88, s3;
	s6 =	simm.s32 @!p1 $0x1082;
	[sflag:s4] =	ssyncset.s32 $0xFFFFF086  }
0x25: {  	[simem:s6], [sflag:s4] =	dma.local [hbm:s3], $0xF7A  }
0x26: {  	[smem:$0x3F9D] =	sst s1;
	(tag) =	ssettag s2;
	_ =	strace s9  }
0x27: {  	s1 =	sld [smem:$0x3FAD]  }
0x28: {  	s2 =	sld [smem:$0x3FAE]  }
0x29: {  	s4 =	sld [smem:$0x3FB0]  }
0x2a: {  	p0 =	seq.s32 s5, $0x0;
	s5 =	sld [smem:$0x3FB1]  }
0x2b: {  	s6 =	sld [smem:$0x3FB2]  }
0x2c: {  	s7 =	sld [smem:$0x3FB3]  }
0x2d: {  	s3 =	simm.s32 $0x108;
	s8 =	sld [smem:$0x3FB4]  }
0x2e: {  	s3 =	simm.s32 @!p0 $0x1082;
	s9 =	sld [smem:$0x3FB5]  }
0x2f: {  	lr =	sadd.s32 s0, s3;
	s0 =	sld [smem:$0x3FAC]  }
0x30: {  	s3 =	sld [smem:$0x3FAF]  }
0x31: {  	[smem:$0x3FB8] =	sst s10  }
0x32: {  	s10 =	sld [smem:$0x3FB6];
	_ =	sdelay $0x3  }
0x33: {  	p0 =	seq.s32 s10, $0x1;
	s10 =	sld [smem:$0x3FB8];
	_ =	sdelay $0x3  }
0x34: {  	[smem:$0x3FB8] =	sst s10  }
0x35: {  	s10 =	sld [smem:$0x3FB7];
	_ =	sdelay $0x3  }
0x36: {  	p1 =	seq.s32 s10, $0x1;
	s10 =	sld [smem:$0x3FB8];
	_ =	sdelay $0x3  }
0x37: {  	[smem:$0x3FB8] =	sst s10  }
0x38: {  	s10 =	sld [smem:$0x3FB9]  }
0x39: {  	_ = 	snop;
	(pc) =	sbr.ind lr, $3  }
0x3a: {  	_ = 	snop  }
0x3b: {  	_ = 	snop  }
0x3c: {  	p2 =	seq.s32 s10, $0x1;
	s10 =	sld [smem:$0x3FB8]  }
0x3d: {  	_ =	shalt  }
0x3e: {  	_ =	shalt  }
0x3f: {  	_ =	shalt  }
0x40: {  	_ =	shalt  }
0x41: {  	_ =	shalt  }
0x42: {  	_ =	shalt  }
0x43: {  	_ =	shalt  }
0x44: {  	_ =	shalt  }
0x45: {  	_ =	shalt  }
0x46: {  	_ =	shalt  }
0x47: {  	_ =	shalt  }
0x48: {  	_ =	shalt  }
0x49: {  	_ =	shalt  }
0x4a: {  	_ =	shalt  }
0x4b: {  	_ =	shalt  }
0x4c: {  	_ =	shalt  }
0x4d: {  	_ =	shalt  }
0x4e: {  	_ =	shalt  }
0x4f: {  	_ =	shalt  }
0x50: {  	_ =	shalt  }
0x51: {  	_ =	shalt  }
0x52: {  	_ =	shalt  }
0x53: {  	_ =	shalt  }
0x54: {  	_ =	shalt  }
0x55: {  	_ =	shalt  }
0x56: {  	_ =	shalt  }
0x57: {  	_ =	shalt  }
0x58: {  	_ =	shalt  }
0x59: {  	_ =	shalt  }
0x5a: {  	_ =	shalt  }
0x5b: {  	_ =	shalt  }
0x5c: {  	_ =	shalt  }
0x5d: {  	_ =	shalt  }
0x5e: {  	_ =	shalt  }
0x5f: {  	_ =	shalt  }
0x60: {  	_ =	shalt  }
0x61: {  	_ =	shalt  }
0x62: {  	_ =	shalt  }
0x63: {  	_ =	shalt  }
0x64: {  	_ =	shalt  }
0x65: {  	_ =	shalt  }
0x66: {  	_ =	shalt  }
0x67: {  	_ =	shalt  }
0x68: {  	_ =	shalt  }
0x69: {  	_ =	shalt  }
0x6a: {  	_ =	shalt  }
0x6b: {  	_ =	shalt  }
0x6c: {  	_ =	shalt  }
0x6d: {  	_ =	shalt  }
0x6e: {  	_ =	shalt  }
0x6f: {  	_ =	shalt  }
0x70: {  	_ =	shalt  }
0x71: {  	_ =	shalt  }
0x72: {  	_ =	shalt  }
0x73: {  	_ =	shalt  }
0x74: {  	_ =	shalt  }
0x75: {  	_ =	shalt  }
0x76: {  	_ =	shalt  }
0x77: {  	_ =	shalt  }
0x78: {  	_ =	shalt  }
0x79: {  	_ =	shalt  }
0x7a: {  	_ =	shalt  }
0x7b: {  	_ =	shalt  }
0x7c: {  	_ =	shalt  }
0x7d: {  	_ =	shalt  }
0x7e: {  	_ =	shalt  }
0x7f: {  	_ =	shalt  }
0x80: {  	_ =	shalt  }
0x81: {  	_ =	shalt  }
0x82: {  	_ =	shalt  }
0x83: {  	_ =	shalt  }
0x84: {  	_ =	shalt  }
0x85: {  	_ =	shalt  }
0x86: {  	_ =	shalt  }
0x87: {  	_ =	shalt  }
.Lfunc_end0:
.L_simem_size_0:
called_computation_lowered:
.L_overlay_start_0:
0x88: {  	s2 =	sld [smem:$0x3FD9]  }
0x89: {  	s3 =	sld [smem:$0x3FFE];
	_ =	sdelay $0x1  }
0x8a: {  	s1 =	srdreg.scid  }
0x8b: {  	s0 =	sand.u32 $0x1, s1  }
0x8c: {  	s17 =	sshll.u32 s0, $0xA;
	s2 =	sadd.s32 s3, s2  }
0x8d: {  	s2 =	sadd.s32 s2, s17  }
0x8e: {  	[smem:$0x3FC4] =	sst s2  }
0x8f: {  	_ = 	snop  }
0x90: {  	s2 =	sld [smem:$0x3FC9];
	(tm) =	ssettm $0x1  }
0x91: {  	s18 =	sld [smem:$0x3FFB];
	_ =	sdelay $0x3  }
0x92: {  	_ =	strace s18  }
0x93: {  	s3 =	sld [smem:$0x3FFC];
	_ =	sdelay $0x3  }
0x94: {  	_ =	strace s3  }
0x95: {  	s3 =	sld [smem:$0x3FFD];
	_ =	sdelay $0x3  }
0x96: {  	_ =	strace s3  }
0x97: {  	_ =	strace $0x8FFFFFFF  }
0x98: {  	s19 =	sld [smem:$0x3FDB];
	_ =	sdelay $0x1  }
0x99: {  	s4 =	simm.s32 $_scs_section_size  }
0x9a: {  	s5 =	simm.s32 $_size__tile_overlayer_lowered;
	s6 =	simm.s32 $_tile_overlayer_lowered  }
0x9b: {  	s22 =	simm.s32 $0x1BFF;
	s21 =	sshll.u32 s6, $0x1;
	s3 =	sadd.s32 s4, s19  }
0x9c: {  	s7 =	simm.s32 $0x0;
	s20 =	sshll.u32 s5, $0x1;
	s5 =	sadd.s32 s21, s3  }
0x9d: {  	[timem:s7], [sflag:s22] =	dma.local [hbm:s5], s20  }
0x9e: {  	_ =	swait.ge [sflag:s22], s20  }
0x9f: {  	s4 =	ssub.s32 $0x0, s20;
	[sflag:s22] =	ssyncset.done $0x0  }
0xa0: {  	[sflag:s22] =	ssyncadd.s32 s4;
	_ =	sdelay $0x1  }
0xa1: {  	s23 =	simm.s32 $0x1B8B  }
0xa2: {  	_ =	swait.ge [sflag:s23], $0x1  }
0xa3: {  	[sflag:s23] =	ssyncset.done $0x0  }
0xa4: {  	s25 =	simm.s32 $0x1B8E;
	s24 =	sld [smem:$0x3FFE];
	[sflag:s23] =	ssyncadd.s32 $0xFFFFFFFF  }
0xa5: {  	s26 =	simm.s32 $execute0_lowered;
	[smem:$0x3FD2] =	sst s25  }
0xa6: {  	s5 =	sshll.u32 s26, $0x1;
	_ =	strace $0x80000046;
	[dreg:$0x1] =	wrdreg $0xFFFFFFFF  }
0xa7: {  	s28 =	simm.s32 $_size_execute0_lowered;
	s3 =	sadd.s32 s3, s5;
	[dreg:$0x0] =	wrdreg $0x0  }
0xa8: {  	s5 =	sshll.u32 s28, $0x1;
	[dreg:$0x2] =	wrdreg s3  }
0xa9: {  	[dreg:$0x3] =	wrdreg s5  }
0xaa: {  	[dreg:$0x4] =	wrdreg $0xC0  }
0xab: {  	_ =	task [dreg:s7], $0x5FFFF  }
0xac: {  	[dreg:$0x1] =	wrdreg $0xFFFFFFFF  }
0xad: {  	[dreg:$0x0] =	wrdreg $0x60  }
0xae: {  	[dreg:$0x2] =	wrdreg s2  }
0xaf: {  	[dreg:$0x3] =	wrdreg s24  }
0xb0: {  	[dreg:$0x4] =	wrdreg $0x9  }
0xb1: {  	_ =	task.clear_ibuf [dreg:s7], $0x5FFFF;
	_ =	strace $0x90000046  }
0xb2: {  	s29 =	simm.s32 $0x9;
	_ =	strace $0x80000048  }
0xb3: {  	_ =	swait.ge [sflag:s29], $0x1  }
0xb4: {  	[sflag:s29] =	ssyncadd.s32 $0xFFFFFFFF  }
0xb5: {  	_ =	strace $0x90000048  }
0xb6: {  	_ =	sfence  }
0xb7: {  	s30 =	sld [smem:$0x0];
	_ =	sdelay $0x2  }
0xb8: {  	s31 =	sshll.u32 s1, $0xD;
	s1 =	sshrl.u32 s1, $0x2  }
0xb9: {  	s3 =	sand.u32 $0x4000, s31;
	s1 =	sadd.s32 s1, s30  }
0xba: {  	s0 =	sor.u32 s3, s0;
	s1 =	sshll.u32 s1, $0x11  }
0xbb: {  	s0 =	sor.u32 s1, s0  }
0xbc: {  	s0 =	sadd.s32 $0x8F2B, s0  }
0xbd: {  	[sflag:s0] =	ssyncadd.remote.s32 $0x1  }
0xbe: {  	_ =	sfence.sel $0xFFFF  }
0xbf: {  	[dreg:$0x0] =	wrdreg $0xFFFFFFFF;
	(pc) =	sbr.abs _section_cstart, $3  }
0xc0: {  	[dreg:$0x1] =	wrdreg $0xFFFFFFFF  }
0xc1: {  	_ =	task.clear_ibuf [dreg:s7], $0x2FFFF;
	_ =	strace $0x9FFFFFFF  }
0xc2: {  	(tm) =	ssettm $0x7FFFFFFF  }
0xc3: {  	_ =	shalt  }
tec
execute0_lowered:
.L_overlay_start_1:
0x0: {  	(tag) =	ssettag $0x1  }
0x1: {  	s0 =	rddreg [dreg:$0x0];
	s1 =	srdreg.scid  }
0x2: {  	s2 =	stileid.u32;
	s5 =	rddreg [dreg:$0x1]  }
0x3: {  	s8 =	simm.s32 $0x2;
	s10 =	simm.s32 $0x1300;
	s11 =	simm.s32 $0x1B00  }
0x4: {  	s12 =	simm.s32 $0x2300;
	s13 =	simm.s32 $0x2B00;
	s14 =	simm.s32 $0x3300  }
0x5: {  	s15 =	simm.s32 $0x3B00;
	s16 =	simm.s32 $0x4300;
	s17 =	simm.s32 $0x4B00  }
0x6: {  	s18 =	simm.s32 $0x5300;
	s19 =	simm.s32 $0x5B00;
	s20 =	simm.s32 $0x6300  }
0x7: {  	s21 =	simm.s32 $0x6B00;
	s22 =	simm.s32 $0x7300;
	s23 =	simm.s32 $0x7B00  }
0x8: {  	s24 =	simm.s32 $0x8300;
	s25 =	simm.s32 $0x8B00;
	s28 =	simm.s32 $0x9B00  }
0x9: {  	s29 =	simm.s32 $0xA300;
	s30 =	simm.s32 $0xAB00;
	s31 =	simm.s32 $0xB300  }
0xa: {  	s1 =	sand.u32 $0x1, s1;
	s3 =	sshll.u32 s2, $0x1;
	s2 =	simm.s32 $0x0  }
0xb: {  	s3 =	sor.u32 s1, s3;
	[smem:$0x7FF] =	sst s2;
	s1 =	ssub.s32 $0x2, s1  }
0xc: {  	v10 =	vlaneseq.u32;
	s4 =	sshll.u32 s3, $0x6;
	s6 =	smul.u32 $0x1800, s3;
	_ =	strace $0x80000047  }
0xd: {  	v0 =	vmul.u32 $0x8, v10;
	s3 =	sadd.s32 $0x9800, s5;
	s7 =	sshrl.u32 s1, $0x1;
	s4 =	sadd.s32 s4, s5  }
0xe: {  	vm0 =	vmmov $0xffff;
	v9 =	vshrl.u32 v10, $0x3;
	v8 =	vand.u32 $0x7, v10;
	s1 =	ssub.s32 s1, s7;
	s7 =	simm.s32 $0x300;
	s0 =	sadd.s32 s0, s6  }
0xf: {  	v10 =	vor.u32 $0x8, v10;
	v9 =	vmul.u32 $0x8, v9;
	v1 =	vor.u32 $0x1, v0;
	s26 =	sadd.s32 $0x9000, s4;
	s4 =	sadd.s32 $0x9900, s5;
	s5 =	sadd.s32 $0x9A00, s5  }
0x10: {  	v2 =	vor.u32 $0x80, v0;
	v3 =	vor.u32 $0x81, v0;
	v4 =	vor.u32 $0x100, v0;
	s6 =	smax.u32 s1, $0x1;
	s1 =	simm.s32 $0xBB00;
	[dreg:$0x3] =	wrdreg s0  }
0x11: {  	v5 =	vor.u32 $0x101, v0;
	v6 =	vor.u32 $0x180, v0;
	v7 =	vor.u32 $0x181, v0;
	[dreg:$0x4] =	wrdreg s26;
	s26 =	simm.s32 $0x9300;
	s0 =	simm.s32 $0x1  }
.LBB2_1:
0x12: {  	s9 =	rddreg [dreg:$0x3]  }
0x13: {  	[tilespmem:s7], [sflag:$0x2] =	stream.linear.gather [hbm4b:s9+s2], $0xC000, $0x38;
	[tilespmem:$0xC300] =	vst v63  }
0x14: {  	_ =	swait.ge [sflag:s8], $0xC000  }
0x15: {  	[sflag:s8] =	ssyncset.done $0x0  }
0x16: {  	s9 =	rddreg [dreg:$0x4];
	[sflag:s8] =	ssyncadd.s32 $0xFFFF4000  }
0x17: {  	[tilespmem:s2], [sflag:$0x2] =	stream.linear.gather [hbm4b:s9+s2], $0x200, $0x38;
	[tilespmem:$0xC300] =	vst v63  }
0x18: {  	_ =	swait.ge [sflag:s8], $0x200  }
0x19: {  	[sflag:s8] =	ssyncset.done $0x0  }
0x1a: {  	[sflag:s8] =	ssyncadd.s32 $0xFFFFFE00  }
0x1b: {  	v11 =	vld.idx.msk [tilespmem:v0+s2+$0x0], $0xffff;
	_ =	sdelay $0x4  }
0x1c: {  	[tilespmem:$0x200] =	vst v11  }
0x1d: {  	v11 =	vld.idx.msk [tilespmem:v1+s2+$0x0], $0xffff;
	_ =	sdelay $0x4  }
0x1e: {  	[tilespmem:$0x280] =	vst v11  }
0x1f: {  	v11 =	vld.idx.msk [tilespmem:v2+s2+$0x0], $0xffff;
	_ =	sdelay $0x4  }
0x20: {  	[tilespmem:$0x210] =	vst v11  }
0x21: {  	v11 =	vld.idx.msk [tilespmem:v3+s2+$0x0], $0xffff;
	_ =	sdelay $0x4  }
0x22: {  	[tilespmem:$0x290] =	vst v11  }
0x23: {  	v11 =	vld.idx.msk [tilespmem:v4+s2+$0x0], $0xffff;
	_ =	sdelay $0x4  }
0x24: {  	[tilespmem:$0x220] =	vst v11  }
0x25: {  	v11 =	vld.idx.msk [tilespmem:v5+s2+$0x0], $0xffff;
	_ =	sdelay $0x1  }
0x26: {  	v12 =	vld [tilespmem:$0x200];
	_ =	sdelay $0x2  }
0x27: {  	[tilespmem:$0x2A0] =	vst v11  }
0x28: {  	v11 =	vld.idx.msk [tilespmem:v6+s2+$0x0], $0xffff  }
0x29: {  	v13 =	vshrl.u32 v12, $0x3  }
0x2a: {  	v13 =	vmul.u32 $0x30, v13  }
0x2b: {  	v12 =	vand.u32 $0x7, v12  }
0x2c: {  	v12 =	vor.u32 v12, v13  }
0x2d: {  	[tilespmem:$0x230] =	vst v11;
	v11 =	vperm.xlane v12, v8  }
0x2e: {  	v56 =	vld.idx.msk [tilespmem:v7+s2+$0x0], $0xffff  }
0x2f: {  	v11 =	vadd.s32 v9, v11;
	_ =	sdelay $0x3  }
0x30: {  	v12 =	vperm.xlane v12, v10;
	[tilespmem:$0x2B0] =	vst v56  }
0x31: {  	[hbm4b:s3+s2] =	stream.indirect_vreg.scatter [tilespmem:s7], [sflag:$0x1], $0x80, v11, vm0, $0xb8;
	[tilespmem:$0xC300] =	vst v63  }
0x32: {  	s9 =	simm.s32 $0xB00;
	v12 =	vadd.s32 v9, v12  }
0x33: {  	[hbm4b:s4+s2] =	stream.indirect_vreg.scatter [tilespmem:s9], [sflag:$0x1], $0x80, v11, vm0, $0xb8;
	[tilespmem:$0xC300] =	vst v63  }
0x34: {  	_ = 	snop  }
0x35: {  	[hbm4b:s5+s2] =	stream.indirect_vreg.scatter [tilespmem:s10], [sflag:$0x1], $0x80, v11, vm0, $0xb8;
	[tilespmem:$0xC300] =	vst v63  }
0x36: {  	_ = 	snop  }
0x37: {  	[hbm4b:s3+s2] =	stream.indirect_vreg.scatter [tilespmem:s11], [sflag:$0x1], $0x80, v12, vm0, $0xb8;
	[tilespmem:$0xC300] =	vst v63  }
0x38: {  	_ = 	snop  }
0x39: {  	[hbm4b:s4+s2] =	stream.indirect_vreg.scatter [tilespmem:s12], [sflag:$0x1], $0x80, v12, vm0, $0xb8;
	[tilespmem:$0xC300] =	vst v63  }
0x3a: {  	_ = 	snop  }
0x3b: {  	[hbm4b:s5+s2] =	stream.indirect_vreg.scatter [tilespmem:s13], [sflag:$0x1], $0x80, v12, vm0, $0xb8;
	[tilespmem:$0xC300] =	vst v63  }
0x3c: {  	v11 =	vld [tilespmem:$0x210];
	_ =	sdelay $0x4  }
0x3d: {  	v57 =	vshrl.u32 v11, $0x3  }
0x3e: {  	v12 =	vmul.u32 $0x30, v57  }
0x3f: {  	v11 =	vand.u32 $0x7, v11  }
0x40: {  	v11 =	vor.u32 v11, v12  }
0x41: {  	v12 =	vperm.xlane v11, v8;
	_ =	sdelay $0x1  }
0x42: {  	v12 =	vadd.s32 v9, v12;
	_ =	sdelay $0x3  }
0x43: {  	v11 =	vperm.xlane v11, v10  }
0x44: {  	[hbm4b:s3+s2] =	stream.indirect_vreg.scatter [tilespmem:s14], [sflag:$0x1], $0x80, v12, vm0, $0xb8;
	[tilespmem:$0xC300] =	vst v63  }
0x45: {  	v11 =	vadd.s32 v9, v11  }
0x46: {  	[hbm4b:s4+s2] =	stream.indirect_vreg.scatter [tilespmem:s15], [sflag:$0x1], $0x80, v12, vm0, $0xb8;
	[tilespmem:$0xC300] =	vst v63  }
0x47: {  	_ = 	snop  }
0x48: {  	[hbm4b:s5+s2] =	stream.indirect_vreg.scatter [tilespmem:s16], [sflag:$0x1], $0x80, v12, vm0, $0xb8;
	[tilespmem:$0xC300] =	vst v63  }
0x49: {  	_ = 	snop  }
0x4a: {  	[hbm4b:s3+s2] =	stream.indirect_vreg.scatter [tilespmem:s17], [sflag:$0x1], $0x80, v11, vm0, $0xb8;
	[tilespmem:$0xC300] =	vst v63  }
0x4b: {  	_ = 	snop  }
0x4c: {  	[hbm4b:s4+s2] =	stream.indirect_vreg.scatter [tilespmem:s18], [sflag:$0x1], $0x80, v11, vm0, $0xb8;
	[tilespmem:$0xC300] =	vst v63  }
0x4d: {  	_ = 	snop  }
0x4e: {  	[hbm4b:s5+s2] =	stream.indirect_vreg.scatter [tilespmem:s19], [sflag:$0x1], $0x80, v11, vm0, $0xb8;
	[tilespmem:$0xC300] =	vst v63  }
0x4f: {  	v11 =	vld [tilespmem:$0x220];
	_ =	sdelay $0x4  }
0x50: {  	v58 =	vshrl.u32 v11, $0x3  }
0x51: {  	v12 =	vmul.u32 $0x30, v58  }
0x52: {  	v11 =	vand.u32 $0x7, v11  }
0x53: {  	v11 =	vor.u32 v11, v12  }
0x54: {  	v12 =	vperm.xlane v11, v8;
	_ =	sdelay $0x1  }
0x55: {  	v12 =	vadd.s32 v9, v12;
	_ =	sdelay $0x3  }
0x56: {  	v11 =	vperm.xlane v11, v10  }
0x57: {  	[hbm4b:s3+s2] =	stream.indirect_vreg.scatter [tilespmem:s20], [sflag:$0x1], $0x80, v12, vm0, $0xb8;
	[tilespmem:$0xC300] =	vst v63  }
0x58: {  	v11 =	vadd.s32 v9, v11  }
0x59: {  	[hbm4b:s4+s2] =	stream.indirect_vreg.scatter [tilespmem:s21], [sflag:$0x1], $0x80, v12, vm0, $0xb8;
	[tilespmem:$0xC300] =	vst v63  }
0x5a: {  	_ = 	snop  }
0x5b: {  	[hbm4b:s5+s2] =	stream.indirect_vreg.scatter [tilespmem:s22], [sflag:$0x1], $0x80, v12, vm0, $0xb8;
	[tilespmem:$0xC300] =	vst v63  }
0x5c: {  	_ = 	snop  }
0x5d: {  	[hbm4b:s3+s2] =	stream.indirect_vreg.scatter [tilespmem:s23], [sflag:$0x1], $0x80, v11, vm0, $0xb8;
	[tilespmem:$0xC300] =	vst v63  }
0x5e: {  	_ = 	snop  }
0x5f: {  	[hbm4b:s4+s2] =	stream.indirect_vreg.scatter [tilespmem:s24], [sflag:$0x1], $0x80, v11, vm0, $0xb8;
	[tilespmem:$0xC300] =	vst v63  }
0x60: {  	_ = 	snop  }
0x61: {  	[hbm4b:s5+s2] =	stream.indirect_vreg.scatter [tilespmem:s25], [sflag:$0x1], $0x80, v11, vm0, $0xb8;
	[tilespmem:$0xC300] =	vst v63  }
0x62: {  	v11 =	vld [tilespmem:$0x230];
	_ =	sdelay $0x4  }
0x63: {  	v59 =	vshrl.u32 v11, $0x3  }
0x64: {  	v12 =	vmul.u32 $0x30, v59  }
0x65: {  	v11 =	vand.u32 $0x7, v11  }
0x66: {  	v11 =	vor.u32 v11, v12  }
0x67: {  	v12 =	vperm.xlane v11, v8;
	_ =	sdelay $0x1  }
0x68: {  	v12 =	vadd.s32 v9, v12;
	_ =	sdelay $0x3  }
0x69: {  	v11 =	vperm.xlane v11, v10  }
0x6a: {  	[hbm4b:s3+s2] =	stream.indirect_vreg.scatter [tilespmem:s26], [sflag:$0x1], $0x80, v12, vm0, $0xb8;
	[tilespmem:$0xC300] =	vst v63  }
0x6b: {  	v11 =	vadd.s32 v9, v11  }
0x6c: {  	[hbm4b:s4+s2] =	stream.indirect_vreg.scatter [tilespmem:s28], [sflag:$0x1], $0x80, v12, vm0, $0xb8;
	[tilespmem:$0xC300] =	vst v63  }
0x6d: {  	_ = 	snop  }
0x6e: {  	[hbm4b:s5+s2] =	stream.indirect_vreg.scatter [tilespmem:s29], [sflag:$0x1], $0x80, v12, vm0, $0xb8;
	[tilespmem:$0xC300] =	vst v63  }
0x6f: {  	_ = 	snop  }
0x70: {  	[hbm4b:s3+s2] =	stream.indirect_vreg.scatter [tilespmem:s30], [sflag:$0x1], $0x80, v11, vm0, $0xb8;
	[tilespmem:$0xC300] =	vst v63  }
0x71: {  	_ = 	snop  }
0x72: {  	[hbm4b:s4+s2] =	stream.indirect_vreg.scatter [tilespmem:s31], [sflag:$0x1], $0x80, v11, vm0, $0xb8;
	[tilespmem:$0xC300] =	vst v63  }
0x73: {  	_ = 	snop  }
0x74: {  	[hbm4b:s5+s2] =	stream.indirect_vreg.scatter [tilespmem:s1], [sflag:$0x1], $0x80, v11, vm0, $0xb8;
	[tilespmem:$0xC300] =	vst v63  }
0x75: {  	v11 =	vld [tilespmem:$0x280];
	_ =	sdelay $0x4  }
0x76: {  	v60 =	vshrl.u32 v11, $0x3  }
0x77: {  	v12 =	vmul.u32 $0x30, v60  }
0x78: {  	v11 =	vand.u32 $0x7, v11  }
0x79: {  	v11 =	vor.u32 v11, v12  }
0x7a: {  	v12 =	vperm.xlane v11, v8;
	_ =	sdelay $0x1  }
0x7b: {  	v12 =	vadd.s32 v9, v12;
	_ =	sdelay $0x3  }
0x7c: {  	v11 =	vperm.xlane v11, v10  }
0x7d: {  	[hbm4b:s3+s2] =	stream.indirect_vreg.scatter [tilespmem:s7], [sflag:$0x1], $0x80, v12, vm0, $0xb8;
	[tilespmem:$0xC300] =	vst v63  }
0x7e: {  	v11 =	vadd.s32 v9, v11  }
0x7f: {  	[hbm4b:s4+s2] =	stream.indirect_vreg.scatter [tilespmem:s9], [sflag:$0x1], $0x80, v12, vm0, $0xb8;
	[tilespmem:$0xC300] =	vst v63  }
0x80: {  	_ = 	snop  }
0x81: {  	[hbm4b:s5+s2] =	stream.indirect_vreg.scatter [tilespmem:s10], [sflag:$0x1], $0x80, v12, vm0, $0xb8;
	[tilespmem:$0xC300] =	vst v63  }
0x82: {  	_ = 	snop  }
0x83: {  	[hbm4b:s3+s2] =	stream.indirect_vreg.scatter [tilespmem:s11], [sflag:$0x1], $0x80, v11, vm0, $0xb8;
	[tilespmem:$0xC300] =	vst v63  }
0x84: {  	_ = 	snop  }
0x85: {  	[hbm4b:s4+s2] =	stream.indirect_vreg.scatter [tilespmem:s12], [sflag:$0x1], $0x80, v11, vm0, $0xb8;
	[tilespmem:$0xC300] =	vst v63  }
0x86: {  	_ = 	snop  }
0x87: {  	[hbm4b:s5+s2] =	stream.indirect_vreg.scatter [tilespmem:s13], [sflag:$0x1], $0x80, v11, vm0, $0xb8;
	[tilespmem:$0xC300] =	vst v63  }
0x88: {  	v11 =	vld [tilespmem:$0x290];
	_ =	sdelay $0x4  }
0x89: {  	v61 =	vshrl.u32 v11, $0x3  }
0x8a: {  	v12 =	vmul.u32 $0x30, v61  }
0x8b: {  	v11 =	vand.u32 $0x7, v11  }
0x8c: {  	v11 =	vor.u32 v11, v12  }
0x8d: {  	v12 =	vperm.xlane v11, v8;
	_ =	sdelay $0x1  }
0x8e: {  	v12 =	vadd.s32 v9, v12;
	_ =	sdelay $0x3  }
0x8f: {  	v11 =	vperm.xlane v11, v10  }
0x90: {  	[hbm4b:s3+s2] =	stream.indirect_vreg.scatter [tilespmem:s14], [sflag:$0x1], $0x80, v12, vm0, $0xb8;
	[tilespmem:$0xC300] =	vst v63  }
0x91: {  	v11 =	vadd.s32 v9, v11  }
0x92: {  	[hbm4b:s4+s2] =	stream.indirect_vreg.scatter [tilespmem:s15], [sflag:$0x1], $0x80, v12, vm0, $0xb8;
	[tilespmem:$0xC300] =	vst v63  }
0x93: {  	_ = 	snop  }
0x94: {  	[hbm4b:s5+s2] =	stream.indirect_vreg.scatter [tilespmem:s16], [sflag:$0x1], $0x80, v12, vm0, $0xb8;
	[tilespmem:$0xC300] =	vst v63  }
0x95: {  	_ = 	snop  }
0x96: {  	[hbm4b:s3+s2] =	stream.indirect_vreg.scatter [tilespmem:s17], [sflag:$0x1], $0x80, v11, vm0, $0xb8;
	[tilespmem:$0xC300] =	vst v63  }
0x97: {  	_ = 	snop  }
0x98: {  	[hbm4b:s4+s2] =	stream.indirect_vreg.scatter [tilespmem:s18], [sflag:$0x1], $0x80, v11, vm0, $0xb8;
	[tilespmem:$0xC300] =	vst v63  }
0x99: {  	_ = 	snop  }
0x9a: {  	[hbm4b:s5+s2] =	stream.indirect_vreg.scatter [tilespmem:s19], [sflag:$0x1], $0x80, v11, vm0, $0xb8;
	[tilespmem:$0xC300] =	vst v63  }
0x9b: {  	v11 =	vld [tilespmem:$0x2A0];
	_ =	sdelay $0x4  }
0x9c: {  	v62 =	vshrl.u32 v11, $0x3  }
0x9d: {  	v12 =	vmul.u32 $0x30, v62  }
0x9e: {  	v11 =	vand.u32 $0x7, v11  }
0x9f: {  	v11 =	vor.u32 v11, v12  }
0xa0: {  	v12 =	vperm.xlane v11, v8;
	_ =	sdelay $0x1  }
0xa1: {  	v12 =	vadd.s32 v9, v12;
	_ =	sdelay $0x3  }
0xa2: {  	v11 =	vperm.xlane v11, v10  }
0xa3: {  	[hbm4b:s3+s2] =	stream.indirect_vreg.scatter [tilespmem:s20], [sflag:$0x1], $0x80, v12, vm0, $0xb8;
	[tilespmem:$0xC300] =	vst v63  }
0xa4: {  	v11 =	vadd.s32 v9, v11  }
0xa5: {  	[hbm4b:s4+s2] =	stream.indirect_vreg.scatter [tilespmem:s21], [sflag:$0x1], $0x80, v12, vm0, $0xb8;
	[tilespmem:$0xC300] =	vst v63  }
0xa6: {  	_ = 	snop  }
0xa7: {  	[hbm4b:s5+s2] =	stream.indirect_vreg.scatter [tilespmem:s22], [sflag:$0x1], $0x80, v12, vm0, $0xb8;
	[tilespmem:$0xC300] =	vst v63  }
0xa8: {  	_ = 	snop  }
0xa9: {  	[hbm4b:s3+s2] =	stream.indirect_vreg.scatter [tilespmem:s23], [sflag:$0x1], $0x80, v11, vm0, $0xb8;
	[tilespmem:$0xC300] =	vst v63  }
0xaa: {  	_ = 	snop  }
0xab: {  	[hbm4b:s4+s2] =	stream.indirect_vreg.scatter [tilespmem:s24], [sflag:$0x1], $0x80, v11, vm0, $0xb8;
	[tilespmem:$0xC300] =	vst v63  }
0xac: {  	_ = 	snop  }
0xad: {  	[hbm4b:s5+s2] =	stream.indirect_vreg.scatter [tilespmem:s25], [sflag:$0x1], $0x80, v11, vm0, $0xb8;
	[tilespmem:$0xC300] =	vst v63  }
0xae: {  	v11 =	vld [tilespmem:$0x2B0];
	_ =	sdelay $0x4  }
0xaf: {  	v63 =	vshrl.u32 v11, $0x3  }
0xb0: {  	v12 =	vmul.u32 $0x30, v63  }
0xb1: {  	v11 =	vand.u32 $0x7, v11  }
0xb2: {  	v11 =	vor.u32 v11, v12  }
0xb3: {  	v12 =	vperm.xlane v11, v8;
	_ =	sdelay $0x1  }
0xb4: {  	v12 =	vadd.s32 v9, v12;
	_ =	sdelay $0x3  }
0xb5: {  	v11 =	vperm.xlane v11, v10  }
0xb6: {  	[hbm4b:s3+s2] =	stream.indirect_vreg.scatter [tilespmem:s26], [sflag:$0x1], $0x80, v12, vm0, $0xb8;
	[tilespmem:$0xC300] =	vst v63  }
0xb7: {  	v11 =	vadd.s32 v9, v11  }
0xb8: {  	[hbm4b:s4+s2] =	stream.indirect_vreg.scatter [tilespmem:s28], [sflag:$0x1], $0x80, v12, vm0, $0xb8;
	[tilespmem:$0xC300] =	vst v63  }
0xb9: {  	_ = 	snop  }
0xba: {  	[hbm4b:s5+s2] =	stream.indirect_vreg.scatter [tilespmem:s29], [sflag:$0x1], $0x80, v12, vm0, $0xb8;
	[tilespmem:$0xC300] =	vst v63  }
0xbb: {  	_ = 	snop  }
0xbc: {  	[hbm4b:s3+s2] =	stream.indirect_vreg.scatter [tilespmem:s30], [sflag:$0x1], $0x80, v11, vm0, $0xb8;
	[tilespmem:$0xC300] =	vst v63  }
0xbd: {  	_ = 	snop  }
0xbe: {  	[hbm4b:s4+s2] =	stream.indirect_vreg.scatter [tilespmem:s31], [sflag:$0x1], $0x80, v11, vm0, $0xb8;
	[tilespmem:$0xC300] =	vst v63  }
0xbf: {  	_ = 	snop  }
0xc0: {  	[hbm4b:s5+s2] =	stream.indirect_vreg.scatter [tilespmem:s1], [sflag:$0x1], $0x80, v11, vm0, $0xb8;
	[tilespmem:$0xC300] =	vst v63  }
0xc1: {  	p0 =	sne.s32 s6, $0x1;
	_ =	swait.ge [sflag:s0], $0xC000  }
.Ltmp0:
0xc2: {  	[sflag:s0] =	ssyncset.done $0x0;
	(pc) =	sbr.rel @p0 .LBB2_1-.Ltmp0, $4  }
0xc3: {  	[sflag:s0] =	ssyncadd.s32 $0xFFFF4000  }
0xc4: {  	_ =	swait.ge [sflag:s0], $0xC000  }
0xc5: {  	[sflag:s0] =	ssyncset.done $0x0  }
0xc6: {  	s6 =	sadd.s32 $0xFFFFFFFF, s6;
	[sflag:s0] =	ssyncadd.s32 $0xFFFF4000  }
0xc7: {  	_ =	sfence.sel $0x180000  }
0xc8: {  	[bflag:$0x0] =	sbarrier.arrive $0xFFFF  }
0xc9: {  	_ =	strace $0x90000047  }
0xca: {  	s0 =	stileid.u32;
	[bflag:$0x2] =	sbarrier.arrive $0xFFFF  }
0xcb: {  	p0 =	sne.s32 s0, $0x0;
	s0 =	rddreg [dreg:$0x2]  }
0xcc: {  	s0 =	sadd.s32 @!p0 $0x100000, s0  }
0xcd: {  	[sflag:s0] =	ssyncadd.tile.s32 @!p0 $0x1;
	_ =	shalt  }
.Lfunc_end2:
_tile_overlayer_lowered:
.L_overlay_start_2:
0xce: {  	(tag) =	ssettag $0x2  }
0xcf: {  	s0 =	rddreg [dreg:$0x0];
	s2 =	stileid.u32  }
0xd0: {  	s1 =	rddreg [dreg:$0x1];
	p0 =	sne.s32 s2, $0x0  }
0xd1: {  	s3 =	rddreg [dreg:$0x2];
	[bflag:$0x3] =	sbarrier.arrive $0xFFFF;
	s2 =	simm.s32 @!p0 $0x1C02  }
0xd2: {  	[timem:s3], [sflag:s2] =	dma.local @!p0 [hbm:s0], s1  }
0xd3: {  	s0 =	simm.s32 @!p0 $0x2  }
0xd4: {  	_ =	swait.ge @!p0 [sflag:s0], s1  }
0xd5: {  	s1 =	ssub.s32 @!p0 $0x0, s1;
	[sflag:s0] =	ssyncset.done @!p0 $0x0  }
0xd6: {  	[sflag:s0] =	ssyncadd.s32 @!p0 s1  }
0xd7: {  	[bflag:$0x3] =	sbarrier.arrive $0xFFFF  }
0xd8: {  	_ =	shalt  }

// kernel: kernel.9.cloned.1.call-start
scs
__scs_entry_jumppad:
0x0: {  	(pc) =	sbr.rel $0x88, $3  }
0x1: {  	(tag) =	ssettag $0x0;
	lr =	simm.s32 $0x1  }
0x2: {  	[smem:$0x3F9D] =	sst lr;
	_ =	strace $0xD0000000  }
0x3: {  	_ = 	snop  }
0x4: {  	_ = 	snop  }
0x5: {  	_ = 	snop  }
0x6: {  	_ = 	snop  }
0x7: {  	_ = 	snop  }
__scs_overlays_trampoline_lowered:
0x8: {  	[smem:$0x3FAC] =	sst s0  }
0x9: {  	[smem:$0x3FAD] =	sst s1  }
0xa: {  	[smem:$0x3FAE] =	sst s2  }
0xb: {  	[smem:$0x3FAF] =	sst s3  }
0xc: {  	[smem:$0x3FB0] =	sst s4  }
0xd: {  	[smem:$0x3FB1] =	sst s5  }
0xe: {  	[smem:$0x3FB2] =	sst s6  }
0xf: {  	[smem:$0x3FB3] =	sst s7  }
0x10: {  	[smem:$0x3FB4] =	sst s8  }
0x11: {  	[smem:$0x3FB5] =	sst s9;
	s0 =	simm.s32 @!p0 $0x0  }
0x12: {  	s1 =	sld [smem:$0x3F9B];
	s0 =	simm.s32 @p0 $0x1  }
0x13: {  	[smem:$0x3FB6] =	sst s0;
	s0 =	simm.s32 @!p1 $0x0  }
0x14: {  	s2 =	sld [smem:$0x3F9A];
	s0 =	simm.s32 @p1 $0x1  }
0x15: {  	[smem:$0x3FB7] =	sst s0;
	s0 =	simm.s32 @!p2 $0x0  }
0x16: {  	s3 =	sld [smem:$0x3FDB];
	s0 =	simm.s32 @p2 $0x1  }
0x17: {  	s4 =	simm.s32 $0x1BF5;
	[smem:$0x3FB9] =	sst s0  }
0x18: {  	s0 =	sld [smem:$0x3F9C];
	_ =	swait.ge [sflag:s4], $0x0  }
0x19: {  	s7 =	sld [smem:$0x3F9D]  }
0x1a: {  	s8 =	sadd.s32 $0xFFFFE003, lr  }
0x1b: {  	s9 =	sadd.s32 $0xFFFFFEF7, lr;
	s5 =	simm.s32 $0xFFFFFFFF;
	p2 =	slt.u32 s8, $0xFFFFF086  }
0x1c: {  	p1 =	slt.u32 s9, $0xF7A;
	s5 =	simm.s32 @!p2 $0x0  }
0x1d: {  	s5 =	simm.s32 @p1 $0x1;
	p0 =	seq.s32 s7, s2  }
0x1e: {  	s7 =	smul.u32 @!p0 $0xF7A, s2;
	p2 =	seq.s32 @!p0 s5, $0x0  }
0x1f: {  	s9 =	smul.u32 $0xF7A, s1;
	s8 =	simm.s32 @!p0 $0x1BF5;
	p2 =	por !p2, p0  }
0x20: {  	[sflag:s8] =	ssyncset.s32 @!p0 $0xFFFFF086;
	s6 =	sadd.s32 @!p0 s3, s7;
	s7 =	simm.s32 @!p0 $0x108  }
0x21: {  	s3 =	sadd.s32 s3, s9;
	s6 =	sadd.s32 @!p0 $0x88, s6;
	s7 =	simm.s32 @p2 $0x1082  }
0x22: {  	[simem:s7], [sflag:s8] =	dma.local @!p0 [hbm:s6], $0xF7A  }
0x23: {  	s9 =	sor.u32 $0xD0000000, s2;
	s6 =	simm.s32 $0x108;
	_ =	swait.ge @!p0 [sflag:s8], $0x0  }
0x24: {  	s3 =	sadd.s32 $0x88, s3;
	s6 =	simm.s32 @!p1 $0x1082;
	[sflag:s4] =	ssyncset.s32 $0xFFFFF086  }
0x25: {  	[simem:s6], [sflag:s4] =	dma.local [hbm:s3], $0xF7A  }
0x26: {  	[smem:$0x3F9D] =	sst s1;
	(tag) =	ssettag s2;
	_ =	strace s9  }
0x27: {  	s1 =	sld [smem:$0x3FAD]  }
0x28: {  	s2 =	sld [smem:$0x3FAE]  }
0x29: {  	s4 =	sld [smem:$0x3FB0]  }
0x2a: {  	p0 =	seq.s32 s5, $0x0;
	s5 =	sld [smem:$0x3FB1]  }
0x2b: {  	s6 =	sld [smem:$0x3FB2]  }
0x2c: {  	s7 =	sld [smem:$0x3FB3]  }
0x2d: {  	s3 =	simm.s32 $0x108;
	s8 =	sld [smem:$0x3FB4]  }
0x2e: {  	s3 =	simm.s32 @!p0 $0x1082;
	s9 =	sld [smem:$0x3FB5]  }
0x2f: {  	lr =	sadd.s32 s0, s3;
	s0 =	sld [smem:$0x3FAC]  }
0x30: {  	s3 =	sld [smem:$0x3FAF]  }
0x31: {  	[smem:$0x3FB8] =	sst s10  }
0x32: {  	s10 =	sld [smem:$0x3FB6];
	_ =	sdelay $0x3  }
0x33: {  	p0 =	seq.s32 s10, $0x1;
	s10 =	sld [smem:$0x3FB8];
	_ =	sdelay $0x3  }
0x34: {  	[smem:$0x3FB8] =	sst s10  }
0x35: {  	s10 =	sld [smem:$0x3FB7];
	_ =	sdelay $0x3  }
0x36: {  	p1 =	seq.s32 s10, $0x1;
	s10 =	sld [smem:$0x3FB8];
	_ =	sdelay $0x3  }
0x37: {  	[smem:$0x3FB8] =	sst s10  }
0x38: {  	s10 =	sld [smem:$0x3FB9]  }
0x39: {  	_ = 	snop;
	(pc) =	sbr.ind lr, $3  }
0x3a: {  	_ = 	snop  }
0x3b: {  	_ = 	snop  }
0x3c: {  	p2 =	seq.s32 s10, $0x1;
	s10 =	sld [smem:$0x3FB8]  }
0x3d: {  	_ =	shalt  }
0x3e: {  	_ =	shalt  }
0x3f: {  	_ =	shalt  }
0x40: {  	_ =	shalt  }
0x41: {  	_ =	shalt  }
0x42: {  	_ =	shalt  }
0x43: {  	_ =	shalt  }
0x44: {  	_ =	shalt  }
0x45: {  	_ =	shalt  }
0x46: {  	_ =	shalt  }
0x47: {  	_ =	shalt  }
0x48: {  	_ =	shalt  }
0x49: {  	_ =	shalt  }
0x4a: {  	_ =	shalt  }
0x4b: {  	_ =	shalt  }
0x4c: {  	_ =	shalt  }
0x4d: {  	_ =	shalt  }
0x4e: {  	_ =	shalt  }
0x4f: {  	_ =	shalt  }
0x50: {  	_ =	shalt  }
0x51: {  	_ =	shalt  }
0x52: {  	_ =	shalt  }
0x53: {  	_ =	shalt  }
0x54: {  	_ =	shalt  }
0x55: {  	_ =	shalt  }
0x56: {  	_ =	shalt  }
0x57: {  	_ =	shalt  }
0x58: {  	_ =	shalt  }
0x59: {  	_ =	shalt  }
0x5a: {  	_ =	shalt  }
0x5b: {  	_ =	shalt  }
0x5c: {  	_ =	shalt  }
0x5d: {  	_ =	shalt  }
0x5e: {  	_ =	shalt  }
0x5f: {  	_ =	shalt  }
0x60: {  	_ =	shalt  }
0x61: {  	_ =	shalt  }
0x62: {  	_ =	shalt  }
0x63: {  	_ =	shalt  }
0x64: {  	_ =	shalt  }
0x65: {  	_ =	shalt  }
0x66: {  	_ =	shalt  }
0x67: {  	_ =	shalt  }
0x68: {  	_ =	shalt  }
0x69: {  	_ =	shalt  }
0x6a: {  	_ =	shalt  }
0x6b: {  	_ =	shalt  }
0x6c: {  	_ =	shalt  }
0x6d: {  	_ =	shalt  }
0x6e: {  	_ =	shalt  }
0x6f: {  	_ =	shalt  }
0x70: {  	_ =	shalt  }
0x71: {  	_ =	shalt  }
0x72: {  	_ =	shalt  }
0x73: {  	_ =	shalt  }
0x74: {  	_ =	shalt  }
0x75: {  	_ =	shalt  }
0x76: {  	_ =	shalt  }
0x77: {  	_ =	shalt  }
0x78: {  	_ =	shalt  }
0x79: {  	_ =	shalt  }
0x7a: {  	_ =	shalt  }
0x7b: {  	_ =	shalt  }
0x7c: {  	_ =	shalt  }
0x7d: {  	_ =	shalt  }
0x7e: {  	_ =	shalt  }
0x7f: {  	_ =	shalt  }
0x80: {  	_ =	shalt  }
0x81: {  	_ =	shalt  }
0x82: {  	_ =	shalt  }
0x83: {  	_ =	shalt  }
0x84: {  	_ =	shalt  }
0x85: {  	_ =	shalt  }
0x86: {  	_ =	shalt  }
0x87: {  	_ =	shalt  }
.Lfunc_end0:
.L_simem_size_0:
called_computation.1_lowered:
.L_overlay_start_0:
0x88: {  	s2 =	sld [smem:$0x3FD9]  }
0x89: {  	s3 =	sld [smem:$0x3FFE];
	_ =	sdelay $0x1  }
0x8a: {  	s1 =	srdreg.scid  }
0x8b: {  	s0 =	sand.u32 $0x1, s1  }
0x8c: {  	s17 =	sshll.u32 s0, $0xA;
	s2 =	sadd.s32 s3, s2  }
0x8d: {  	s2 =	sadd.s32 s2, s17  }
0x8e: {  	[smem:$0x3FC4] =	sst s2  }
0x8f: {  	_ = 	snop  }
0x90: {  	s2 =	sld [smem:$0x3FD0];
	(tm) =	ssettm $0x1  }
0x91: {  	s18 =	sld [smem:$0x3FFB];
	_ =	sdelay $0x3  }
0x92: {  	_ =	strace s18  }
0x93: {  	s3 =	sld [smem:$0x3FFC];
	_ =	sdelay $0x3  }
0x94: {  	_ =	strace s3  }
0x95: {  	s3 =	sld [smem:$0x3FFD];
	_ =	sdelay $0x3  }
0x96: {  	_ =	strace s3  }
0x97: {  	_ =	strace $0x8FFFFFFF  }
0x98: {  	s19 =	sld [smem:$0x3FDB];
	_ =	sdelay $0x1  }
0x99: {  	s4 =	simm.s32 $_scs_section_size  }
0x9a: {  	s5 =	simm.s32 $_size__tile_overlayer_lowered;
	s6 =	simm.s32 $_tile_overlayer_lowered  }
0x9b: {  	s22 =	simm.s32 $0x1BFF;
	s21 =	sshll.u32 s6, $0x1;
	s3 =	sadd.s32 s4, s19  }
0x9c: {  	s7 =	simm.s32 $0x0;
	s20 =	sshll.u32 s5, $0x1;
	s5 =	sadd.s32 s21, s3  }
0x9d: {  	[timem:s7], [sflag:s22] =	dma.local [hbm:s5], s20  }
0x9e: {  	_ =	swait.ge [sflag:s22], s20  }
0x9f: {  	s4 =	ssub.s32 $0x0, s20;
	[sflag:s22] =	ssyncset.done $0x0  }
0xa0: {  	[sflag:s22] =	ssyncadd.s32 s4;
	_ =	sdelay $0x1  }
0xa1: {  	s23 =	simm.s32 $0x1B8B  }
0xa2: {  	_ =	swait.ge [sflag:s23], $0x1  }
0xa3: {  	[sflag:s23] =	ssyncset.done $0x0  }
0xa4: {  	s25 =	simm.s32 $0x1B8E;
	s24 =	sld [smem:$0x3FFE];
	[sflag:s23] =	ssyncadd.s32 $0xFFFFFFFF  }
0xa5: {  	s26 =	simm.s32 $execute0_lowered;
	[smem:$0x3FD2] =	sst s25  }
0xa6: {  	s5 =	sshll.u32 s26, $0x1;
	_ =	strace $0x80000049;
	[dreg:$0x1] =	wrdreg $0xFFFFFFFF  }
0xa7: {  	s28 =	simm.s32 $_size_execute0_lowered;
	s3 =	sadd.s32 s3, s5;
	[dreg:$0x0] =	wrdreg $0x0  }
0xa8: {  	s5 =	sshll.u32 s28, $0x1;
	[dreg:$0x2] =	wrdreg s3  }
0xa9: {  	[dreg:$0x3] =	wrdreg s5  }
0xaa: {  	[dreg:$0x4] =	wrdreg $0xC0  }
0xab: {  	_ =	task [dreg:s7], $0x5FFFF  }
0xac: {  	[dreg:$0x1] =	wrdreg $0xFFFFFFFF  }
0xad: {  	[dreg:$0x0] =	wrdreg $0x60  }
0xae: {  	[dreg:$0x2] =	wrdreg s24  }
0xaf: {  	[dreg:$0x3] =	wrdreg s2  }
0xb0: {  	[dreg:$0x4] =	wrdreg $0x9  }
0xb1: {  	_ =	task.clear_ibuf [dreg:s7], $0x5FFFF;
	_ =	strace $0x90000049  }
0xb2: {  	s29 =	simm.s32 $0x9;
	_ =	strace $0x8000004B  }
0xb3: {  	_ =	swait.ge [sflag:s29], $0x1  }
0xb4: {  	[sflag:s29] =	ssyncadd.s32 $0xFFFFFFFF  }
0xb5: {  	_ =	strace $0x9000004B  }
0xb6: {  	_ =	sfence  }
0xb7: {  	s30 =	sld [smem:$0x0];
	_ =	sdelay $0x2  }
0xb8: {  	s31 =	sshll.u32 s1, $0xD;
	s1 =	sshrl.u32 s1, $0x2  }
0xb9: {  	s3 =	sand.u32 $0x4000, s31;
	s1 =	sadd.s32 s1, s30  }
0xba: {  	s0 =	sor.u32 s3, s0;
	s1 =	sshll.u32 s1, $0x11  }
0xbb: {  	s0 =	sor.u32 s1, s0  }
0xbc: {  	s0 =	sadd.s32 $0x8F2B, s0  }
0xbd: {  	[sflag:s0] =	ssyncadd.remote.s32 $0x1  }
0xbe: {  	_ =	sfence.sel $0xFFFF  }
0xbf: {  	[dreg:$0x0] =	wrdreg $0xFFFFFFFF;
	(pc) =	sbr.abs _section_cstart, $3  }
0xc0: {  	[dreg:$0x1] =	wrdreg $0xFFFFFFFF  }
0xc1: {  	_ =	task.clear_ibuf [dreg:s7], $0x2FFFF;
	_ =	strace $0x9FFFFFFF  }
0xc2: {  	(tm) =	ssettm $0x7FFFFFFF  }
0xc3: {  	_ =	shalt  }
tec
execute0_lowered:
.L_overlay_start_1:
0x0: {  	(tag) =	ssettag $0x1  }
0x1: {  	s0 =	rddreg [dreg:$0x0]  }
0x2: {  	s1 =	rddreg [dreg:$0x1];
	s2 =	simm.s32 $0x0  }
0x3: {  	s3 =	srdreg.scid;
	s5 =	stileid.u32;
	s10 =	simm.s32 $0x2  }
0x4: {  	s11 =	simm.s32 $0x2300;
	s28 =	simm.s32 $0x14B00;
	s29 =	simm.s32 $0x15300  }
0x5: {  	s30 =	simm.s32 $0x15B00;
	s31 =	simm.s32 $0x16300;
	s12 =	simm.s32 $0x17B00  }
0x6: {  	v10 =	vlaneseq.u32;
	s13 =	simm.s32 $0x18300;
	s14 =	simm.s32 $0x18B00;
	s15 =	simm.s32 $0x19300  }
0x7: {  	s16 =	simm.s32 $0x19B00;
	s17 =	simm.s32 $0x300;
	s18 =	simm.s32 $0x1;
	v0 =	vmul.u32 $0x8, v10  }
0x8: {  	s19 =	simm.s32 $0x0;
	s4 =	sand.u32 $0x1, s3;
	s5 =	sshll.u32 s5, $0x1  }
0x9: {  	[smem:$0x7FF] =	sst s2;
	s3 =	sadd.s32 $0xBD800, s0;
	s5 =	sor.u32 s4, s5;
	v1 =	vor.u32 $0x1, v0  }
0xa: {  	_ =	strace $0x8000004A;
	s4 =	ssub.s32 $0x2, s4;
	s6 =	sshll.u32 s5, $0x6;
	[tilespmem:$0x1FFA0] =	vst v1;
	v1 =	vor.u32 $0x80, v0  }
0xb: {  	s7 =	sshll.u32 s5, $0xA;
	s8 =	sshrl.u32 s4, $0x1;
	s26 =	smul.u32 $0x1800, s5;
	[tilespmem:$0x1FFB0] =	vst v1;
	v1 =	vor.u32 $0x81, v0  }
0xc: {  	s5 =	sadd.s32 $0xBD900, s0;
	s6 =	sadd.s32 s6, s0;
	s7 =	sadd.s32 s7, s0;
	[tilespmem:$0x1FFC0] =	vst v1;
	v1 =	vor.u32 $0x100, v0  }
0xd: {  	vm0 =	vmmov $0xffff;
	s9 =	ssub.s32 s4, s8;
	s4 =	sadd.s32 $0x9000, s6;
	s6 =	sadd.s32 $0xBDA00, s0;
	[tilespmem:$0x1FFD0] =	vst v1;
	v1 =	vor.u32 $0x101, v0  }
0xe: {  	v9 =	vshrl.u32 v10, $0x3;
	v8 =	vand.u32 $0x7, v10;
	s7 =	sadd.s32 $0x1000, s7;
	s8 =	sadd.s32 s1, s26;
	s9 =	smax.u32 s9, $0x1;
	[tilespmem:$0x1FFE0] =	vst v1;
	v1 =	vor.u32 $0x180, v0  }
0xf: {  	v10 =	vor.u32 $0x8, v10;
	v9 =	vmul.u32 $0x8, v9;
	v7 =	vor.u32 $0x181, v0;
	s26 =	simm.s32 $0x14300;
	s0 =	simm.s32 $0x16B00;
	s1 =	simm.s32 $0x17300;
	[tilespmem:$0x1FFF0] =	vst v1  }
.LBB2_1:
0x10: {  	[tilespmem:s2], [sflag:$0x2] =	stream.linear.gather [hbm4b:s4+s2], $0x200, $0x38;
	[tilespmem:$0x1A300] =	vst v63  }
0x11: {  	_ =	swait.ge [sflag:s10], $0x200  }
0x12: {  	[sflag:s10] =	ssyncset.done $0x0;
	v1 =	vld [tilespmem:$0x1FFA0]  }
0x13: {  	[sflag:s10] =	ssyncadd.s32 $0xFFFFFE00  }
0x14: {  	v11 =	vld.idx.msk [tilespmem:v0+s2+$0x0], $0xffff;
	_ =	sdelay $0x4  }
0x15: {  	[tilespmem:$0x200] =	vst v11  }
0x16: {  	v11 =	vld.idx.msk [tilespmem:v1+s2+$0x0], $0xffff  }
0x17: {  	v1 =	vld [tilespmem:$0x1FFB0];
	_ =	sdelay $0x6  }
0x18: {  	[tilespmem:$0x280] =	vst v11  }
0x19: {  	v11 =	vld.idx.msk [tilespmem:v1+s2+$0x0], $0xffff  }
0x1a: {  	v1 =	vld [tilespmem:$0x1FFC0];
	_ =	sdelay $0x6  }
0x1b: {  	[tilespmem:$0x210] =	vst v11  }
0x1c: {  	v11 =	vld.idx.msk [tilespmem:v1+s2+$0x0], $0xffff  }
0x1d: {  	v1 =	vld [tilespmem:$0x1FFD0];
	_ =	sdelay $0x6  }
0x1e: {  	[tilespmem:$0x290] =	vst v11  }
0x1f: {  	v11 =	vld.idx.msk [tilespmem:v1+s2+$0x0], $0xffff  }
0x20: {  	v1 =	vld [tilespmem:$0x1FFE0];
	_ =	sdelay $0x6  }
0x21: {  	[tilespmem:$0x220] =	vst v11  }
0x22: {  	v11 =	vld.idx.msk [tilespmem:v1+s2+$0x0], $0xffff  }
0x23: {  	v1 =	vld [tilespmem:$0x1FFF0];
	_ =	sdelay $0x3  }
0x24: {  	v12 =	vld [tilespmem:$0x200];
	_ =	sdelay $0x2  }
0x25: {  	[tilespmem:$0x2A0] =	vst v11  }
0x26: {  	v11 =	vld.idx.msk [tilespmem:v1+s2+$0x0], $0xffff  }
0x27: {  	v13 =	vshrl.u32 v12, $0x3  }
0x28: {  	v13 =	vmul.u32 $0x30, v13  }
0x29: {  	v12 =	vand.u32 $0x7, v12  }
0x2a: {  	v12 =	vor.u32 v12, v13  }
0x2b: {  	[tilespmem:$0x230] =	vst v11;
	v11 =	vperm.xlane v12, v8  }
0x2c: {  	v13 =	vld.idx.msk [tilespmem:v7+s2+$0x0], $0xffff  }
0x2d: {  	v11 =	vadd.s32 v9, v11;
	_ =	sdelay $0x3  }
0x2e: {  	v12 =	vperm.xlane v12, v10;
	[tilespmem:$0x2B0] =	vst v13  }
0x2f: {  	[tilespmem:s11], [sflag:$0x1] =	stream.indirect_vreg.gather [hbm4b:s3+s2], $0x80, v11, vm0, $0xb8;
	[tilespmem:$0x1A300] =	vst v63  }
0x30: {  	s20 =	simm.s32 $0x2B00;
	v12 =	vadd.s32 v9, v12  }
0x31: {  	[tilespmem:s20], [sflag:$0x1] =	stream.indirect_vreg.gather [hbm4b:s5+s2], $0x80, v11, vm0, $0xb8;
	[tilespmem:$0x1A300] =	vst v63  }
0x32: {  	s25 =	simm.s32 $0x3300  }
0x33: {  	[tilespmem:s25], [sflag:$0x1] =	stream.indirect_vreg.gather [hbm4b:s6+s2], $0x80, v11, vm0, $0xb8;
	[tilespmem:$0x1A300] =	vst v63  }
0x34: {  	s21 =	simm.s32 $0x3B00  }
0x35: {  	[tilespmem:s21], [sflag:$0x1] =	stream.indirect_vreg.gather [hbm4b:s3+s2], $0x80, v12, vm0, $0xb8;
	[tilespmem:$0x1A300] =	vst v63  }
0x36: {  	s22 =	simm.s32 $0x4300  }
0x37: {  	[tilespmem:s22], [sflag:$0x1] =	stream.indirect_vreg.gather [hbm4b:s5+s2], $0x80, v12, vm0, $0xb8;
	[tilespmem:$0x1A300] =	vst v63  }
0x38: {  	s23 =	simm.s32 $0x4B00  }
0x39: {  	[tilespmem:s23], [sflag:$0x1] =	stream.indirect_vreg.gather [hbm4b:s6+s2], $0x80, v12, vm0, $0xb8;
	[tilespmem:$0x1A300] =	vst v63  }
0x3a: {  	v11 =	vld [tilespmem:$0x210];
	_ =	sdelay $0x4  }
0x3b: {  	v12 =	vshrl.u32 v11, $0x3  }
0x3c: {  	v12 =	vmul.u32 $0x30, v12  }
0x3d: {  	v11 =	vand.u32 $0x7, v11  }
0x3e: {  	v11 =	vor.u32 v11, v12  }
0x3f: {  	v12 =	vperm.xlane v11, v8;
	_ =	sdelay $0x1  }
0x40: {  	v12 =	vadd.s32 v9, v12;
	_ =	sdelay $0x3  }
0x41: {  	s24 =	simm.s32 $0x5300;
	v11 =	vperm.xlane v11, v10  }
0x42: {  	[tilespmem:s24], [sflag:$0x1] =	stream.indirect_vreg.gather [hbm4b:s3+s2], $0x80, v12, vm0, $0xb8;
	[tilespmem:$0x1A300] =	vst v63  }
0x43: {  	s25 =	simm.s32 $0x5B00;
	v11 =	vadd.s32 v9, v11  }
0x44: {  	[tilespmem:s25], [sflag:$0x1] =	stream.indirect_vreg.gather [hbm4b:s5+s2], $0x80, v12, vm0, $0xb8;
	[tilespmem:$0x1A300] =	vst v63  }
0x45: {  	s21 =	simm.s32 $0x6300  }
0x46: {  	[tilespmem:s21], [sflag:$0x1] =	stream.indirect_vreg.gather [hbm4b:s6+s2], $0x80, v12, vm0, $0xb8;
	[tilespmem:$0x1A300] =	vst v63  }
0x47: {  	s22 =	simm.s32 $0x6B00  }
0x48: {  	[tilespmem:s22], [sflag:$0x1] =	stream.indirect_vreg.gather [hbm4b:s3+s2], $0x80, v11, vm0, $0xb8;
	[tilespmem:$0x1A300] =	vst v63  }
0x49: {  	s23 =	simm.s32 $0x7300  }
0x4a: {  	[tilespmem:s23], [sflag:$0x1] =	stream.indirect_vreg.gather [hbm4b:s5+s2], $0x80, v11, vm0, $0xb8;
	[tilespmem:$0x1A300] =	vst v63  }
0x4b: {  	s24 =	simm.s32 $0x7B00  }
0x4c: {  	[tilespmem:s24], [sflag:$0x1] =	stream.indirect_vreg.gather [hbm4b:s6+s2], $0x80, v11, vm0, $0xb8;
	[tilespmem:$0x1A300] =	vst v63  }
0x4d: {  	v11 =	vld [tilespmem:$0x220];
	_ =	sdelay $0x4  }
0x4e: {  	v12 =	vshrl.u32 v11, $0x3  }
0x4f: {  	v12 =	vmul.u32 $0x30, v12  }
0x50: {  	v11 =	vand.u32 $0x7, v11  }
0x51: {  	v11 =	vor.u32 v11, v12  }
0x52: {  	v12 =	vperm.xlane v11, v8;
	_ =	sdelay $0x1  }
0x53: {  	v12 =	vadd.s32 v9, v12;
	_ =	sdelay $0x3  }
0x54: {  	s25 =	simm.s32 $0x8300;
	v11 =	vperm.xlane v11, v10  }
0x55: {  	[tilespmem:s25], [sflag:$0x1] =	stream.indirect_vreg.gather [hbm4b:s3+s2], $0x80, v12, vm0, $0xb8;
	[tilespmem:$0x1A300] =	vst v63  }
0x56: {  	s21 =	simm.s32 $0x8B00;
	v11 =	vadd.s32 v9, v11  }
0x57: {  	[tilespmem:s21], [sflag:$0x1] =	stream.indirect_vreg.gather [hbm4b:s5+s2], $0x80, v12, vm0, $0xb8;
	[tilespmem:$0x1A300] =	vst v63  }
0x58: {  	s22 =	simm.s32 $0x9300  }
0x59: {  	[tilespmem:s22], [sflag:$0x1] =	stream.indirect_vreg.gather [hbm4b:s6+s2], $0x80, v12, vm0, $0xb8;
	[tilespmem:$0x1A300] =	vst v63  }
0x5a: {  	s23 =	simm.s32 $0x9B00  }
0x5b: {  	[tilespmem:s23], [sflag:$0x1] =	stream.indirect_vreg.gather [hbm4b:s3+s2], $0x80, v11, vm0, $0xb8;
	[tilespmem:$0x1A300] =	vst v63  }
0x5c: {  	s24 =	simm.s32 $0xA300  }
0x5d: {  	[tilespmem:s24], [sflag:$0x1] =	stream.indirect_vreg.gather [hbm4b:s5+s2], $0x80, v11, vm0, $0xb8;
	[tilespmem:$0x1A300] =	vst v63  }
0x5e: {  	s25 =	simm.s32 $0xAB00  }
0x5f: {  	[tilespmem:s25], [sflag:$0x1] =	stream.indirect_vreg.gather [hbm4b:s6+s2], $0x80, v11, vm0, $0xb8;
	[tilespmem:$0x1A300] =	vst v63  }
0x60: {  	v11 =	vld [tilespmem:$0x230];
	_ =	sdelay $0x4  }
0x61: {  	v12 =	vshrl.u32 v11, $0x3  }
0x62: {  	v12 =	vmul.u32 $0x30, v12  }
0x63: {  	v11 =	vand.u32 $0x7, v11  }
0x64: {  	v11 =	vor.u32 v11, v12  }
0x65: {  	v12 =	vperm.xlane v11, v8;
	_ =	sdelay $0x1  }
0x66: {  	v12 =	vadd.s32 v9, v12;
	_ =	sdelay $0x3  }
0x67: {  	s21 =	simm.s32 $0xB300;
	v11 =	vperm.xlane v11, v10  }
0x68: {  	[tilespmem:s21], [sflag:$0x1] =	stream.indirect_vreg.gather [hbm4b:s3+s2], $0x80, v12, vm0, $0xb8;
	[tilespmem:$0x1A300] =	vst v63  }
0x69: {  	s22 =	simm.s32 $0xBB00;
	v11 =	vadd.s32 v9, v11  }
0x6a: {  	[tilespmem:s22], [sflag:$0x1] =	stream.indirect_vreg.gather [hbm4b:s5+s2], $0x80, v12, vm0, $0xb8;
	[tilespmem:$0x1A300] =	vst v63  }
0x6b: {  	s23 =	simm.s32 $0xC300  }
0x6c: {  	[tilespmem:s23], [sflag:$0x1] =	stream.indirect_vreg.gather [hbm4b:s6+s2], $0x80, v12, vm0, $0xb8;
	[tilespmem:$0x1A300] =	vst v63  }
0x6d: {  	s24 =	simm.s32 $0xCB00  }
0x6e: {  	[tilespmem:s24], [sflag:$0x1] =	stream.indirect_vreg.gather [hbm4b:s3+s2], $0x80, v11, vm0, $0xb8;
	[tilespmem:$0x1A300] =	vst v63  }
0x6f: {  	s25 =	simm.s32 $0xD300  }
0x70: {  	[tilespmem:s25], [sflag:$0x1] =	stream.indirect_vreg.gather [hbm4b:s5+s2], $0x80, v11, vm0, $0xb8;
	[tilespmem:$0x1A300] =	vst v63  }
0x71: {  	s21 =	simm.s32 $0xDB00  }
0x72: {  	[tilespmem:s21], [sflag:$0x1] =	stream.indirect_vreg.gather [hbm4b:s6+s2], $0x80, v11, vm0, $0xb8;
	[tilespmem:$0x1A300] =	vst v63  }
0x73: {  	v11 =	vld [tilespmem:$0x280];
	_ =	sdelay $0x4  }
0x74: {  	v12 =	vshrl.u32 v11, $0x3  }
0x75: {  	v12 =	vmul.u32 $0x30, v12  }
0x76: {  	v11 =	vand.u32 $0x7, v11  }
0x77: {  	v11 =	vor.u32 v11, v12  }
0x78: {  	v12 =	vperm.xlane v11, v8;
	_ =	sdelay $0x1  }
0x79: {  	v12 =	vadd.s32 v9, v12;
	_ =	sdelay $0x3  }
0x7a: {  	s22 =	simm.s32 $0xE300;
	v11 =	vperm.xlane v11, v10  }
0x7b: {  	[tilespmem:s22], [sflag:$0x1] =	stream.indirect_vreg.gather [hbm4b:s3+s2], $0x80, v12, vm0, $0xb8;
	[tilespmem:$0x1A300] =	vst v63  }
0x7c: {  	s23 =	simm.s32 $0xEB00;
	v11 =	vadd.s32 v9, v11  }
0x7d: {  	[tilespmem:s23], [sflag:$0x1] =	stream.indirect_vreg.gather [hbm4b:s5+s2], $0x80, v12, vm0, $0xb8;
	[tilespmem:$0x1A300] =	vst v63  }
0x7e: {  	s24 =	simm.s32 $0xF300  }
0x7f: {  	[tilespmem:s24], [sflag:$0x1] =	stream.indirect_vreg.gather [hbm4b:s6+s2], $0x80, v12, vm0, $0xb8;
	[tilespmem:$0x1A300] =	vst v63  }
0x80: {  	s25 =	simm.s32 $0xFB00  }
0x81: {  	[tilespmem:s25], [sflag:$0x1] =	stream.indirect_vreg.gather [hbm4b:s3+s2], $0x80, v11, vm0, $0xb8;
	[tilespmem:$0x1A300] =	vst v63  }
0x82: {  	s21 =	simm.s32 $0x10300  }
0x83: {  	[tilespmem:s21], [sflag:$0x1] =	stream.indirect_vreg.gather [hbm4b:s5+s2], $0x80, v11, vm0, $0xb8;
	[tilespmem:$0x1A300] =	vst v63  }
0x84: {  	s22 =	simm.s32 $0x10B00  }
0x85: {  	[tilespmem:s22], [sflag:$0x1] =	stream.indirect_vreg.gather [hbm4b:s6+s2], $0x80, v11, vm0, $0xb8;
	[tilespmem:$0x1A300] =	vst v63  }
0x86: {  	v11 =	vld [tilespmem:$0x290];
	_ =	sdelay $0x4  }
0x87: {  	v12 =	vshrl.u32 v11, $0x3  }
0x88: {  	v12 =	vmul.u32 $0x30, v12  }
0x89: {  	v11 =	vand.u32 $0x7, v11  }
0x8a: {  	v11 =	vor.u32 v11, v12  }
0x8b: {  	v12 =	vperm.xlane v11, v8;
	_ =	sdelay $0x1  }
0x8c: {  	v12 =	vadd.s32 v9, v12;
	_ =	sdelay $0x3  }
0x8d: {  	s23 =	simm.s32 $0x11300;
	v11 =	vperm.xlane v11, v10  }
0x8e: {  	[tilespmem:s23], [sflag:$0x1] =	stream.indirect_vreg.gather [hbm4b:s3+s2], $0x80, v12, vm0, $0xb8;
	[tilespmem:$0x1A300] =	vst v63  }
0x8f: {  	s24 =	simm.s32 $0x11B00;
	v11 =	vadd.s32 v9, v11  }
0x90: {  	[tilespmem:s24], [sflag:$0x1] =	stream.indirect_vreg.gather [hbm4b:s5+s2], $0x80, v12, vm0, $0xb8;
	[tilespmem:$0x1A300] =	vst v63  }
0x91: {  	s25 =	simm.s32 $0x12300  }
0x92: {  	[tilespmem:s25], [sflag:$0x1] =	stream.indirect_vreg.gather [hbm4b:s6+s2], $0x80, v12, vm0, $0xb8;
	[tilespmem:$0x1A300] =	vst v63  }
0x93: {  	s21 =	simm.s32 $0x12B00  }
0x94: {  	[tilespmem:s21], [sflag:$0x1] =	stream.indirect_vreg.gather [hbm4b:s3+s2], $0x80, v11, vm0, $0xb8;
	[tilespmem:$0x1A300] =	vst v63  }
0x95: {  	s22 =	simm.s32 $0x13300  }
0x96: {  	[tilespmem:s22], [sflag:$0x1] =	stream.indirect_vreg.gather [hbm4b:s5+s2], $0x80, v11, vm0, $0xb8;
	[tilespmem:$0x1A300] =	vst v63  }
0x97: {  	s23 =	simm.s32 $0x13B00  }
0x98: {  	[tilespmem:s23], [sflag:$0x1] =	stream.indirect_vreg.gather [hbm4b:s6+s2], $0x80, v11, vm0, $0xb8;
	[tilespmem:$0x1A300] =	vst v63  }
0x99: {  	v11 =	vld [tilespmem:$0x2A0];
	_ =	sdelay $0x4  }
0x9a: {  	v12 =	vshrl.u32 v11, $0x3  }
0x9b: {  	v12 =	vmul.u32 $0x30, v12  }
0x9c: {  	v11 =	vand.u32 $0x7, v11  }
0x9d: {  	v11 =	vor.u32 v11, v12  }
0x9e: {  	v12 =	vperm.xlane v11, v8;
	_ =	sdelay $0x1  }
0x9f: {  	v12 =	vadd.s32 v9, v12;
	_ =	sdelay $0x3  }
0xa0: {  	v11 =	vperm.xlane v11, v10  }
0xa1: {  	[tilespmem:s26], [sflag:$0x1] =	stream.indirect_vreg.gather [hbm4b:s3+s2], $0x80, v12, vm0, $0xb8;
	[tilespmem:$0x1A300] =	vst v63  }
0xa2: {  	v11 =	vadd.s32 v9, v11  }
0xa3: {  	[tilespmem:s28], [sflag:$0x1] =	stream.indirect_vreg.gather [hbm4b:s5+s2], $0x80, v12, vm0, $0xb8;
	[tilespmem:$0x1A300] =	vst v63  }
0xa4: {  	_ = 	snop  }
0xa5: {  	[tilespmem:s29], [sflag:$0x1] =	stream.indirect_vreg.gather [hbm4b:s6+s2], $0x80, v12, vm0, $0xb8;
	[tilespmem:$0x1A300] =	vst v63  }
0xa6: {  	_ = 	snop  }
0xa7: {  	[tilespmem:s30], [sflag:$0x1] =	stream.indirect_vreg.gather [hbm4b:s3+s2], $0x80, v11, vm0, $0xb8;
	[tilespmem:$0x1A300] =	vst v63  }
0xa8: {  	_ = 	snop  }
0xa9: {  	[tilespmem:s31], [sflag:$0x1] =	stream.indirect_vreg.gather [hbm4b:s5+s2], $0x80, v11, vm0, $0xb8;
	[tilespmem:$0x1A300] =	vst v63  }
0xaa: {  	_ = 	snop  }
0xab: {  	[tilespmem:s0], [sflag:$0x1] =	stream.indirect_vreg.gather [hbm4b:s6+s2], $0x80, v11, vm0, $0xb8;
	[tilespmem:$0x1A300] =	vst v63  }
0xac: {  	v11 =	vld [tilespmem:$0x2B0];
	_ =	sdelay $0x4  }
0xad: {  	v12 =	vshrl.u32 v11, $0x3  }
0xae: {  	v12 =	vmul.u32 $0x30, v12  }
0xaf: {  	v11 =	vand.u32 $0x7, v11  }
0xb0: {  	v11 =	vor.u32 v11, v12  }
0xb1: {  	v12 =	vperm.xlane v11, v8;
	_ =	sdelay $0x1  }
0xb2: {  	v12 =	vadd.s32 v9, v12;
	_ =	sdelay $0x3  }
0xb3: {  	v11 =	vperm.xlane v11, v10  }
0xb4: {  	[tilespmem:s1], [sflag:$0x1] =	stream.indirect_vreg.gather [hbm4b:s3+s2], $0x80, v12, vm0, $0xb8;
	[tilespmem:$0x1A300] =	vst v63  }
0xb5: {  	v11 =	vadd.s32 v9, v11  }
0xb6: {  	[tilespmem:s12], [sflag:$0x1] =	stream.indirect_vreg.gather [hbm4b:s5+s2], $0x80, v12, vm0, $0xb8;
	[tilespmem:$0x1A300] =	vst v63  }
0xb7: {  	_ = 	snop  }
0xb8: {  	[tilespmem:s13], [sflag:$0x1] =	stream.indirect_vreg.gather [hbm4b:s6+s2], $0x80, v12, vm0, $0xb8;
	[tilespmem:$0x1A300] =	vst v63  }
0xb9: {  	_ = 	snop  }
0xba: {  	[tilespmem:s14], [sflag:$0x1] =	stream.indirect_vreg.gather [hbm4b:s3+s2], $0x80, v11, vm0, $0xb8;
	[tilespmem:$0x1A300] =	vst v63  }
0xbb: {  	_ = 	snop  }
0xbc: {  	[tilespmem:s15], [sflag:$0x1] =	stream.indirect_vreg.gather [hbm4b:s5+s2], $0x80, v11, vm0, $0xb8;
	[tilespmem:$0x1A300] =	vst v63  }
0xbd: {  	_ = 	snop  }
0xbe: {  	[tilespmem:s16], [sflag:$0x1] =	stream.indirect_vreg.gather [hbm4b:s6+s2], $0x80, v11, vm0, $0xb8;
	[tilespmem:$0x1A300] =	vst v63  }
0xbf: {  	_ = 	snop  }
0xc0: {  	[tilespmem:s17], [sflag:$0x2] =	stream.linear.gather [hbm4b:s7+s2], $0x2000, $0x38;
	[tilespmem:$0x1A300] =	vst v63  }
0xc1: {  	_ =	swait.ge [sflag:s10], $0x2000  }
0xc2: {  	[sflag:s10] =	ssyncset.done $0x0  }
0xc3: {  	[sflag:s10] =	ssyncadd.s32 $0xFFFFE000  }
0xc4: {  	_ =	swait.ge [sflag:s18], $0xC000  }
0xc5: {  	[sflag:s18] =	ssyncset.done $0x0  }
0xc6: {  	s24 =	simm.s32 $0x0;
	[sflag:s18] =	ssyncadd.s32 $0xFFFF4000  }
0xc7: {  	s20 =	smul.u32 $0x1800, s24;
	_ =	swait.ge [sflag:s18], $0xC000  }
0xc8: {  	s21 =	sand.u32 $0x380, s2;
	[sflag:s18] =	ssyncset.done $0x0  }
0xc9: {  	s23 =	sor.u32 s21, s20;
	[sflag:s18] =	ssyncadd.s32 $0xFFFF4000  }
0xca: {  	v12 =	vld [tilespmem:s23+$0x2310]  }
0xcb: {  	v11 =	vld [tilespmem:s23+$0xE310]  }
0xcc: {  	v14 =	vld [tilespmem:s23+$0x2320]  }
0xcd: {  	v13 =	vld [tilespmem:s23+$0xE320]  }
0xce: {  	v18 =	vld [tilespmem:s23+$0x2330]  }
0xcf: {  	v15 =	vld [tilespmem:s23+$0xE330]  }
0xd0: {  	v20 =	vld [tilespmem:s23+$0x2340]  }
0xd1: {  	v19 =	vld [tilespmem:s23+$0xE340]  }
0xd2: {  	v21 =	vld [tilespmem:s23+$0x2360]  }
0xd3: {  	v22 =	vld [tilespmem:s23+$0x2370]  }
0xd4: {  	v23 =	vld [tilespmem:s23+$0x2700]  }
0xd5: {  	v24 =	vld [tilespmem:s23+$0x2710]  }
0xd6: {  	v25 =	vld [tilespmem:s23+$0x2720]  }
0xd7: {  	v26 =	vld [tilespmem:s23+$0x2730]  }
0xd8: {  	v27 =	vld [tilespmem:s23+$0x2740]  }
0xd9: {  	v28 =	vld [tilespmem:s23+$0x2750]  }
0xda: {  	v29 =	vld [tilespmem:s23+$0x2760]  }
0xdb: {  	v30 =	vld [tilespmem:s23+$0x2770]  }
0xdc: {  	v31 =	vld [tilespmem:s23+$0x2B00]  }
0xdd: {  	v32 =	vld [tilespmem:s23+$0x2B10]  }
0xde: {  	v33 =	vld [tilespmem:s23+$0x2B20]  }
0xdf: {  	v34 =	vld [tilespmem:s23+$0x2B30]  }
0xe0: {  	v35 =	vld [tilespmem:s23+$0x2B40]  }
0xe1: {  	v36 =	vld [tilespmem:s23+$0x2B50]  }
0xe2: {  	v37 =	vld [tilespmem:s23+$0x2B60]  }
0xe3: {  	v38 =	vld [tilespmem:s23+$0x2B70]  }
0xe4: {  	v39 =	vld [tilespmem:s23+$0x2F00]  }
0xe5: {  	v40 =	vld [tilespmem:s23+$0x2F10]  }
0xe6: {  	v41 =	vld [tilespmem:s23+$0x2F20]  }
0xe7: {  	v42 =	vld [tilespmem:s23+$0x2F30]  }
0xe8: {  	v43 =	vld [tilespmem:s23+$0x2F40]  }
0xe9: {  	v44 =	vld [tilespmem:s23+$0x2F50]  }
0xea: {  	v45 =	vld [tilespmem:s23+$0x2F60]  }
0xeb: {  	v46 =	vld [tilespmem:s23+$0x2F70]  }
0xec: {  	v49 =	vld [tilespmem:s23+$0x3320]  }
0xed: {  	v51 =	vld [tilespmem:s23+$0x3340]  }
0xee: {  	v52 =	vld [tilespmem:s23+$0x3350]  }
0xef: {  	v53 =	vld [tilespmem:s23+$0x3360]  }
0xf0: {  	v54 =	vld [tilespmem:s23+$0x3700]  }
0xf1: {  	v55 =	vld [tilespmem:s23+$0x3710]  }
0xf2: {  	v57 =	vld [tilespmem:s23+$0xF730]  }
0xf3: {  	v58 =	vld [tilespmem:s23+$0x3730]  }
0xf4: {  	s21 =	simm.s32 $0x310;
	v59 =	vld [tilespmem:s23+$0x3720]  }
0xf5: {  	v16 =	vld [tilespmem:s21+$0xFFFFFFF0]  }
0xf6: {  	v17 =	vld [tilespmem:s21+$0x0]  }
0xf7: {  	v60 =	vld [tilespmem:s23+$0xF720]  }
0xf8: {  	v56 =	vld [tilespmem:s23+$0xF710]  }
0xf9: {  	v61 =	vld [tilespmem:s23+$0xF700]  }
0xfa: {  	v1 =	vld [tilespmem:s23+$0xF360];
	v58 =	vmul.f32 v58, v16  }
0xfb: {  	v2 =	vld [tilespmem:s23+$0xF350];
	v57 =	vmul.f32 v57, v17;
	v59 =	vmul.f32 v59, v16  }
0xfc: {  	v50 =	vld [tilespmem:s23+$0x3330];
	v60 =	vmul.f32 v60, v17;
	v55 =	vmul.f32 v55, v16  }
0xfd: {  	v48 =	vld [tilespmem:s23+$0x3310];
	v56 =	vmul.f32 v56, v17;
	v54 =	vmul.f32 v54, v16  }
0xfe: {  	v47 =	vld [tilespmem:s23+$0x3300];
	v61 =	vmul.f32 v61, v17;
	v53 =	vmul.f32 v53, v16  }
0xff: {  	v62 =	vld [tilespmem:s23+$0x3370];
	v1 =	vmul.f32 v1, v17;
	v52 =	vmul.f32 v52, v16  }
0x100: {  	v63 =	vld [tilespmem:s23+$0xF370];
	v2 =	vmul.f32 v2, v17;
	v51 =	vmul.f32 v51, v16  }
0x101: {  	v50 =	vmul.f32 v50, v16;
	v49 =	vmul.f32 v49, v16;
	v57 =	vadd.f32 v57, v58;
	v58 =	vld [tilespmem:s23+$0xF340]  }
0x102: {  	v48 =	vmul.f32 v48, v16;
	v20 =	vmul.f32 v20, v16;
	v59 =	vadd.f32 v60, v59;
	v60 =	vld [tilespmem:s23+$0xF330]  }
0x103: {  	v19 =	vmul.f32 v19, v17;
	v14 =	vmul.f32 v14, v16;
	v1 =	vadd.f32 v1, v53;
	v53 =	vld [tilespmem:s23+$0xEF70]  }
0x104: {  	v13 =	vmul.f32 v13, v17;
	v55 =	vadd.f32 v56, v55;
	v2 =	vadd.f32 v2, v52;
	v52 =	vld [tilespmem:s23+$0xEF60];
	[tilespmem:s23+$0x3730] =	vst v57  }
0x105: {  	v47 =	vmul.f32 v47, v16;
	v54 =	vadd.f32 v61, v54;
	v19 =	vadd.f32 v19, v20;
	v20 =	vld [tilespmem:s23+$0x3760];
	[tilespmem:s23+$0x3720] =	vst v59  }
0x106: {  	v46 =	vmul.f32 v46, v16;
	v45 =	vmul.f32 v45, v16;
	v13 =	vadd.f32 v13, v14;
	v14 =	vld [tilespmem:s23+$0x2300];
	[tilespmem:s23+$0x3710] =	vst v55  }
0x107: {  	v18 =	vmul.f32 v18, v16;
	v15 =	vmul.f32 v15, v17;
	v57 =	vld [tilespmem:s23+$0xF320];
	[tilespmem:s23+$0x3700] =	vst v54  }
0x108: {  	v44 =	vmul.f32 v44, v16;
	v43 =	vmul.f32 v43, v16;
	v59 =	vld [tilespmem:s23+$0xF310];
	[tilespmem:s23+$0x3360] =	vst v1  }
0x109: {  	v56 =	vmul.f32 v62, v16;
	v62 =	vmul.f32 v63, v17;
	v15 =	vadd.f32 v15, v18;
	v55 =	vld [tilespmem:s23+$0xF300];
	[tilespmem:s23+$0x3350] =	vst v2  }
0x10a: {  	v12 =	vmul.f32 v12, v16;
	v11 =	vmul.f32 v11, v17;
	v1 =	vld [tilespmem:s23+$0xEF50];
	[tilespmem:s23+$0x2340] =	vst v19  }
0x10b: {  	v42 =	vmul.f32 v42, v16;
	v56 =	vadd.f32 v62, v56;
	v2 =	vld [tilespmem:s23+$0xEF40];
	[tilespmem:s23+$0x2330] =	vst v15;
	v63 =	vmul.f32 v58, v17  }
0x10c: {  	v41 =	vmul.f32 v41, v16;
	v11 =	vadd.f32 v11, v12;
	v54 =	vld [tilespmem:s23+$0xEF00];
	[tilespmem:s23+$0x2320] =	vst v13;
	v61 =	vmul.f32 v60, v17  }
0x10d: {  	v40 =	vmul.f32 v40, v16;
	[tilespmem:s23+$0x3370] =	vst v56;
	v56 =	vld [tilespmem:s23+$0xEB70];
	v53 =	vmul.f32 v53, v17;
	v51 =	vadd.f32 v63, v51  }
0x10e: {  	[tilespmem:s23+$0x2310] =	vst v11;
	v60 =	vld [tilespmem:s23+$0xEF30];
	v52 =	vmul.f32 v52, v17;
	v50 =	vadd.f32 v61, v50;
	v63 =	vmul.f32 v59, v17  }
0x10f: {  	v37 =	vmul.f32 v37, v16;
	v58 =	vld [tilespmem:s23+$0xEB50];
	v62 =	vmul.f32 v57, v17;
	v46 =	vadd.f32 v53, v46;
	[tilespmem:s23+$0x3340] =	vst v51  }
0x110: {  	v36 =	vmul.f32 v36, v16;
	v45 =	vadd.f32 v52, v45;
	v48 =	vadd.f32 v63, v48;
	[tilespmem:s23+$0x3330] =	vst v50;
	v63 =	vld [tilespmem:s23+$0xEF10]  }
0x111: {  	v61 =	vmul.f32 v55, v17;
	v2 =	vmul.f32 v2, v17;
	v49 =	vadd.f32 v62, v49;
	v62 =	vld [tilespmem:s23+$0xEF20];
	[tilespmem:s23+$0x2F70] =	vst v46  }
0x112: {  	v32 =	vmul.f32 v32, v16;
	v1 =	vmul.f32 v1, v17;
	v57 =	vld [tilespmem:s23+$0xEB60];
	[tilespmem:s23+$0x2F60] =	vst v45  }
0x113: {  	v31 =	vmul.f32 v31, v16;
	v52 =	vld [tilespmem:s23+$0xEB00];
	v47 =	vadd.f32 v61, v47;
	v2 =	vadd.f32 v2, v43;
	[tilespmem:s23+$0x3320] =	vst v49  }
0x114: {  	v53 =	vld [tilespmem:s23+$0xE770];
	v1 =	vadd.f32 v1, v44;
	v51 =	vmul.f32 v60, v17;
	v44 =	vmul.f32 v58, v17;
	[tilespmem:s23+$0x3310] =	vst v48  }
0x115: {  	[tilespmem:s23+$0x2F40] =	vst v2;
	v2 =	vmul.f32 v38, v16;
	v61 =	vmul.f32 v63, v17;
	v63 =	vld [tilespmem:s23+$0xEB20]  }
0x116: {  	[tilespmem:s23+$0x3300] =	vst v47;
	v48 =	vmul.f32 v56, v17;
	v42 =	vadd.f32 v51, v42;
	v59 =	vmul.f32 v62, v17;
	v62 =	vld [tilespmem:s23+$0xEB30]  }
0x117: {  	v50 =	vld [tilespmem:s23+$0xEB10];
	[tilespmem:s23+$0x2F50] =	vst v1;
	v1 =	vmul.f32 v39, v16;
	v49 =	vmul.f32 v54, v17;
	v36 =	vadd.f32 v44, v36  }
0x118: {  	v30 =	vmul.f32 v30, v16;
	v60 =	vld [tilespmem:s23+$0xEB40];
	v51 =	vmul.f32 v57, v17;
	v2 =	vadd.f32 v48, v2;
	[tilespmem:s23+$0x2F30] =	vst v42  }
0x119: {  	v27 =	vmul.f32 v27, v16;
	v55 =	vld [tilespmem:s23+$0xE750];
	v58 =	vmul.f32 v52, v17;
	v1 =	vadd.f32 v49, v1;
	[tilespmem:s23+$0x2B50] =	vst v36  }
0x11a: {  	v56 =	vld [tilespmem:s23+$0xE740];
	v37 =	vadd.f32 v51, v37;
	[tilespmem:s23+$0x2B70] =	vst v2;
	v2 =	vmul.f32 v33, v16;
	v38 =	vmul.f32 v63, v17  }
0x11b: {  	v54 =	vld [tilespmem:s23+$0xE760];
	v31 =	vadd.f32 v58, v31;
	[tilespmem:s23+$0x2F00] =	vst v1;
	v1 =	vmul.f32 v34, v16;
	v39 =	vmul.f32 v62, v17  }
0x11c: {  	v26 =	vmul.f32 v26, v16;
	v41 =	vadd.f32 v59, v41;
	[tilespmem:s23+$0x2B60] =	vst v37;
	v59 =	vld [tilespmem:s23+$0xE720];
	v2 =	vadd.f32 v38, v2  }
0x11d: {  	v57 =	vld [tilespmem:s23+$0xE730];
	v42 =	vmul.f32 v50, v17;
	v43 =	vmul.f32 v60, v17;
	[tilespmem:s23+$0x2B00] =	vst v31;
	v1 =	vadd.f32 v39, v1  }
0x11e: {  	v60 =	vmul.f32 v53, v17;
	[tilespmem:s23+$0x2B20] =	vst v2;
	v2 =	vmul.f32 v28, v16;
	v28 =	vld [tilespmem:s23+$0xE700]  }
0x11f: {  	v32 =	vadd.f32 v42, v32;
	v37 =	vmul.f32 v56, v17;
	[tilespmem:s23+$0x2B30] =	vst v1;
	v1 =	vmul.f32 v29, v16;
	v29 =	vld [tilespmem:s23+$0xE710]  }
0x120: {  	v40 =	vadd.f32 v61, v40;
	v34 =	vmul.f32 v54, v17;
	v61 =	vld [tilespmem:s23+$0xE370];
	v30 =	vadd.f32 v60, v30;
	[tilespmem:s23+$0x2F20] =	vst v41  }
0x121: {  	v25 =	vmul.f32 v25, v16;
	v31 =	vld [tilespmem:s23+$0xE360];
	[tilespmem:s23+$0x2B10] =	vst v32;
	v27 =	vadd.f32 v37, v27;
	v63 =	vmul.f32 v59, v17  }
0x122: {  	v24 =	vmul.f32 v24, v16;
	v33 =	vmul.f32 v55, v17;
	[tilespmem:s23+$0x2770] =	vst v30;
	v30 =	vld [tilespmem:s23+$0x2350];
	v1 =	vadd.f32 v34, v1  }
0x123: {  	v23 =	vmul.f32 v23, v16;
	[tilespmem:s23+$0x2740] =	vst v27;
	v27 =	vld [tilespmem:s23+$0xF750];
	v25 =	vadd.f32 v63, v25;
	v28 =	vmul.f32 v28, v17  }
0x124: {  	v62 =	vmul.f32 v57, v17;
	v2 =	vadd.f32 v33, v2;
	[tilespmem:s23+$0x2760] =	vst v1;
	v1 =	vld [tilespmem:s23+$0xE350];
	v29 =	vmul.f32 v29, v17  }
0x125: {  	v21 =	vmul.f32 v21, v16;
	[tilespmem:s23+$0x2720] =	vst v25;
	v25 =	vld [tilespmem:s23+$0x3740];
	v23 =	vadd.f32 v28, v23  }
0x126: {  	v26 =	vadd.f32 v62, v26;
	[tilespmem:s23+$0x2750] =	vst v2;
	v2 =	vld [tilespmem:s23+$0xF740];
	v24 =	vadd.f32 v29, v24;
	v29 =	vmul.f32 v31, v17  }
0x127: {  	[tilespmem:s23+$0x2700] =	vst v23;
	v23 =	vld [tilespmem:s23+$0x3750]  }
0x128: {  	v35 =	vmul.f32 v35, v16;
	[tilespmem:s23+$0x2730] =	vst v26;
	v26 =	vld [tilespmem:s23+$0xF760];
	v21 =	vadd.f32 v29, v21  }
0x129: {  	v18 =	vmul.f32 v30, v16;
	[tilespmem:s23+$0x2710] =	vst v24;
	v24 =	vld [tilespmem:s23+$0xF770];
	v1 =	vmul.f32 v1, v17  }
0x12a: {  	v22 =	vmul.f32 v22, v16;
	v35 =	vadd.f32 v43, v35;
	v32 =	vmul.f32 v61, v17;
	[tilespmem:s23+$0x2360] =	vst v21;
	v21 =	vld [tilespmem:s23+$0x3770]  }
0x12b: {  	s25 =	simm.s32 $0x0;
	v15 =	vld [tilespmem:s23+$0xE300];
	[tilespmem:s23+$0x2F10] =	vst v40;
	v19 =	vmul.f32 v25, v16;
	v2 =	vmul.f32 v2, v17;
	v1 =	vadd.f32 v1, v18  }
0x12c: {  	s22 =	simm.s32 $0x80;
	s20 =	smul.u32 $0x1800, s25;
	[tilespmem:s23+$0x2B40] =	vst v35;
	v22 =	vadd.f32 v32, v22;
	v13 =	vmul.f32 v27, v17;
	v12 =	vmul.f32 v23, v16  }
0x12d: {  	s24 =	sand.u32 $0x380, s22;
	v2 =	vadd.f32 v2, v19;
	v18 =	vmul.f32 v26, v17;
	[tilespmem:s23+$0x2350] =	vst v1;
	v1 =	vmul.f32 v20, v16  }
0x12e: {  	s20 =	sor.u32 s24, s20;
	[tilespmem:s23+$0x2370] =	vst v22;
	v13 =	vadd.f32 v13, v12  }
0x12f: {  	v11 =	vld [tilespmem:s20+$0x2310];
	[tilespmem:s23+$0x3740] =	vst v2;
	v19 =	vmul.f32 v24, v17;
	v1 =	vadd.f32 v18, v1;
	v2 =	vmul.f32 v21, v16  }
0x130: {  	v15 =	vmul.f32 v15, v17;
	v12 =	vld [tilespmem:s20+$0xE310];
	v16 =	vmul.f32 v14, v16;
	[tilespmem:s23+$0x3750] =	vst v13  }
0x131: {  	[tilespmem:s23+$0x3760] =	vst v1;
	v2 =	vadd.f32 v19, v2;
	v14 =	vld [tilespmem:s20+$0x2320]  }
0x132: {  	v1 =	vadd.f32 v15, v16;
	v13 =	vld [tilespmem:s20+$0xE320]  }
0x133: {  	v16 =	vld [tilespmem:s20+$0x2330];
	[tilespmem:s23+$0x3770] =	vst v2  }
0x134: {  	v26 =	vld [tilespmem:s20+$0x2730];
	[tilespmem:s23+$0x2300] =	vst v1  }
0x135: {  	v15 =	vld [tilespmem:s20+$0xE330]  }
0x136: {  	v18 =	vld [tilespmem:s20+$0x2340]  }
0x137: {  	v17 =	vld [tilespmem:s20+$0xE340]  }
0x138: {  	v20 =	vld [tilespmem:s20+$0x2350]  }
0x139: {  	v19 =	vld [tilespmem:s20+$0xE350]  }
0x13a: {  	v21 =	vld [tilespmem:s20+$0x2360]  }
0x13b: {  	v22 =	vld [tilespmem:s20+$0x2370]  }
0x13c: {  	v23 =	vld [tilespmem:s20+$0x2700]  }
0x13d: {  	v24 =	vld [tilespmem:s20+$0x2710]  }
0x13e: {  	v25 =	vld [tilespmem:s20+$0x2720]  }
0x13f: {  	v27 =	vld [tilespmem:s20+$0x2740]  }
0x140: {  	v28 =	vld [tilespmem:s20+$0x2750]  }
0x141: {  	v29 =	vld [tilespmem:s20+$0x2760]  }
0x142: {  	v30 =	vld [tilespmem:s20+$0x2770]  }
0x143: {  	v31 =	vld [tilespmem:s20+$0x2B00]  }
0x144: {  	v32 =	vld [tilespmem:s20+$0x2B10]  }
0x145: {  	v33 =	vld [tilespmem:s20+$0x2B20]  }
0x146: {  	v34 =	vld [tilespmem:s20+$0x2B30]  }
0x147: {  	v35 =	vld [tilespmem:s20+$0x2B40]  }
0x148: {  	v36 =	vld [tilespmem:s20+$0x2B50]  }
0x149: {  	v37 =	vld [tilespmem:s20+$0x2B60]  }
0x14a: {  	v38 =	vld [tilespmem:s20+$0x2B70]  }
0x14b: {  	v40 =	vld [tilespmem:s20+$0x2F00]  }
0x14c: {  	v42 =	vld [tilespmem:s20+$0x2F10]  }
0x14d: {  	v43 =	vld [tilespmem:s20+$0x2F20]  }
0x14e: {  	v44 =	vld [tilespmem:s20+$0x2F30]  }
0x14f: {  	v45 =	vld [tilespmem:s20+$0x2F40]  }
0x150: {  	v46 =	vld [tilespmem:s20+$0x2F50]  }
0x151: {  	v47 =	vld [tilespmem:s20+$0x2F60]  }
0x152: {  	v48 =	vld [tilespmem:s20+$0x2F70]  }
0x153: {  	v49 =	vld [tilespmem:s20+$0x3300]  }
0x154: {  	v50 =	vld [tilespmem:s20+$0x3310]  }
0x155: {  	v51 =	vld [tilespmem:s20+$0x3320]  }
0x156: {  	v52 =	vld [tilespmem:s20+$0x3330]  }
0x157: {  	v53 =	vld [tilespmem:s20+$0x3340]  }
0x158: {  	v54 =	vld [tilespmem:s20+$0x3350]  }
0x159: {  	v55 =	vld [tilespmem:s20+$0x3360]  }
0x15a: {  	v56 =	vld [tilespmem:s20+$0x3700]  }
0x15b: {  	v58 =	vld [tilespmem:s20+$0x3710]  }
0x15c: {  	v57 =	vld [tilespmem:s20+$0xF710]  }
0x15d: {  	s23 =	simm.s32 $0x2;
	v59 =	vld [tilespmem:s20+$0xF730]  }
.LBB2_2:
0x15e: {  	p0 =	sne.s32 s23, $0x3F;
	v1 =	vld [tilespmem:s20+$0x3730]  }
0x15f: {  	s21 =	sadd.s32 $0x80, s21;
	v2 =	vld [tilespmem:s20+$0x3720]  }
0x160: {  	v41 =	vld [tilespmem:s21+$0xFFFFFFF0]  }
0x161: {  	v39 =	vld [tilespmem:s21+$0x0]  }
0x162: {  	v60 =	vld [tilespmem:s20+$0xF720]  }
0x163: {  	v61 =	vld [tilespmem:s20+$0xF700]  }
0x164: {  	v62 =	vld [tilespmem:s20+$0x3370]  }
0x165: {  	v63 =	vld [tilespmem:s20+$0xF370];
	v58 =	vmul.f32 v58, v41;
	v2 =	vmul.f32 v2, v41  }
0x166: {  	v1 =	vmul.f32 v1, v41;
	v3 =	vld [tilespmem:s20+$0xF360];
	v59 =	vmul.f32 v59, v39  }
0x167: {  	v57 =	vmul.f32 v57, v39;
	v4 =	vld [tilespmem:s20+$0xF350];
	v60 =	vmul.f32 v60, v39  }
0x168: {  	v56 =	vmul.f32 v56, v41;
	v5 =	vld [tilespmem:s20+$0xF340];
	v61 =	vmul.f32 v61, v39;
	v1 =	vadd.f32 v59, v1  }
0x169: {  	v57 =	vadd.f32 v57, v58;
	v59 =	vld [tilespmem:s20+$0xF330];
	v62 =	vmul.f32 v62, v41;
	v2 =	vadd.f32 v60, v2  }
0x16a: {  	v55 =	vmul.f32 v55, v41;
	v58 =	vld [tilespmem:s20+$0xF320];
	v60 =	vmul.f32 v63, v39;
	v56 =	vadd.f32 v61, v56;
	[tilespmem:s20+$0x3730] =	vst v1  }
0x16b: {  	v54 =	vmul.f32 v54, v41;
	v1 =	vld [tilespmem:s20+$0xF310];
	v3 =	vmul.f32 v3, v39;
	[tilespmem:s20+$0x3720] =	vst v2  }
0x16c: {  	v53 =	vmul.f32 v53, v41;
	v2 =	vld [tilespmem:s20+$0xF300];
	v4 =	vmul.f32 v4, v39;
	v60 =	vadd.f32 v60, v62;
	[tilespmem:s20+$0x3710] =	vst v57  }
0x16d: {  	v52 =	vmul.f32 v52, v41;
	v57 =	vld [tilespmem:s20+$0xEF70];
	v5 =	vmul.f32 v5, v39;
	v3 =	vadd.f32 v3, v55;
	[tilespmem:s20+$0x3700] =	vst v56  }
0x16e: {  	v51 =	vmul.f32 v51, v41;
	v55 =	vld [tilespmem:s20+$0xEF60];
	v56 =	vmul.f32 v59, v39;
	v4 =	vadd.f32 v4, v54;
	[tilespmem:s20+$0x3370] =	vst v60  }
0x16f: {  	v50 =	vmul.f32 v50, v41;
	v54 =	vld [tilespmem:s20+$0xEF50];
	v58 =	vmul.f32 v58, v39;
	v5 =	vadd.f32 v5, v53;
	[tilespmem:s20+$0x3360] =	vst v3  }
0x170: {  	v49 =	vmul.f32 v49, v41;
	v3 =	vld [tilespmem:s20+$0xEF40];
	v1 =	vmul.f32 v1, v39;
	v52 =	vadd.f32 v56, v52;
	[tilespmem:s20+$0x3350] =	vst v4  }
0x171: {  	v48 =	vmul.f32 v48, v41;
	v4 =	vld [tilespmem:s20+$0xEF30];
	v2 =	vmul.f32 v2, v39;
	v51 =	vadd.f32 v58, v51;
	[tilespmem:s20+$0x3340] =	vst v5  }
0x172: {  	v47 =	vmul.f32 v47, v41;
	v5 =	vld [tilespmem:s20+$0xEF20];
	v53 =	vmul.f32 v57, v39;
	v1 =	vadd.f32 v1, v50;
	[tilespmem:s20+$0x3330] =	vst v52  }
0x173: {  	v46 =	vmul.f32 v46, v41;
	v50 =	vld [tilespmem:s20+$0xEF10];
	v52 =	vmul.f32 v55, v39;
	v2 =	vadd.f32 v2, v49;
	[tilespmem:s20+$0x3320] =	vst v51  }
0x174: {  	v45 =	vmul.f32 v45, v41;
	v49 =	vld [tilespmem:s20+$0xEF00];
	v51 =	vmul.f32 v54, v39;
	v48 =	vadd.f32 v53, v48;
	[tilespmem:s20+$0x3310] =	vst v1  }
0x175: {  	v44 =	vmul.f32 v44, v41;
	v1 =	vld [tilespmem:s20+$0xEB70];
	v3 =	vmul.f32 v3, v39;
	v47 =	vadd.f32 v52, v47;
	[tilespmem:s20+$0x3300] =	vst v2  }
0x176: {  	v43 =	vmul.f32 v43, v41;
	v2 =	vld [tilespmem:s20+$0xEB60];
	v4 =	vmul.f32 v4, v39;
	v46 =	vadd.f32 v51, v46;
	[tilespmem:s20+$0x2F70] =	vst v48  }
0x177: {  	v42 =	vmul.f32 v42, v41;
	v48 =	vld [tilespmem:s20+$0xEB50];
	v5 =	vmul.f32 v5, v39;
	v3 =	vadd.f32 v3, v45;
	[tilespmem:s20+$0x2F60] =	vst v47  }
0x178: {  	v40 =	vmul.f32 v40, v41;
	v45 =	vld [tilespmem:s20+$0xEB40];
	v47 =	vmul.f32 v50, v39;
	v4 =	vadd.f32 v4, v44;
	[tilespmem:s20+$0x2F50] =	vst v46  }
0x179: {  	v38 =	vmul.f32 v38, v41;
	v44 =	vld [tilespmem:s20+$0xEB30];
	v46 =	vmul.f32 v49, v39;
	v5 =	vadd.f32 v5, v43;
	[tilespmem:s20+$0x2F40] =	vst v3  }
0x17a: {  	v37 =	vmul.f32 v37, v41;
	v3 =	vld [tilespmem:s20+$0xEB20];
	v1 =	vmul.f32 v1, v39;
	v42 =	vadd.f32 v47, v42;
	[tilespmem:s20+$0x2F30] =	vst v4  }
0x17b: {  	v36 =	vmul.f32 v36, v41;
	v4 =	vld [tilespmem:s20+$0xEB10];
	v2 =	vmul.f32 v2, v39;
	v40 =	vadd.f32 v46, v40;
	[tilespmem:s20+$0x2F20] =	vst v5  }
0x17c: {  	v35 =	vmul.f32 v35, v41;
	v5 =	vld [tilespmem:s20+$0xEB00];
	v43 =	vmul.f32 v48, v39;
	v1 =	vadd.f32 v1, v38;
	[tilespmem:s20+$0x2F10] =	vst v42  }
0x17d: {  	v34 =	vmul.f32 v34, v41;
	v38 =	vld [tilespmem:s20+$0xE770];
	v42 =	vmul.f32 v45, v39;
	v2 =	vadd.f32 v2, v37;
	[tilespmem:s20+$0x2F00] =	vst v40  }
0x17e: {  	v33 =	vmul.f32 v33, v41;
	v37 =	vld [tilespmem:s20+$0xE760];
	v40 =	vmul.f32 v44, v39;
	v36 =	vadd.f32 v43, v36;
	[tilespmem:s20+$0x2B70] =	vst v1  }
0x17f: {  	v32 =	vmul.f32 v32, v41;
	v1 =	vld [tilespmem:s20+$0xE750];
	v3 =	vmul.f32 v3, v39;
	v35 =	vadd.f32 v42, v35;
	[tilespmem:s20+$0x2B60] =	vst v2  }
0x180: {  	v31 =	vmul.f32 v31, v41;
	v2 =	vld [tilespmem:s20+$0xE740];
	v4 =	vmul.f32 v4, v39;
	v34 =	vadd.f32 v40, v34;
	[tilespmem:s20+$0x2B50] =	vst v36  }
0x181: {  	v30 =	vmul.f32 v30, v41;
	v36 =	vld [tilespmem:s20+$0xE730];
	v5 =	vmul.f32 v5, v39;
	v3 =	vadd.f32 v3, v33;
	[tilespmem:s20+$0x2B40] =	vst v35  }
0x182: {  	v29 =	vmul.f32 v29, v41;
	v33 =	vld [tilespmem:s20+$0xE720];
	v35 =	vmul.f32 v38, v39;
	v4 =	vadd.f32 v4, v32;
	[tilespmem:s20+$0x2B30] =	vst v34  }
0x183: {  	v28 =	vmul.f32 v28, v41;
	v32 =	vld [tilespmem:s20+$0xE710];
	v34 =	vmul.f32 v37, v39;
	v5 =	vadd.f32 v5, v31;
	[tilespmem:s20+$0x2B20] =	vst v3  }
0x184: {  	v27 =	vmul.f32 v27, v41;
	v3 =	vld [tilespmem:s20+$0xE700];
	v1 =	vmul.f32 v1, v39;
	v30 =	vadd.f32 v35, v30;
	[tilespmem:s20+$0x2B10] =	vst v4  }
0x185: {  	v26 =	vmul.f32 v26, v41;
	v4 =	vld [tilespmem:s20+$0xE370];
	v2 =	vmul.f32 v2, v39;
	v29 =	vadd.f32 v34, v29;
	[tilespmem:s20+$0x2B00] =	vst v5  }
0x186: {  	v25 =	vmul.f32 v25, v41;
	v5 =	vld [tilespmem:s20+$0xE360];
	v31 =	vmul.f32 v36, v39;
	v1 =	vadd.f32 v1, v28;
	[tilespmem:s20+$0x2770] =	vst v30  }
0x187: {  	v24 =	vmul.f32 v24, v41;
	v28 =	vmul.f32 v33, v39;
	v2 =	vadd.f32 v2, v27;
	[tilespmem:s20+$0x2760] =	vst v29;
	v27 =	vld [tilespmem:s20+$0xF740]  }
0x188: {  	v23 =	vmul.f32 v23, v41;
	v29 =	vmul.f32 v32, v39;
	v26 =	vadd.f32 v31, v26;
	[tilespmem:s20+$0x2750] =	vst v1;
	v1 =	vld [tilespmem:s20+$0xF750]  }
0x189: {  	v22 =	vmul.f32 v22, v41;
	v3 =	vmul.f32 v3, v39;
	v25 =	vadd.f32 v28, v25;
	[tilespmem:s20+$0x2740] =	vst v2;
	v2 =	vld [tilespmem:s20+$0xF760]  }
0x18a: {  	v21 =	vmul.f32 v21, v41;
	v4 =	vmul.f32 v4, v39;
	v24 =	vadd.f32 v29, v24;
	[tilespmem:s20+$0x2730] =	vst v26;
	v26 =	vld [tilespmem:s20+$0xF770]  }
0x18b: {  	v20 =	vmul.f32 v20, v41;
	v5 =	vmul.f32 v5, v39;
	v3 =	vadd.f32 v3, v23;
	[tilespmem:s20+$0x2720] =	vst v25;
	v23 =	vld [tilespmem:s20+$0x3740]  }
0x18c: {  	v18 =	vmul.f32 v18, v41;
	v19 =	vmul.f32 v19, v39;
	v4 =	vadd.f32 v4, v22;
	[tilespmem:s20+$0x2710] =	vst v24;
	v22 =	vld [tilespmem:s20+$0x3750]  }
0x18d: {  	v16 =	vmul.f32 v16, v41;
	v17 =	vmul.f32 v17, v39;
	v5 =	vadd.f32 v5, v21;
	[tilespmem:s20+$0x2700] =	vst v3;
	v3 =	vld [tilespmem:s20+$0x3760]  }
0x18e: {  	v14 =	vmul.f32 v14, v41;
	v15 =	vmul.f32 v15, v39;
	v19 =	vadd.f32 v19, v20;
	[tilespmem:s20+$0x2370] =	vst v4;
	v4 =	vld [tilespmem:s20+$0x3770]  }
0x18f: {  	v11 =	vmul.f32 v11, v41;
	v13 =	vmul.f32 v13, v39;
	v17 =	vadd.f32 v17, v18;
	v20 =	vld [tilespmem:s20+$0x2300];
	[tilespmem:s20+$0x2360] =	vst v5  }
0x190: {  	v12 =	vmul.f32 v12, v39;
	v15 =	vadd.f32 v15, v16;
	v5 =	vld [tilespmem:s20+$0xE300];
	[tilespmem:s20+$0x2350] =	vst v19;
	v16 =	vmul.f32 v23, v41  }
0x191: {  	s24 =	sshrl.u32 s23, $0x3;
	v13 =	vadd.f32 v13, v14;
	v14 =	vmul.f32 v27, v39;
	[tilespmem:s20+$0x2340] =	vst v17;
	v17 =	vmul.f32 v22, v41  }
0x192: {  	s22 =	sadd.s32 $0x80, s22;
	s24 =	smul.u32 $0x1800, s24;
	v11 =	vadd.f32 v12, v11;
	v1 =	vmul.f32 v1, v39;
	[tilespmem:s20+$0x2330] =	vst v15;
	v3 =	vmul.f32 v3, v41  }
0x193: {  	s25 =	sand.u32 $0x380, s22;
	v2 =	vmul.f32 v2, v39;
	v12 =	vadd.f32 v14, v16;
	[tilespmem:s20+$0x2320] =	vst v13;
	v4 =	vmul.f32 v4, v41  }
0x194: {  	s24 =	sor.u32 s25, s24;
	v14 =	vmul.f32 v26, v39;
	v1 =	vadd.f32 v1, v17;
	v13 =	vmul.f32 v20, v41;
	[tilespmem:s20+$0x2310] =	vst v11  }
0x195: {  	v2 =	vadd.f32 v2, v3;
	v11 =	vld [tilespmem:s24+$0x2310];
	v5 =	vmul.f32 v5, v39;
	[tilespmem:s20+$0x3740] =	vst v12  }
0x196: {  	v12 =	vld [tilespmem:s24+$0xE310];
	[tilespmem:s20+$0x3750] =	vst v1;
	v1 =	vadd.f32 v14, v4  }
0x197: {  	v14 =	vld [tilespmem:s24+$0x2320];
	v3 =	vadd.f32 v5, v13;
	[tilespmem:s20+$0x3760] =	vst v2  }
0x198: {  	v13 =	vld [tilespmem:s24+$0xE320];
	[tilespmem:s20+$0x3770] =	vst v1  }
0x199: {  	v16 =	vld [tilespmem:s24+$0x2330];
	[tilespmem:s20+$0x2300] =	vst v3;
	s20 =	smov.u32 s24  }
0x19a: {  	v15 =	vld [tilespmem:s20+$0xE330]  }
0x19b: {  	v18 =	vld [tilespmem:s20+$0x2340]  }
0x19c: {  	v17 =	vld [tilespmem:s20+$0xE340]  }
0x19d: {  	v20 =	vld [tilespmem:s20+$0x2350]  }
0x19e: {  	v19 =	vld [tilespmem:s20+$0xE350]  }
0x19f: {  	v21 =	vld [tilespmem:s20+$0x2360]  }
0x1a0: {  	v22 =	vld [tilespmem:s20+$0x2370]  }
0x1a1: {  	v23 =	vld [tilespmem:s20+$0x2700]  }
0x1a2: {  	v24 =	vld [tilespmem:s20+$0x2710]  }
0x1a3: {  	v25 =	vld [tilespmem:s20+$0x2720]  }
0x1a4: {  	v26 =	vld [tilespmem:s20+$0x2730]  }
0x1a5: {  	v27 =	vld [tilespmem:s20+$0x2740]  }
0x1a6: {  	v28 =	vld [tilespmem:s20+$0x2750]  }
0x1a7: {  	v29 =	vld [tilespmem:s20+$0x2760]  }
0x1a8: {  	v30 =	vld [tilespmem:s20+$0x2770]  }
0x1a9: {  	v31 =	vld [tilespmem:s20+$0x2B00]  }
0x1aa: {  	v32 =	vld [tilespmem:s20+$0x2B10]  }
0x1ab: {  	v33 =	vld [tilespmem:s20+$0x2B20]  }
0x1ac: {  	v34 =	vld [tilespmem:s20+$0x2B30]  }
0x1ad: {  	v35 =	vld [tilespmem:s20+$0x2B40]  }
0x1ae: {  	v36 =	vld [tilespmem:s20+$0x2B50]  }
0x1af: {  	v37 =	vld [tilespmem:s20+$0x2B60]  }
0x1b0: {  	v38 =	vld [tilespmem:s20+$0x2B70]  }
0x1b1: {  	v40 =	vld [tilespmem:s20+$0x2F00]  }
0x1b2: {  	v42 =	vld [tilespmem:s20+$0x2F10]  }
0x1b3: {  	v43 =	vld [tilespmem:s20+$0x2F20]  }
0x1b4: {  	v44 =	vld [tilespmem:s20+$0x2F30]  }
0x1b5: {  	v45 =	vld [tilespmem:s20+$0x2F40]  }
0x1b6: {  	v46 =	vld [tilespmem:s20+$0x2F50]  }
0x1b7: {  	v47 =	vld [tilespmem:s20+$0x2F60]  }
0x1b8: {  	v48 =	vld [tilespmem:s20+$0x2F70]  }
0x1b9: {  	v49 =	vld [tilespmem:s20+$0x3300]  }
0x1ba: {  	v50 =	vld [tilespmem:s20+$0x3310]  }
0x1bb: {  	v51 =	vld [tilespmem:s20+$0x3320]  }
0x1bc: {  	v52 =	vld [tilespmem:s20+$0x3330]  }
0x1bd: {  	v53 =	vld [tilespmem:s20+$0x3340]  }
0x1be: {  	v54 =	vld [tilespmem:s20+$0x3350]  }
.Ltmp0:
0x1bf: {  	v55 =	vld [tilespmem:s20+$0x3360];
	(pc) =	sbr.rel @p0 .LBB2_2-.Ltmp0, $4  }
0x1c0: {  	v56 =	vld [tilespmem:s20+$0x3700]  }
0x1c1: {  	v58 =	vld [tilespmem:s20+$0x3710]  }
0x1c2: {  	v57 =	vld [tilespmem:s20+$0xF710]  }
0x1c3: {  	s23 =	sadd.s32 $0x1, s23;
	v59 =	vld [tilespmem:s20+$0xF730]  }
0x1c4: {  	v1 =	vld [tilespmem:s20+$0x3730]  }
0x1c5: {  	v2 =	vld [tilespmem:s20+$0x3720]  }
0x1c6: {  	s21 =	sadd.s32 $0x80, s21;
	v3 =	vld [tilespmem:s20+$0xF720]  }
0x1c7: {  	v39 =	vld [tilespmem:s21+$0xFFFFFFF0]  }
0x1c8: {  	v41 =	vld [tilespmem:s21+$0x0]  }
0x1c9: {  	v4 =	vld [tilespmem:s20+$0xF700]  }
0x1ca: {  	v5 =	vld [tilespmem:s20+$0x3370]  }
0x1cb: {  	v60 =	vld [tilespmem:s20+$0xF370]  }
0x1cc: {  	v61 =	vld [tilespmem:s20+$0xF360]  }
0x1cd: {  	v62 =	vld [tilespmem:s20+$0xF350];
	v1 =	vmul.f32 v1, v39;
	v59 =	vmul.f32 v59, v41  }
0x1ce: {  	v2 =	vmul.f32 v2, v39;
	v3 =	vmul.f32 v3, v41  }
0x1cf: {  	v56 =	vmul.f32 v56, v39;
	v4 =	vmul.f32 v4, v41  }
0x1d0: {  	v63 =	vld [tilespmem:s20+$0xF340];
	v5 =	vmul.f32 v5, v39;
	v60 =	vmul.f32 v60, v41;
	v1 =	vadd.f32 v59, v1  }
0x1d1: {  	v6 =	vld [tilespmem:s20+$0xF320];
	v55 =	vmul.f32 v55, v39;
	v61 =	vmul.f32 v61, v41;
	v2 =	vadd.f32 v3, v2  }
0x1d2: {  	v54 =	vmul.f32 v54, v39;
	v62 =	vmul.f32 v62, v41;
	v59 =	vld [tilespmem:s20+$0xF330];
	v4 =	vadd.f32 v4, v56;
	[tilespmem:s20+$0x3730] =	vst v1  }
0x1d3: {  	v57 =	vmul.f32 v57, v41;
	v5 =	vadd.f32 v60, v5;
	v60 =	vld [tilespmem:s20+$0xEF40];
	[tilespmem:s20+$0x3720] =	vst v2  }
0x1d4: {  	v3 =	vmul.f32 v58, v39;
	v55 =	vadd.f32 v61, v55;
	v54 =	vadd.f32 v62, v54;
	v62 =	vld [tilespmem:s20+$0xEF30];
	[tilespmem:s20+$0x3700] =	vst v4  }
0x1d5: {  	v53 =	vmul.f32 v53, v39;
	v63 =	vmul.f32 v63, v41;
	v1 =	vld [tilespmem:s20+$0xF310];
	[tilespmem:s20+$0x3370] =	vst v5  }
0x1d6: {  	v51 =	vmul.f32 v51, v39;
	v6 =	vmul.f32 v6, v41;
	v3 =	vadd.f32 v57, v3;
	v4 =	vld [tilespmem:s20+$0xEF60];
	[tilespmem:s20+$0x3360] =	vst v55  }
0x1d7: {  	v20 =	vmul.f32 v20, v39;
	v19 =	vmul.f32 v19, v41;
	v53 =	vadd.f32 v63, v53;
	v5 =	vld [tilespmem:s20+$0xEF50];
	[tilespmem:s20+$0x3350] =	vst v54  }
0x1d8: {  	v16 =	vmul.f32 v16, v39;
	v15 =	vmul.f32 v15, v41;
	v6 =	vadd.f32 v6, v51;
	[tilespmem:s20+$0x3710] =	vst v3;
	v3 =	vld [tilespmem:s20+$0xEF70]  }
0x1d9: {  	v14 =	vmul.f32 v14, v39;
	v13 =	vmul.f32 v13, v41;
	v63 =	vld [tilespmem:s20+$0xEF20];
	v19 =	vadd.f32 v19, v20;
	[tilespmem:s20+$0x3340] =	vst v53  }
0x1da: {  	v50 =	vmul.f32 v50, v39;
	v15 =	vadd.f32 v15, v16;
	v2 =	vld [tilespmem:s20+$0xF300];
	[tilespmem:s20+$0x3320] =	vst v6;
	v1 =	vmul.f32 v1, v41  }
0x1db: {  	v47 =	vmul.f32 v47, v39;
	v56 =	vld [tilespmem:s20+$0xEF10];
	v13 =	vadd.f32 v13, v14;
	[tilespmem:s20+$0x2350] =	vst v19;
	v4 =	vmul.f32 v4, v41  }
0x1dc: {  	v46 =	vmul.f32 v46, v39;
	v6 =	vld [tilespmem:s20+$0xEF00];
	[tilespmem:s20+$0x2330] =	vst v15;
	v5 =	vmul.f32 v5, v41;
	v1 =	vadd.f32 v1, v50  }
0x1dd: {  	v48 =	vmul.f32 v48, v39;
	v53 =	vld [tilespmem:s20+$0xE360];
	[tilespmem:s20+$0x2320] =	vst v13;
	v3 =	vmul.f32 v3, v41;
	v4 =	vadd.f32 v4, v47  }
0x1de: {  	v52 =	vmul.f32 v52, v39;
	v61 =	vmul.f32 v59, v41;
	v5 =	vadd.f32 v5, v46;
	[tilespmem:s20+$0x3310] =	vst v1;
	v1 =	vld [tilespmem:s20+$0xEB70]  }
0x1df: {  	v49 =	vmul.f32 v49, v39;
	v2 =	vmul.f32 v2, v41;
	v3 =	vadd.f32 v3, v48;
	[tilespmem:s20+$0x2F60] =	vst v4;
	v4 =	vld [tilespmem:s20+$0xEB40]  }
0x1e0: {  	v45 =	vmul.f32 v45, v39;
	v57 =	vmul.f32 v60, v41;
	v52 =	vadd.f32 v61, v52;
	[tilespmem:s20+$0x2F50] =	vst v5;
	v5 =	vld [tilespmem:s20+$0xEB30]  }
0x1e1: {  	v44 =	vmul.f32 v44, v39;
	v58 =	vmul.f32 v62, v41;
	v2 =	vadd.f32 v2, v49;
	[tilespmem:s20+$0x2F70] =	vst v3;
	v3 =	vld [tilespmem:s20+$0xEB50]  }
0x1e2: {  	v43 =	vmul.f32 v43, v39;
	v55 =	vld [tilespmem:s20+$0xF770];
	v59 =	vmul.f32 v63, v41;
	v45 =	vadd.f32 v57, v45;
	[tilespmem:s20+$0x3330] =	vst v52  }
0x1e3: {  	v38 =	vmul.f32 v38, v39;
	v44 =	vadd.f32 v58, v44;
	[tilespmem:s20+$0x3300] =	vst v2;
	v2 =	vld [tilespmem:s20+$0xEB60];
	v1 =	vmul.f32 v1, v41  }
0x1e4: {  	v35 =	vmul.f32 v35, v39;
	v60 =	vld [tilespmem:s20+$0xEB20];
	v43 =	vadd.f32 v59, v43;
	[tilespmem:s20+$0x2F40] =	vst v45;
	v4 =	vmul.f32 v4, v41  }
0x1e5: {  	v34 =	vmul.f32 v34, v39;
	v62 =	vld [tilespmem:s20+$0xEB10];
	[tilespmem:s20+$0x2F30] =	vst v44;
	v5 =	vmul.f32 v5, v41;
	v1 =	vadd.f32 v1, v38  }
0x1e6: {  	v36 =	vmul.f32 v36, v39;
	v63 =	vld [tilespmem:s20+$0xEB00];
	[tilespmem:s20+$0x2F20] =	vst v43;
	v3 =	vmul.f32 v3, v41;
	v4 =	vadd.f32 v4, v35  }
0x1e7: {  	v40 =	vmul.f32 v40, v39;
	v6 =	vmul.f32 v6, v41;
	v5 =	vadd.f32 v5, v34;
	[tilespmem:s20+$0x2B70] =	vst v1;
	v1 =	vld [tilespmem:s20+$0xE750]  }
0x1e8: {  	v37 =	vmul.f32 v37, v39;
	v2 =	vmul.f32 v2, v41;
	v3 =	vadd.f32 v3, v36;
	[tilespmem:s20+$0x2B40] =	vst v4;
	v4 =	vld [tilespmem:s20+$0xE720]  }
0x1e9: {  	v42 =	vmul.f32 v42, v39;
	v61 =	vmul.f32 v56, v41;
	v6 =	vadd.f32 v6, v40;
	[tilespmem:s20+$0x2B30] =	vst v5;
	v5 =	vld [tilespmem:s20+$0xE710]  }
0x1ea: {  	v21 =	vmul.f32 v21, v39;
	v58 =	vmul.f32 v53, v41;
	v2 =	vadd.f32 v2, v37;
	[tilespmem:s20+$0x2B50] =	vst v3;
	v3 =	vld [tilespmem:s20+$0xE730]  }
0x1eb: {  	v33 =	vmul.f32 v33, v39;
	v42 =	vadd.f32 v61, v42;
	v47 =	vmul.f32 v60, v41;
	[tilespmem:s20+$0x2F00] =	vst v6;
	v6 =	vld [tilespmem:s20+$0xE760]  }
0x1ec: {  	v28 =	vmul.f32 v28, v39;
	v21 =	vadd.f32 v58, v21;
	[tilespmem:s20+$0x2B60] =	vst v2;
	v2 =	vld [tilespmem:s20+$0xE740];
	v1 =	vmul.f32 v1, v41  }
0x1ed: {  	v25 =	vmul.f32 v25, v39;
	v52 =	vld [tilespmem:s20+$0xE370];
	[tilespmem:s20+$0x2F10] =	vst v42;
	v33 =	vadd.f32 v47, v33;
	v4 =	vmul.f32 v4, v41  }
0x1ee: {  	v24 =	vmul.f32 v24, v39;
	v50 =	vld [tilespmem:s20+$0xE700];
	[tilespmem:s20+$0x2360] =	vst v21;
	v5 =	vmul.f32 v5, v41;
	v1 =	vadd.f32 v1, v28  }
0x1ef: {  	v26 =	vmul.f32 v26, v39;
	v57 =	vld [tilespmem:s20+$0x3740];
	[tilespmem:s20+$0x2B20] =	vst v33;
	v3 =	vmul.f32 v3, v41;
	v4 =	vadd.f32 v4, v25  }
0x1f0: {  	v29 =	vmul.f32 v29, v39;
	v59 =	vld [tilespmem:s20+$0x3770];
	v6 =	vmul.f32 v6, v41;
	v5 =	vadd.f32 v5, v24;
	[tilespmem:s20+$0x2750] =	vst v1  }
0x1f1: {  	v27 =	vmul.f32 v27, v39;
	v46 =	vld [tilespmem:s20+$0xE770];
	v2 =	vmul.f32 v2, v41;
	v3 =	vadd.f32 v3, v26;
	[tilespmem:s20+$0x2720] =	vst v4  }
0x1f2: {  	v56 =	vmul.f32 v52, v41;
	v6 =	vadd.f32 v6, v29;
	v1 =	vld [tilespmem:s20+$0xF750];
	v4 =	vmul.f32 v22, v39;
	[tilespmem:s20+$0x2710] =	vst v5  }
0x1f3: {  	v54 =	vmul.f32 v50, v41;
	v2 =	vadd.f32 v2, v27;
	v5 =	vld [tilespmem:s20+$0x3750];
	[tilespmem:s20+$0x2730] =	vst v3;
	v3 =	vmul.f32 v23, v39  }
0x1f4: {  	v31 =	vmul.f32 v31, v39;
	v61 =	vld [tilespmem:s20+$0x2300];
	v49 =	vmul.f32 v63, v41;
	[tilespmem:s20+$0x2760] =	vst v6;
	v4 =	vadd.f32 v56, v4  }
0x1f5: {  	v32 =	vmul.f32 v32, v39;
	v48 =	vmul.f32 v62, v41;
	v6 =	vld [tilespmem:s20+$0xF740];
	[tilespmem:s20+$0x2740] =	vst v2;
	v3 =	vadd.f32 v54, v3  }
0x1f6: {  	v17 =	vmul.f32 v17, v41;
	v31 =	vadd.f32 v49, v31;
	v2 =	vld [tilespmem:s20+$0xF760];
	[tilespmem:s20+$0x2370] =	vst v4;
	v4 =	vmul.f32 v18, v39  }
0x1f7: {  	v30 =	vmul.f32 v30, v39;
	v32 =	vadd.f32 v48, v32;
	v51 =	vmul.f32 v46, v41;
	[tilespmem:s20+$0x2700] =	vst v3;
	v3 =	vld [tilespmem:s20+$0x3760]  }
0x1f8: {  	v60 =	vld [tilespmem:s20+$0xE300];
	[tilespmem:s20+$0x2B00] =	vst v31;
	v5 =	vmul.f32 v5, v39;
	v1 =	vmul.f32 v1, v41;
	v4 =	vadd.f32 v17, v4  }
0x1f9: {  	v11 =	vmul.f32 v11, v39;
	v12 =	vmul.f32 v12, v41;
	[tilespmem:s20+$0x2B10] =	vst v32;
	v30 =	vadd.f32 v51, v30  }
0x1fa: {  	v62 =	vmul.f32 v57, v39;
	v1 =	vadd.f32 v1, v5;
	[tilespmem:s20+$0x2340] =	vst v4;
	v4 =	vmul.f32 v6, v41  }
0x1fb: {  	[tilespmem:s20+$0x2770] =	vst v30;
	v5 =	vmul.f32 v55, v41;
	v6 =	vadd.f32 v12, v11;
	v11 =	vmul.f32 v59, v39  }
0x1fc: {  	v2 =	vmul.f32 v2, v41;
	[tilespmem:s20+$0x3750] =	vst v1;
	v4 =	vadd.f32 v4, v62;
	v3 =	vmul.f32 v3, v39  }
0x1fd: {  	v63 =	vmul.f32 v60, v41;
	[tilespmem:s20+$0x2310] =	vst v6;
	v6 =	vmul.f32 v61, v39;
	v1 =	vadd.f32 v5, v11  }
0x1fe: {  	[tilespmem:s20+$0x3740] =	vst v4;
	v2 =	vadd.f32 v2, v3  }
0x1ff: {  	s19 =	sadd.s32 $0x1, s19;
	[tilespmem:s20+$0x3770] =	vst v1;
	v3 =	vadd.f32 v63, v6  }
0x200: {  	p0 =	sne.s32 s19, s9;
	[tilespmem:s20+$0x3760] =	vst v2  }
.Ltmp1:
0x201: {  	[tilespmem:s20+$0x2300] =	vst v3;
	(pc) =	sbr.rel @p0 .LBB2_1-.Ltmp1, $4  }
0x202: {  	[hbm4b:s8+s2] =	stream.linear.scatter [tilespmem:s11], [sflag:$0x2], $0xC000, $0x38;
	[tilespmem:$0x1A300] =	vst v63  }
0x203: {  	_ =	swait.ge [sflag:s10], $0xC000  }
0x204: {  	[sflag:s10] =	ssyncset.done $0x0  }
0x205: {  	[sflag:s10] =	ssyncadd.s32 $0xFFFF4000  }
0x206: {  	_ =	sfence.sel $0x180000  }
0x207: {  	[bflag:$0x0] =	sbarrier.arrive $0xFFFF  }
0x208: {  	_ =	strace $0x9000004A  }
0x209: {  	s0 =	stileid.u32;
	[bflag:$0x2] =	sbarrier.arrive $0xFFFF  }
0x20a: {  	p0 =	sne.s32 s0, $0x0;
	s0 =	rddreg [dreg:$0x2]  }
0x20b: {  	s0 =	sadd.s32 @!p0 $0x100000, s0  }
0x20c: {  	[sflag:s0] =	ssyncadd.tile.s32 @!p0 $0x1;
	_ =	shalt  }
.Lfunc_end2:
_tile_overlayer_lowered:
.L_overlay_start_2:
0x20d: {  	(tag) =	ssettag $0x2  }
0x20e: {  	s0 =	rddreg [dreg:$0x0];
	s2 =	stileid.u32  }
0x20f: {  	s1 =	rddreg [dreg:$0x1];
	p0 =	sne.s32 s2, $0x0  }
0x210: {  	s3 =	rddreg [dreg:$0x2];
	[bflag:$0x3] =	sbarrier.arrive $0xFFFF;
	s2 =	simm.s32 @!p0 $0x1C02  }
0x211: {  	[timem:s3], [sflag:s2] =	dma.local @!p0 [hbm:s0], s1  }
0x212: {  	s0 =	simm.s32 @!p0 $0x2  }
0x213: {  	_ =	swait.ge @!p0 [sflag:s0], s1  }
0x214: {  	s1 =	ssub.s32 @!p0 $0x0, s1;
	[sflag:s0] =	ssyncset.done @!p0 $0x0  }
0x215: {  	[sflag:s0] =	ssyncadd.s32 @!p0 s1  }
0x216: {  	[bflag:$0x3] =	sbarrier.arrive $0xFFFF  }
0x217: {  	_ =	shalt  }

</sc_bundles>
